<compile_context>
chip_gen: v7x
topology: tpu7x:2x2x1
jax: 0.10.2.dev20260603
libtpu: 0.0.44.dev20260713+nightly
codegen_flags: <defaults>
</compile_context>

<pallas_src>
import functools

import jax
import jax.numpy as jnp
from jax import lax
from jax.experimental import pallas as pl
from jax.experimental.pallas import tpu as pltpu
from jax.experimental.pallas import tpu_sc as plsc

VOCAB = 100000
EMB = 128
ANS_EMB = 16
OUT_D = EMB + ANS_EMB
B = 1024
L = 200
N = B * L

BW = 128
UNITS = N // BW
NBUF = 2
OCT = 8


@functools.lru_cache(maxsize=None)
def _build():
    info = plsc.get_sparse_core_info()
    nc, ns = info.num_cores, info.num_subcores
    nw = nc * ns
    per_w = UNITS // nw
    assert UNITS % nw == 0 and per_w % NBUF == 0

    mesh = plsc.VectorSubcoreMesh(core_axis_name="c", subcore_axis_name="s")

    @functools.partial(
        pl.kernel,
        mesh=mesh,
        out_type=jax.ShapeDtypeStruct((L, OUT_D, B), jnp.float32),
        compiler_params=pltpu.CompilerParams(needs_layout_passes=False),
        scratch_types=[
            pltpu.VMEM((2 * OCT, B), jnp.int32),
            pltpu.VMEM((2 * OCT, B), jnp.int32),
            pltpu.VMEM((3, BW, EMB), jnp.float32),
            pltpu.VMEM((NBUF, EMB, BW), jnp.float32),
            pltpu.VMEM((NBUF, ANS_EMB, BW), jnp.float32),
            pltpu.VMEM((64,), jnp.float32),
            pltpu.SemaphoreType.DMA((3,)),
            pltpu.SemaphoreType.DMA,
            pltpu.SemaphoreType.DMA((NBUF,)),
        ],
    )
    def emb_kernel(wid_hbm, aid_hbm, word_hbm, ansflat_hbm, out_hbm,
                   widx, aidx, wrows, wcols, acols, anstab, gsem, isem, osem):
        w = lax.axis_index("s") * nc + lax.axis_index("c")
        u0 = w * per_w
        lo8 = pl.multiple_of(
            jnp.bitwise_and(lax.shift_right_logical(u0, 3), ~(OCT - 1)), OCT)
        o2 = pl.multiple_of(jnp.minimum(lo8 + OCT, L - OCT), OCT)
        cps = [pltpu.make_async_copy(src.at[pl.ds(row, OCT)],
                                     dst.at[pl.ds(sl * OCT, OCT)], isem)
               for src, dst in ((wid_hbm, widx), (aid_hbm, aidx))
               for sl, row in ((0, lo8), (1, o2))]
        for cp in cps:
            cp.start()
        pltpu.sync_copy(ansflat_hbm, anstab)
        for cp in cps:
            cp.wait()
        lane = lax.iota(jnp.int32, 16)
        ms = [jnp.bitwise_and(lane + k, 15) for k in range(16)]

        def id_loc(i):
            u = u0 + i
            l = lax.shift_right_logical(u, 3)
            b0 = jnp.bitwise_and(u, 7) * BW
            row = jnp.where(l < lo8 + OCT, l - lo8, l - o2 + OCT)
            return l, row, b0

        def fetch(i, b):
            _, row, b0 = id_loc(i)
            pltpu.make_async_copy(
                word_hbm.at[widx.at[row, pl.ds(b0, BW)]],
                wrows.at[b], gsem.at[b]).start()

        def process(i, bg, b):
            l, row, b0 = id_loc(i)
            pltpu.make_async_copy(
                word_hbm.at[widx.at[row, pl.ds(b0, BW)]],
                wrows.at[bg], gsem.at[bg]).wait()

            @plsc.parallel_loop(0, 64, unroll=4)
            def tr_body(blk):
                bi = jnp.bitwise_and(blk, 7) * 16
                ci = lax.shift_right_logical(blk, 3) * 16
                r = lane + bi
                for k in range(16):
                    mc = ms[k] + ci
                    vals = plsc.load_gather(wrows.at[bg], [r, mc])
                    plsc.store_scatter(wcols.at[b], [mc, r], vals)

            @plsc.parallel_loop(0, 8, unroll=2)
            def ans_body(g):
                g16 = g * 16
                t16 = aidx[row, pl.ds(b0 + g16, 16)] * 16
                for ca in range(ANS_EMB):
                    vals = plsc.load_gather(anstab, [t16 + ca])
                    acols[b, ca, pl.ds(g16, 16)] = vals

            pltpu.make_async_copy(
                wcols.at[b], out_hbm.at[l, pl.ds(0, EMB), pl.ds(b0, BW)],
                osem.at[b]).start()
            pltpu.make_async_copy(
                acols.at[b], out_hbm.at[l, pl.ds(EMB, ANS_EMB), pl.ds(b0, BW)],
                osem.at[b]).start()

        def drain(i, b):
            l, _, b0 = id_loc(i)
            pltpu.make_async_copy(
                wcols.at[b], out_hbm.at[l, pl.ds(0, EMB), pl.ds(b0, BW)],
                osem.at[b]).wait()
            pltpu.make_async_copy(
                acols.at[b], out_hbm.at[l, pl.ds(EMB, ANS_EMB), pl.ds(b0, BW)],
                osem.at[b]).wait()

        fetch(0, 0)
        fetch(1, 1)

        def unit_body(i, carry):
            m_i, m_n = carry
            bw = jnp.bitwise_and(i, 1)
            @pl.when(i + 2 < per_w)
            def _():
                fetch(i + 2, m_n)
            @pl.when(i - 2 >= 0)
            def _():
                drain(i - 2, bw)
            process(i, m_i, bw)
            m_i2 = jnp.where(m_i == 2, 0, m_i + 1)
            m_n2 = jnp.where(m_n == 2, 0, m_n + 1)
            return (m_i2, m_n2)

        lax.fori_loop(0, per_w, unit_body,
                      (jnp.int32(0), jnp.int32(2)))
        drain(per_w - 2, 0)
        drain(per_w - 1, 1)

    return emb_kernel


def kernel(input_ids, answer_tag_ids, word_table, answer_table):
    wid = input_ids.T.astype(jnp.int32)
    aid = answer_tag_ids.T.astype(jnp.int32)
    ansflat = answer_table.reshape(64)
    outp = _build()(wid, aid, word_table, ansflat)
    return outp.transpose(2, 0, 1)

# --- scband reference (transcript-rebuilt; emitter-appended) ---
"""Pipeline reference for scband-embeddings-14199161880696 (READ-ONLY COPY).

The authoritative reference and input builder live on the scoring server;
editing this copy changes nothing except your own understanding.
"""

import jax, jax.numpy as jnp
import numpy as np

VOCAB = 100000
EMB = 128
PAD_ID = 0
ANS_VOCAB = 4
ANS_EMB = 16
B = 1024
L = 200


def setup_inputs(seed: int = 0) -> dict:
    key = jax.random.key(seed)
    k1, k2, k3, k4 = jax.random.split(key, 4)
    input_ids = jax.random.randint(k1, (B, L), 0, VOCAB, dtype=jnp.int64 if jax.config.jax_enable_x64 else jnp.int32)
    answer_tag_ids = jax.random.randint(k2, (B, L), 0, ANS_VOCAB, dtype=jnp.int64 if jax.config.jax_enable_x64 else jnp.int32)
    word_table = jax.random.normal(k3, (VOCAB, EMB), dtype=jnp.float32)
    # emulate torch padding_idx: pad row is zeros
    word_table = word_table.at[PAD_ID].set(0.0)
    answer_table = jax.random.normal(k4, (ANS_VOCAB, ANS_EMB), dtype=jnp.float32)
    return {
        "input_ids": input_ids,
        "answer_tag_ids": answer_tag_ids,
        "word_table": word_table,
        "answer_table": answer_table,
    }


def reference(input_ids, answer_tag_ids, word_table, answer_table):
    # word embedding lookup (gather)
    embeddings = jnp.take(word_table, input_ids, axis=0)  # [B, L, EMB]
    # feature_tag_ids_dict is None in this configuration -> skipped (matches torch default)
    answer_tag_embeddings = jnp.take(answer_table, answer_tag_ids, axis=0)  # [B, L, ANS_EMB]
    embeddings = jnp.concatenate([embeddings, answer_tag_embeddings], axis=2)  # [B, L, EMB+ANS_EMB]
    return embeddings

if __name__ == "__main__":
    import jax
    _d = setup_inputs()
    print(jax.jit(kernel)(*tuple(_d.values())))

</pallas_src>

<mosaic_0001>
#map = affine_map<(d0, d1) -> (0, 0)>
#map1 = affine_map<(d0, d1) -> (0)>
#map2 = affine_map<(d0, d1) -> (0, 0, 0)>
module attributes {stable_mosaic.version = 14 : i64} {
  func.func @emb_kernel(%arg0: i32, %arg1: i32, %arg2: memref<200x1024xi32, #tpu.memory_space<hbm>>, %arg3: memref<200x1024xi32, #tpu.memory_space<hbm>>, %arg4: memref<100000x128xf32, #tpu.memory_space<hbm>>, %arg5: memref<64xf32, #tpu.memory_space<hbm>>, %arg6: memref<200x144x1024xf32, #tpu.memory_space<hbm>>, %arg7: memref<16x1024xi32, #tpu.memory_space<vmem>>, %arg8: memref<16x1024xi32, #tpu.memory_space<vmem>>, %arg9: memref<3x128x128xf32, #tpu.memory_space<vmem>>, %arg10: memref<2x128x128xf32, #tpu.memory_space<vmem>>, %arg11: memref<2x16x128xf32, #tpu.memory_space<vmem>>, %arg12: memref<64xf32, #tpu.memory_space<vmem>>, %arg13: memref<3x!tpu.dma_semaphore, #tpu.memory_space<semaphore_mem>>, %arg14: memref<!tpu.dma_semaphore, #tpu.memory_space<semaphore_mem>>, %arg15: memref<2x!tpu.dma_semaphore, #tpu.memory_space<semaphore_mem>>) attributes {dimension_semantics = [#tpu.dimension_semantics<core_parallel>, #tpu.dimension_semantics<subcore_parallel>], iteration_bounds = array<i64: 2, 16>, scalar_prefetch = 0 : i64, scratch_operands = 9 : i64, tpu.core_type = #tpu.core_type<sc_vector_subcore>, window_params = [{transform_indices = #map}, {transform_indices = #map}, {transform_indices = #map}, {transform_indices = #map1}, {transform_indices = #map2}]} {
    %mul3A = arith.constant 2 : i32
    %mul3A_0 = arith.muli %arg1, %mul3A : i32
    %add3A = arith.addi %mul3A_0, %arg0 : i32
    %mul3A_1 = arith.constant 50 : i32
    %mul3A_2 = arith.muli %add3A, %mul3A_1 : i32
    %shift_right_logical3A = arith.constant 3 : i32
    %shift_right_logical3A_3 = arith.shrui %mul3A_2, %shift_right_logical3A : i32
    %and3A = arith.constant -8 : i32
    %and3A_4 = arith.andi %shift_right_logical3A_3, %and3A : i32
    %multiple_of3A = tpu.assume_multiple %and3A_4, 8 : i32
    %add3A_5 = arith.constant 8 : i32
    %add3A_6 = arith.addi %multiple_of3A, %add3A_5 : i32
    %min3A = arith.constant 192 : i32
    %min3A_7 = arith.minsi %add3A_6, %min3A : i32
    %multiple_of3A_8 = tpu.assume_multiple %min3A_7, 8 : i32
    %dma_start3A = arith.constant 0 : i32
    %dma_start3A_9 = arith.constant 0 : i32
    %dma_start3A_10 = tpu.memref_slice %arg7[%dma_start3A, %dma_start3A_9] : memref<16x1024xi32, #tpu.memory_space<vmem>> -> memref<8x1024xi32, #tpu.memory_space<vmem>>
    %dma_start3A_11 = arith.constant 0 : i32
    %dma_start3A_12 = tpu.memref_slice %arg2[%multiple_of3A, %dma_start3A_11] : memref<200x1024xi32, #tpu.memory_space<hbm>> -> memref<8x1024xi32, #tpu.memory_space<hbm>>
    %dma_start3A_13 = arith.constant 0 : i32
    %dma_start3A_14 = arith.constant 0 : i32
    %dma_start3A_15 = tpu.memref_slice %arg7[%dma_start3A_13, %dma_start3A_14] : memref<16x1024xi32, #tpu.memory_space<vmem>> -> memref<8x1024xi32, #tpu.memory_space<vmem>>
    %dma_start3A_16 = arith.constant 0 : i32
    %dma_start3A_17 = tpu.memref_slice %arg2[%multiple_of3A, %dma_start3A_16] : memref<200x1024xi32, #tpu.memory_space<hbm>> -> memref<8x1024xi32, #tpu.memory_space<hbm>>
    tpu.enqueue_dma source(%dma_start3A_17 : memref<8x1024xi32, #tpu.memory_space<hbm>>) target(%dma_start3A_15 : memref<8x1024xi32, #tpu.memory_space<vmem>>) target_semaphore(%arg14 : memref<!tpu.dma_semaphore, #tpu.memory_space<semaphore_mem>>)
    %dma_start3A_18 = arith.constant 8 : i32
    %dma_start3A_19 = arith.constant 0 : i32
    %dma_start3A_20 = tpu.memref_slice %arg7[%dma_start3A_18, %dma_start3A_19] : memref<16x1024xi32, #tpu.memory_space<vmem>> -> memref<8x1024xi32, #tpu.memory_space<vmem>>
    %dma_start3A_21 = arith.constant 0 : i32
    %dma_start3A_22 = tpu.memref_slice %arg2[%multiple_of3A_8, %dma_start3A_21] : memref<200x1024xi32, #tpu.memory_space<hbm>> -> memref<8x1024xi32, #tpu.memory_space<hbm>>
    %dma_start3A_23 = arith.constant 8 : i32
    %dma_start3A_24 = arith.constant 0 : i32
    %dma_start3A_25 = tpu.memref_slice %arg7[%dma_start3A_23, %dma_start3A_24] : memref<16x1024xi32, #tpu.memory_space<vmem>> -> memref<8x1024xi32, #tpu.memory_space<vmem>>
    %dma_start3A_26 = arith.constant 0 : i32
    %dma_start3A_27 = tpu.memref_slice %arg2[%multiple_of3A_8, %dma_start3A_26] : memref<200x1024xi32, #tpu.memory_space<hbm>> -> memref<8x1024xi32, #tpu.memory_space<hbm>>
    tpu.enqueue_dma source(%dma_start3A_27 : memref<8x1024xi32, #tpu.memory_space<hbm>>) target(%dma_start3A_25 : memref<8x1024xi32, #tpu.memory_space<vmem>>) target_semaphore(%arg14 : memref<!tpu.dma_semaphore, #tpu.memory_space<semaphore_mem>>)
    %dma_start3A_28 = arith.constant 0 : i32
    %dma_start3A_29 = arith.constant 0 : i32
    %dma_start3A_30 = tpu.memref_slice %arg8[%dma_start3A_28, %dma_start3A_29] : memref<16x1024xi32, #tpu.memory_space<vmem>> -> memref<8x1024xi32, #tpu.memory_space<vmem>>
    %dma_start3A_31 = arith.constant 0 : i32
    %dma_start3A_32 = tpu.memref_slice %arg3[%multiple_of3A, %dma_start3A_31] : memref<200x1024xi32, #tpu.memory_space<hbm>> -> memref<8x1024xi32, #tpu.memory_space<hbm>>
    %dma_start3A_33 = arith.constant 0 : i32
    %dma_start3A_34 = arith.constant 0 : i32
    %dma_start3A_35 = tpu.memref_slice %arg8[%dma_start3A_33, %dma_start3A_34] : memref<16x1024xi32, #tpu.memory_space<vmem>> -> memref<8x1024xi32, #tpu.memory_space<vmem>>
    %dma_start3A_36 = arith.constant 0 : i32
    %dma_start3A_37 = tpu.memref_slice %arg3[%multiple_of3A, %dma_start3A_36] : memref<200x1024xi32, #tpu.memory_space<hbm>> -> memref<8x1024xi32, #tpu.memory_space<hbm>>
    tpu.enqueue_dma source(%dma_start3A_37 : memref<8x1024xi32, #tpu.memory_space<hbm>>) target(%dma_start3A_35 : memref<8x1024xi32, #tpu.memory_space<vmem>>) target_semaphore(%arg14 : memref<!tpu.dma_semaphore, #tpu.memory_space<semaphore_mem>>)
    %dma_start3A_38 = arith.constant 8 : i32
    %dma_start3A_39 = arith.constant 0 : i32
    %dma_start3A_40 = tpu.memref_slice %arg8[%dma_start3A_38, %dma_start3A_39] : memref<16x1024xi32, #tpu.memory_space<vmem>> -> memref<8x1024xi32, #tpu.memory_space<vmem>>
    %dma_start3A_41 = arith.constant 0 : i32
    %dma_start3A_42 = tpu.memref_slice %arg3[%multiple_of3A_8, %dma_start3A_41] : memref<200x1024xi32, #tpu.memory_space<hbm>> -> memref<8x1024xi32, #tpu.memory_space<hbm>>
    %dma_start3A_43 = arith.constant 8 : i32
    %dma_start3A_44 = arith.constant 0 : i32
    %dma_start3A_45 = tpu.memref_slice %arg8[%dma_start3A_43, %dma_start3A_44] : memref<16x1024xi32, #tpu.memory_space<vmem>> -> memref<8x1024xi32, #tpu.memory_space<vmem>>
    %dma_start3A_46 = arith.constant 0 : i32
    %dma_start3A_47 = tpu.memref_slice %arg3[%multiple_of3A_8, %dma_start3A_46] : memref<200x1024xi32, #tpu.memory_space<hbm>> -> memref<8x1024xi32, #tpu.memory_space<hbm>>
    tpu.enqueue_dma source(%dma_start3A_47 : memref<8x1024xi32, #tpu.memory_space<hbm>>) target(%dma_start3A_45 : memref<8x1024xi32, #tpu.memory_space<vmem>>) target_semaphore(%arg14 : memref<!tpu.dma_semaphore, #tpu.memory_space<semaphore_mem>>)
    "tpu.region"() ({
      %run_scoped3A = tpu.sem_alloc : memref<!tpu.dma_semaphore, #tpu.memory_space<semaphore_mem>>
      tpu.enqueue_dma source(%arg5 : memref<64xf32, #tpu.memory_space<hbm>>) target(%arg12 : memref<64xf32, #tpu.memory_space<vmem>>) target_semaphore(%run_scoped3A : memref<!tpu.dma_semaphore, #tpu.memory_space<semaphore_mem>>)
      tpu.wait_dma2 semaphore(%run_scoped3A : memref<!tpu.dma_semaphore, #tpu.memory_space<semaphore_mem>>) src(%arg5 : memref<64xf32, #tpu.memory_space<hbm>>) dst(%arg12 : memref<64xf32, #tpu.memory_space<vmem>>)
      tpu.yield
    }) : () -> ()
    %dma_wait3A = arith.constant 0 : i32
    %dma_wait3A_48 = arith.constant 0 : i32
    %dma_wait3A_49 = tpu.memref_slice %arg7[%dma_wait3A, %dma_wait3A_48] : memref<16x1024xi32, #tpu.memory_space<vmem>> -> memref<8x1024xi32, #tpu.memory_space<vmem>>
    %dma_wait3A_50 = arith.constant 0 : i32
    %dma_wait3A_51 = tpu.memref_slice %arg2[%multiple_of3A, %dma_wait3A_50] : memref<200x1024xi32, #tpu.memory_space<hbm>> -> memref<8x1024xi32, #tpu.memory_space<hbm>>
    %dma_wait3A_52 = arith.constant 0 : i32
    %dma_wait3A_53 = arith.constant 0 : i32
    %dma_wait3A_54 = tpu.memref_slice %arg7[%dma_wait3A_52, %dma_wait3A_53] : memref<16x1024xi32, #tpu.memory_space<vmem>> -> memref<8x1024xi32, #tpu.memory_space<vmem>>
    %dma_wait3A_55 = arith.constant 0 : i32
    %dma_wait3A_56 = tpu.memref_slice %arg2[%multiple_of3A, %dma_wait3A_55] : memref<200x1024xi32, #tpu.memory_space<hbm>> -> memref<8x1024xi32, #tpu.memory_space<hbm>>
    tpu.wait_dma2 semaphore(%arg14 : memref<!tpu.dma_semaphore, #tpu.memory_space<semaphore_mem>>) src(%dma_wait3A_56 : memref<8x1024xi32, #tpu.memory_space<hbm>>) dst(%dma_wait3A_54 : memref<8x1024xi32, #tpu.memory_space<vmem>>)
    %dma_wait3A_57 = arith.constant 8 : i32
    %dma_wait3A_58 = arith.constant 0 : i32
    %dma_wait3A_59 = tpu.memref_slice %arg7[%dma_wait3A_57, %dma_wait3A_58] : memref<16x1024xi32, #tpu.memory_space<vmem>> -> memref<8x1024xi32, #tpu.memory_space<vmem>>
    %dma_wait3A_60 = arith.constant 0 : i32
    %dma_wait3A_61 = tpu.memref_slice %arg2[%multiple_of3A_8, %dma_wait3A_60] : memref<200x1024xi32, #tpu.memory_space<hbm>> -> memref<8x1024xi32, #tpu.memory_space<hbm>>
    %dma_wait3A_62 = arith.constant 8 : i32
    %dma_wait3A_63 = arith.constant 0 : i32
    %dma_wait3A_64 = tpu.memref_slice %arg7[%dma_wait3A_62, %dma_wait3A_63] : memref<16x1024xi32, #tpu.memory_space<vmem>> -> memref<8x1024xi32, #tpu.memory_space<vmem>>
    %dma_wait3A_65 = arith.constant 0 : i32
    %dma_wait3A_66 = tpu.memref_slice %arg2[%multiple_of3A_8, %dma_wait3A_65] : memref<200x1024xi32, #tpu.memory_space<hbm>> -> memref<8x1024xi32, #tpu.memory_space<hbm>>
    tpu.wait_dma2 semaphore(%arg14 : memref<!tpu.dma_semaphore, #tpu.memory_space<semaphore_mem>>) src(%dma_wait3A_66 : memref<8x1024xi32, #tpu.memory_space<hbm>>) dst(%dma_wait3A_64 : memref<8x1024xi32, #tpu.memory_space<vmem>>)
    %dma_wait3A_67 = arith.constant 0 : i32
    %dma_wait3A_68 = arith.constant 0 : i32
    %dma_wait3A_69 = tpu.memref_slice %arg8[%dma_wait3A_67, %dma_wait3A_68] : memref<16x1024xi32, #tpu.memory_space<vmem>> -> memref<8x1024xi32, #tpu.memory_space<vmem>>
    %dma_wait3A_70 = arith.constant 0 : i32
    %dma_wait3A_71 = tpu.memref_slice %arg3[%multiple_of3A, %dma_wait3A_70] : memref<200x1024xi32, #tpu.memory_space<hbm>> -> memref<8x1024xi32, #tpu.memory_space<hbm>>
    %dma_wait3A_72 = arith.constant 0 : i32
    %dma_wait3A_73 = arith.constant 0 : i32
    %dma_wait3A_74 = tpu.memref_slice %arg8[%dma_wait3A_72, %dma_wait3A_73] : memref<16x1024xi32, #tpu.memory_space<vmem>> -> memref<8x1024xi32, #tpu.memory_space<vmem>>
    %dma_wait3A_75 = arith.constant 0 : i32
    %dma_wait3A_76 = tpu.memref_slice %arg3[%multiple_of3A, %dma_wait3A_75] : memref<200x1024xi32, #tpu.memory_space<hbm>> -> memref<8x1024xi32, #tpu.memory_space<hbm>>
    tpu.wait_dma2 semaphore(%arg14 : memref<!tpu.dma_semaphore, #tpu.memory_space<semaphore_mem>>) src(%dma_wait3A_76 : memref<8x1024xi32, #tpu.memory_space<hbm>>) dst(%dma_wait3A_74 : memref<8x1024xi32, #tpu.memory_space<vmem>>)
    %dma_wait3A_77 = arith.constant 8 : i32
    %dma_wait3A_78 = arith.constant 0 : i32
    %dma_wait3A_79 = tpu.memref_slice %arg8[%dma_wait3A_77, %dma_wait3A_78] : memref<16x1024xi32, #tpu.memory_space<vmem>> -> memref<8x1024xi32, #tpu.memory_space<vmem>>
    %dma_wait3A_80 = arith.constant 0 : i32
    %dma_wait3A_81 = tpu.memref_slice %arg3[%multiple_of3A_8, %dma_wait3A_80] : memref<200x1024xi32, #tpu.memory_space<hbm>> -> memref<8x1024xi32, #tpu.memory_space<hbm>>
    %dma_wait3A_82 = arith.constant 8 : i32
    %dma_wait3A_83 = arith.constant 0 : i32
    %dma_wait3A_84 = tpu.memref_slice %arg8[%dma_wait3A_82, %dma_wait3A_83] : memref<16x1024xi32, #tpu.memory_space<vmem>> -> memref<8x1024xi32, #tpu.memory_space<vmem>>
    %dma_wait3A_85 = arith.constant 0 : i32
    %dma_wait3A_86 = tpu.memref_slice %arg3[%multiple_of3A_8, %dma_wait3A_85] : memref<200x1024xi32, #tpu.memory_space<hbm>> -> memref<8x1024xi32, #tpu.memory_space<hbm>>
    tpu.wait_dma2 semaphore(%arg14 : memref<!tpu.dma_semaphore, #tpu.memory_space<semaphore_mem>>) src(%dma_wait3A_86 : memref<8x1024xi32, #tpu.memory_space<hbm>>) dst(%dma_wait3A_84 : memref<8x1024xi32, #tpu.memory_space<vmem>>)
    %iota3A = tpu.iota {dimensions = array<i32: 0>} : vector<16xi32>
    %add3A_87 = arith.constant 0 : i32
    %add3A_88 = vector.broadcast %add3A_87 : i32 to vector<16xi32>
    %add3A_89 = arith.addi %iota3A, %add3A_88 : vector<16xi32>
    %and3A_90 = arith.constant 15 : i32
    %and3A_91 = vector.broadcast %and3A_90 : i32 to vector<16xi32>
    %and3A_92 = arith.andi %add3A_89, %and3A_91 : vector<16xi32>
    %add3A_93 = arith.constant 1 : i32
    %add3A_94 = vector.broadcast %add3A_93 : i32 to vector<16xi32>
    %add3A_95 = arith.addi %iota3A, %add3A_94 : vector<16xi32>
    %and3A_96 = arith.constant 15 : i32
    %and3A_97 = vector.broadcast %and3A_96 : i32 to vector<16xi32>
    %and3A_98 = arith.andi %add3A_95, %and3A_97 : vector<16xi32>
    %add3A_99 = arith.constant 2 : i32
    %add3A_100 = vector.broadcast %add3A_99 : i32 to vector<16xi32>
    %add3A_101 = arith.addi %iota3A, %add3A_100 : vector<16xi32>
    %and3A_102 = arith.constant 15 : i32
    %and3A_103 = vector.broadcast %and3A_102 : i32 to vector<16xi32>
    %and3A_104 = arith.andi %add3A_101, %and3A_103 : vector<16xi32>
    %add3A_105 = arith.constant 3 : i32
    %add3A_106 = vector.broadcast %add3A_105 : i32 to vector<16xi32>
    %add3A_107 = arith.addi %iota3A, %add3A_106 : vector<16xi32>
    %and3A_108 = arith.constant 15 : i32
    %and3A_109 = vector.broadcast %and3A_108 : i32 to vector<16xi32>
    %and3A_110 = arith.andi %add3A_107, %and3A_109 : vector<16xi32>
    %add3A_111 = arith.constant 4 : i32
    %add3A_112 = vector.broadcast %add3A_111 : i32 to vector<16xi32>
    %add3A_113 = arith.addi %iota3A, %add3A_112 : vector<16xi32>
    %and3A_114 = arith.constant 15 : i32
    %and3A_115 = vector.broadcast %and3A_114 : i32 to vector<16xi32>
    %and3A_116 = arith.andi %add3A_113, %and3A_115 : vector<16xi32>
    %add3A_117 = arith.constant 5 : i32
    %add3A_118 = vector.broadcast %add3A_117 : i32 to vector<16xi32>
    %add3A_119 = arith.addi %iota3A, %add3A_118 : vector<16xi32>
    %and3A_120 = arith.constant 15 : i32
    %and3A_121 = vector.broadcast %and3A_120 : i32 to vector<16xi32>
    %and3A_122 = arith.andi %add3A_119, %and3A_121 : vector<16xi32>
    %add3A_123 = arith.constant 6 : i32
    %add3A_124 = vector.broadcast %add3A_123 : i32 to vector<16xi32>
    %add3A_125 = arith.addi %iota3A, %add3A_124 : vector<16xi32>
    %and3A_126 = arith.constant 15 : i32
    %and3A_127 = vector.broadcast %and3A_126 : i32 to vector<16xi32>
    %and3A_128 = arith.andi %add3A_125, %and3A_127 : vector<16xi32>
    %add3A_129 = arith.constant 7 : i32
    %add3A_130 = vector.broadcast %add3A_129 : i32 to vector<16xi32>
    %add3A_131 = arith.addi %iota3A, %add3A_130 : vector<16xi32>
    %and3A_132 = arith.constant 15 : i32
    %and3A_133 = vector.broadcast %and3A_132 : i32 to vector<16xi32>
    %and3A_134 = arith.andi %add3A_131, %and3A_133 : vector<16xi32>
    %add3A_135 = arith.constant 8 : i32
    %add3A_136 = vector.broadcast %add3A_135 : i32 to vector<16xi32>
    %add3A_137 = arith.addi %iota3A, %add3A_136 : vector<16xi32>
    %and3A_138 = arith.constant 15 : i32
    %and3A_139 = vector.broadcast %and3A_138 : i32 to vector<16xi32>
    %and3A_140 = arith.andi %add3A_137, %and3A_139 : vector<16xi32>
    %add3A_141 = arith.constant 9 : i32
    %add3A_142 = vector.broadcast %add3A_141 : i32 to vector<16xi32>
    %add3A_143 = arith.addi %iota3A, %add3A_142 : vector<16xi32>
    %and3A_144 = arith.constant 15 : i32
    %and3A_145 = vector.broadcast %and3A_144 : i32 to vector<16xi32>
    %and3A_146 = arith.andi %add3A_143, %and3A_145 : vector<16xi32>
    %add3A_147 = arith.constant 10 : i32
    %add3A_148 = vector.broadcast %add3A_147 : i32 to vector<16xi32>
    %add3A_149 = arith.addi %iota3A, %add3A_148 : vector<16xi32>
    %and3A_150 = arith.constant 15 : i32
    %and3A_151 = vector.broadcast %and3A_150 : i32 to vector<16xi32>
    %and3A_152 = arith.andi %add3A_149, %and3A_151 : vector<16xi32>
    %add3A_153 = arith.constant 11 : i32
    %add3A_154 = vector.broadcast %add3A_153 : i32 to vector<16xi32>
    %add3A_155 = arith.addi %iota3A, %add3A_154 : vector<16xi32>
    %and3A_156 = arith.constant 15 : i32
    %and3A_157 = vector.broadcast %and3A_156 : i32 to vector<16xi32>
    %and3A_158 = arith.andi %add3A_155, %and3A_157 : vector<16xi32>
    %add3A_159 = arith.constant 12 : i32
    %add3A_160 = vector.broadcast %add3A_159 : i32 to vector<16xi32>
    %add3A_161 = arith.addi %iota3A, %add3A_160 : vector<16xi32>
    %and3A_162 = arith.constant 15 : i32
    %and3A_163 = vector.broadcast %and3A_162 : i32 to vector<16xi32>
    %and3A_164 = arith.andi %add3A_161, %and3A_163 : vector<16xi32>
    %add3A_165 = arith.constant 13 : i32
    %add3A_166 = vector.broadcast %add3A_165 : i32 to vector<16xi32>
    %add3A_167 = arith.addi %iota3A, %add3A_166 : vector<16xi32>
    %and3A_168 = arith.constant 15 : i32
    %and3A_169 = vector.broadcast %and3A_168 : i32 to vector<16xi32>
    %and3A_170 = arith.andi %add3A_167, %and3A_169 : vector<16xi32>
    %add3A_171 = arith.constant 14 : i32
    %add3A_172 = vector.broadcast %add3A_171 : i32 to vector<16xi32>
    %add3A_173 = arith.addi %iota3A, %add3A_172 : vector<16xi32>
    %and3A_174 = arith.constant 15 : i32
    %and3A_175 = vector.broadcast %and3A_174 : i32 to vector<16xi32>
    %and3A_176 = arith.andi %add3A_173, %and3A_175 : vector<16xi32>
    %add3A_177 = arith.constant 15 : i32
    %add3A_178 = vector.broadcast %add3A_177 : i32 to vector<16xi32>
    %add3A_179 = arith.addi %iota3A, %add3A_178 : vector<16xi32>
    %and3A_180 = arith.constant 15 : i32
    %and3A_181 = vector.broadcast %and3A_180 : i32 to vector<16xi32>
    %and3A_182 = arith.andi %add3A_179, %and3A_181 : vector<16xi32>
    %add3A_183 = arith.constant 0 : i32
    %add3A_184 = arith.addi %mul3A_2, %add3A_183 : i32
    %shift_right_logical3A_185 = arith.constant 3 : i32
    %shift_right_logical3A_186 = arith.shrui %add3A_184, %shift_right_logical3A_185 : i32
    %and3A_187 = arith.constant 7 : i32
    %and3A_188 = arith.andi %add3A_184, %and3A_187 : i32
    %mul3A_189 = arith.constant 128 : i32
    %mul3A_190 = arith.muli %and3A_188, %mul3A_189 : i32
    %add3A_191 = arith.constant 8 : i32
    %add3A_192 = arith.addi %multiple_of3A, %add3A_191 : i32
    %lt3A = arith.cmpi slt, %shift_right_logical3A_186, %add3A_192 : i32
    %sub3A = arith.subi %shift_right_logical3A_186, %multiple_of3A : i32
    %sub3A_193 = arith.subi %shift_right_logical3A_186, %multiple_of3A_8 : i32
    %add3A_194 = arith.constant 8 : i32
    %add3A_195 = arith.addi %sub3A_193, %add3A_194 : i32
    %select_n3A = arith.select %lt3A, %sub3A, %add3A_195 : i32
    %dma_start3A_196 = arith.constant 0 : i32
    %dma_start3A_197 = arith.constant 0 : i32
    %dma_start3A_198 = arith.constant 0 : i32
    %dma_start3A_199 = arith.constant 0 : i32
    %dma_start3A_200 = tpu.memref_slice %arg9[%dma_start3A_196, %dma_start3A_198, %dma_start3A_199] : memref<3x128x128xf32, #tpu.memory_space<vmem>> -> memref<1x128x128xf32, #tpu.memory_space<vmem>>
    %dma_start3A_201 = tpu.memref_squeeze %dma_start3A_200 : memref<1x128x128xf32, #tpu.memory_space<vmem>> -> memref<128x128xf32, #tpu.memory_space<vmem>>
    %dma_start3A_202 = tpu.memref_slice %arg7[%select_n3A, %mul3A_190] : memref<16x1024xi32, #tpu.memory_space<vmem>> -> memref<1x128xi32, #tpu.memory_space<vmem>>
    %dma_start3A_203 = tpu.memref_squeeze %dma_start3A_202 : memref<1x128xi32, #tpu.memory_space<vmem>> -> memref<128xi32, #tpu.memory_space<vmem>>
    %dma_start3A_204 = arith.constant 0 : i32
    %dma_start3A_205 = arith.constant 0 : i32
    %dma_start3A_206 = tpu.memref_slice %arg4[%dma_start3A_204, %dma_start3A_205] : memref<100000x128xf32, #tpu.memory_space<hbm>> -> memref<100000x128xf32, #tpu.memory_space<hbm>>
    %dma_start3A_207 = tpu.memref_slice %arg13[%dma_start3A_197] : memref<3x!tpu.dma_semaphore, #tpu.memory_space<semaphore_mem>> -> memref<1x!tpu.dma_semaphore, #tpu.memory_space<semaphore_mem>>
    %dma_start3A_208 = tpu.memref_squeeze %dma_start3A_207 : memref<1x!tpu.dma_semaphore, #tpu.memory_space<semaphore_mem>> -> memref<!tpu.dma_semaphore, #tpu.memory_space<semaphore_mem>>
    tpu.enqueue_indirect_dma source(%dma_start3A_206 : memref<100000x128xf32, #tpu.memory_space<hbm>>) target(%dma_start3A_201 : memref<128x128xf32, #tpu.memory_space<vmem>>) offsets(%dma_start3A_203 : memref<128xi32, #tpu.memory_space<vmem>>) semaphore(%dma_start3A_208 : memref<!tpu.dma_semaphore, #tpu.memory_space<semaphore_mem>>)
    %add3A_209 = arith.constant 1 : i32
    %add3A_210 = arith.addi %mul3A_2, %add3A_209 : i32
    %shift_right_logical3A_211 = arith.constant 3 : i32
    %shift_right_logical3A_212 = arith.shrui %add3A_210, %shift_right_logical3A_211 : i32
    %and3A_213 = arith.constant 7 : i32
    %and3A_214 = arith.andi %add3A_210, %and3A_213 : i32
    %mul3A_215 = arith.constant 128 : i32
    %mul3A_216 = arith.muli %and3A_214, %mul3A_215 : i32
    %add3A_217 = arith.constant 8 : i32
    %add3A_218 = arith.addi %multiple_of3A, %add3A_217 : i32
    %lt3A_219 = arith.cmpi slt, %shift_right_logical3A_212, %add3A_218 : i32
    %sub3A_220 = arith.subi %shift_right_logical3A_212, %multiple_of3A : i32
    %sub3A_221 = arith.subi %shift_right_logical3A_212, %multiple_of3A_8 : i32
    %add3A_222 = arith.constant 8 : i32
    %add3A_223 = arith.addi %sub3A_221, %add3A_222 : i32
    %select_n3A_224 = arith.select %lt3A_219, %sub3A_220, %add3A_223 : i32
    %dma_start3A_225 = arith.constant 1 : i32
    %dma_start3A_226 = arith.constant 1 : i32
    %dma_start3A_227 = arith.constant 0 : i32
    %dma_start3A_228 = arith.constant 0 : i32
    %dma_start3A_229 = tpu.memref_slice %arg9[%dma_start3A_225, %dma_start3A_227, %dma_start3A_228] : memref<3x128x128xf32, #tpu.memory_space<vmem>> -> memref<1x128x128xf32, #tpu.memory_space<vmem>>
    %dma_start3A_230 = tpu.memref_squeeze %dma_start3A_229 : memref<1x128x128xf32, #tpu.memory_space<vmem>> -> memref<128x128xf32, #tpu.memory_space<vmem>>
    %dma_start3A_231 = tpu.memref_slice %arg7[%select_n3A_224, %mul3A_216] : memref<16x1024xi32, #tpu.memory_space<vmem>> -> memref<1x128xi32, #tpu.memory_space<vmem>>
    %dma_start3A_232 = tpu.memref_squeeze %dma_start3A_231 : memref<1x128xi32, #tpu.memory_space<vmem>> -> memref<128xi32, #tpu.memory_space<vmem>>
    %dma_start3A_233 = arith.constant 0 : i32
    %dma_start3A_234 = arith.constant 0 : i32
    %dma_start3A_235 = tpu.memref_slice %arg4[%dma_start3A_233, %dma_start3A_234] : memref<100000x128xf32, #tpu.memory_space<hbm>> -> memref<100000x128xf32, #tpu.memory_space<hbm>>
    %dma_start3A_236 = tpu.memref_slice %arg13[%dma_start3A_226] : memref<3x!tpu.dma_semaphore, #tpu.memory_space<semaphore_mem>> -> memref<1x!tpu.dma_semaphore, #tpu.memory_space<semaphore_mem>>
    %dma_start3A_237 = tpu.memref_squeeze %dma_start3A_236 : memref<1x!tpu.dma_semaphore, #tpu.memory_space<semaphore_mem>> -> memref<!tpu.dma_semaphore, #tpu.memory_space<semaphore_mem>>
    tpu.enqueue_indirect_dma source(%dma_start3A_235 : memref<100000x128xf32, #tpu.memory_space<hbm>>) target(%dma_start3A_230 : memref<128x128xf32, #tpu.memory_space<vmem>>) offsets(%dma_start3A_232 : memref<128xi32, #tpu.memory_space<vmem>>) semaphore(%dma_start3A_237 : memref<!tpu.dma_semaphore, #tpu.memory_space<semaphore_mem>>)
    %scan3A = arith.constant 0 : i32
    %scan3A_238 = arith.constant 2 : i32
    %scan3A_239 = arith.constant 0 : i32
    %scan3A_240 = arith.constant 50 : i32
    %scan3A_241 = arith.addi %scan3A_239, %scan3A_240 : i32
    %scan3A_242 = arith.constant 1 : i32
    %scan3A_243:2 = scf.for %scan3A_349 = %scan3A_239 to %scan3A_241 step %scan3A_242 iter_args(%scan3A_350 = %scan3A, %scan3A_351 = %scan3A_238) -> (i32, i32)  : i32 {
      %and3A_352 = arith.constant 1 : i32
      %and3A_353 = arith.andi %scan3A_349, %and3A_352 : i32
      %add3A_354 = arith.constant 2 : i32
      %add3A_355 = arith.addi %scan3A_349, %add3A_354 : i32
      %lt3A_356 = arith.constant 50 : i32
      %lt3A_357 = arith.cmpi slt, %add3A_355, %lt3A_356 : i32
      %convert_element_type3A = arith.extui %lt3A_357 : i1 to i32
      %cond3A = arith.constant 0 : i32
      %cond3A_358 = arith.cmpi ne, %convert_element_type3A, %cond3A : i32
      scf.if %cond3A_358 {
        %add3A_438 = arith.constant 2 : i32
        %add3A_439 = arith.addi %scan3A_349, %add3A_438 : i32
        %add3A_440 = arith.addi %mul3A_2, %add3A_439 : i32
        %shift_right_logical3A_441 = arith.constant 3 : i32
        %shift_right_logical3A_442 = arith.shrui %add3A_440, %shift_right_logical3A_441 : i32
        %and3A_443 = arith.constant 7 : i32
        %and3A_444 = arith.andi %add3A_440, %and3A_443 : i32
        %mul3A_445 = arith.constant 128 : i32
        %mul3A_446 = arith.muli %and3A_444, %mul3A_445 : i32
        %add3A_447 = arith.constant 8 : i32
        %add3A_448 = arith.addi %multiple_of3A, %add3A_447 : i32
        %lt3A_449 = arith.cmpi slt, %shift_right_logical3A_442, %add3A_448 : i32
        %sub3A_450 = arith.subi %shift_right_logical3A_442, %multiple_of3A : i32
        %sub3A_451 = arith.subi %shift_right_logical3A_442, %multiple_of3A_8 : i32
        %add3A_452 = arith.constant 8 : i32
        %add3A_453 = arith.addi %sub3A_451, %add3A_452 : i32
        %select_n3A_454 = arith.select %lt3A_449, %sub3A_450, %add3A_453 : i32
        %dma_start3A_455 = arith.constant 0 : i32
        %dma_start3A_456 = arith.constant 0 : i32
        %dma_start3A_457 = tpu.memref_slice %arg9[%scan3A_351, %dma_start3A_455, %dma_start3A_456] : memref<3x128x128xf32, #tpu.memory_space<vmem>> -> memref<1x128x128xf32, #tpu.memory_space<vmem>>
        %dma_start3A_458 = tpu.memref_squeeze %dma_start3A_457 : memref<1x128x128xf32, #tpu.memory_space<vmem>> -> memref<128x128xf32, #tpu.memory_space<vmem>>
        %dma_start3A_459 = tpu.memref_slice %arg7[%select_n3A_454, %mul3A_446] : memref<16x1024xi32, #tpu.memory_space<vmem>> -> memref<1x128xi32, #tpu.memory_space<vmem>>
        %dma_start3A_460 = tpu.memref_squeeze %dma_start3A_459 : memref<1x128xi32, #tpu.memory_space<vmem>> -> memref<128xi32, #tpu.memory_space<vmem>>
        %dma_start3A_461 = arith.constant 0 : i32
        %dma_start3A_462 = arith.constant 0 : i32
        %dma_start3A_463 = tpu.memref_slice %arg4[%dma_start3A_461, %dma_start3A_462] : memref<100000x128xf32, #tpu.memory_space<hbm>> -> memref<100000x128xf32, #tpu.memory_space<hbm>>
        %dma_start3A_464 = tpu.memref_slice %arg13[%scan3A_351] : memref<3x!tpu.dma_semaphore, #tpu.memory_space<semaphore_mem>> -> memref<1x!tpu.dma_semaphore, #tpu.memory_space<semaphore_mem>>
        %dma_start3A_465 = tpu.memref_squeeze %dma_start3A_464 : memref<1x!tpu.dma_semaphore, #tpu.memory_space<semaphore_mem>> -> memref<!tpu.dma_semaphore, #tpu.memory_space<semaphore_mem>>
        tpu.enqueue_indirect_dma source(%dma_start3A_463 : memref<100000x128xf32, #tpu.memory_space<hbm>>) target(%dma_start3A_458 : memref<128x128xf32, #tpu.memory_space<vmem>>) offsets(%dma_start3A_460 : memref<128xi32, #tpu.memory_space<vmem>>) semaphore(%dma_start3A_465 : memref<!tpu.dma_semaphore, #tpu.memory_space<semaphore_mem>>)
      } else {
      }
      %sub3A_359 = arith.constant 2 : i32
      %sub3A_360 = arith.subi %scan3A_349, %sub3A_359 : i32
      %ge3A = arith.constant 0 : i32
      %ge3A_361 = arith.cmpi sge, %sub3A_360, %ge3A : i32
      %convert_element_type3A_362 = arith.extui %ge3A_361 : i1 to i32
      %cond3A_363 = arith.constant 0 : i32
      %cond3A_364 = arith.cmpi ne, %convert_element_type3A_362, %cond3A_363 : i32
      scf.if %cond3A_364 {
        %sub3A_438 = arith.constant 2 : i32
        %sub3A_439 = arith.subi %scan3A_349, %sub3A_438 : i32
        %add3A_440 = arith.addi %mul3A_2, %sub3A_439 : i32
        %shift_right_logical3A_441 = arith.constant 3 : i32
        %shift_right_logical3A_442 = arith.shrui %add3A_440, %shift_right_logical3A_441 : i32
        %and3A_443 = arith.constant 7 : i32
        %and3A_444 = arith.andi %add3A_440, %and3A_443 : i32
        %mul3A_445 = arith.constant 128 : i32
        %mul3A_446 = arith.muli %and3A_444, %mul3A_445 : i32
        %add3A_447 = arith.constant 8 : i32
        %add3A_448 = arith.addi %multiple_of3A, %add3A_447 : i32
        %lt3A_449 = arith.cmpi slt, %shift_right_logical3A_442, %add3A_448 : i32
        %sub3A_450 = arith.subi %shift_right_logical3A_442, %multiple_of3A : i32
        %sub3A_451 = arith.subi %shift_right_logical3A_442, %multiple_of3A_8 : i32
        %add3A_452 = arith.constant 8 : i32
        %add3A_453 = arith.addi %sub3A_451, %add3A_452 : i32
        %select_n3A_454 = arith.select %lt3A_449, %sub3A_450, %add3A_453 : i32
        %dma_wait3A_455 = arith.constant 0 : i32
        %dma_wait3A_456 = arith.constant 0 : i32
        %dma_wait3A_457 = tpu.memref_slice %arg10[%and3A_353, %dma_wait3A_455, %dma_wait3A_456] : memref<2x128x128xf32, #tpu.memory_space<vmem>> -> memref<1x128x128xf32, #tpu.memory_space<vmem>>
        %dma_wait3A_458 = tpu.memref_squeeze %dma_wait3A_457 : memref<1x128x128xf32, #tpu.memory_space<vmem>> -> memref<128x128xf32, #tpu.memory_space<vmem>>
        %dma_wait3A_459 = arith.constant 0 : i32
        %dma_wait3A_460 = tpu.memref_slice %arg6[%shift_right_logical3A_442, %dma_wait3A_459, %mul3A_446] : memref<200x144x1024xf32, #tpu.memory_space<hbm>> -> memref<1x128x128xf32, #tpu.memory_space<hbm>>
        %dma_wait3A_461 = tpu.memref_squeeze %dma_wait3A_460 : memref<1x128x128xf32, #tpu.memory_space<hbm>> -> memref<128x128xf32, #tpu.memory_space<hbm>>
        %dma_wait3A_462 = tpu.memref_slice %arg15[%and3A_353] : memref<2x!tpu.dma_semaphore, #tpu.memory_space<semaphore_mem>> -> memref<1x!tpu.dma_semaphore, #tpu.memory_space<semaphore_mem>>
        %dma_wait3A_463 = tpu.memref_squeeze %dma_wait3A_462 : memref<1x!tpu.dma_semaphore, #tpu.memory_space<semaphore_mem>> -> memref<!tpu.dma_semaphore, #tpu.memory_space<semaphore_mem>>
        %dma_wait3A_464 = arith.constant 0 : i32
        %dma_wait3A_465 = tpu.memref_slice %arg6[%shift_right_logical3A_442, %dma_wait3A_464, %mul3A_446] : memref<200x144x1024xf32, #tpu.memory_space<hbm>> -> memref<1x128x128xf32, #tpu.memory_space<hbm>>
        %dma_wait3A_466 = tpu.memref_squeeze %dma_wait3A_465 : memref<1x128x128xf32, #tpu.memory_space<hbm>> -> memref<128x128xf32, #tpu.memory_space<hbm>>
        %dma_wait3A_467 = arith.constant 0 : i32
        %dma_wait3A_468 = arith.constant 0 : i32
        %dma_wait3A_469 = tpu.memref_slice %arg10[%and3A_353, %dma_wait3A_467, %dma_wait3A_468] : memref<2x128x128xf32, #tpu.memory_space<vmem>> -> memref<1x128x128xf32, #tpu.memory_space<vmem>>
        %dma_wait3A_470 = tpu.memref_squeeze %dma_wait3A_469 : memref<1x128x128xf32, #tpu.memory_space<vmem>> -> memref<128x128xf32, #tpu.memory_space<vmem>>
        tpu.wait_dma2 semaphore(%dma_wait3A_463 : memref<!tpu.dma_semaphore, #tpu.memory_space<semaphore_mem>>) src(%dma_wait3A_470 : memref<128x128xf32, #tpu.memory_space<vmem>>) dst(%dma_wait3A_466 : memref<128x128xf32, #tpu.memory_space<hbm>>)
        %dma_wait3A_471 = arith.constant 0 : i32
        %dma_wait3A_472 = arith.constant 0 : i32
        %dma_wait3A_473 = tpu.memref_slice %arg11[%and3A_353, %dma_wait3A_471, %dma_wait3A_472] : memref<2x16x128xf32, #tpu.memory_space<vmem>> -> memref<1x16x128xf32, #tpu.memory_space<vmem>>
        %dma_wait3A_474 = tpu.memref_squeeze %dma_wait3A_473 : memref<1x16x128xf32, #tpu.memory_space<vmem>> -> memref<16x128xf32, #tpu.memory_space<vmem>>
        %dma_wait3A_475 = arith.constant 128 : i32
        %dma_wait3A_476 = tpu.memref_slice %arg6[%shift_right_logical3A_442, %dma_wait3A_475, %mul3A_446] : memref<200x144x1024xf32, #tpu.memory_space<hbm>> -> memref<1x16x128xf32, #tpu.memory_space<hbm>>
        %dma_wait3A_477 = tpu.memref_squeeze %dma_wait3A_476 : memref<1x16x128xf32, #tpu.memory_space<hbm>> -> memref<16x128xf32, #tpu.memory_space<hbm>>
        %dma_wait3A_478 = tpu.memref_slice %arg15[%and3A_353] : memref<2x!tpu.dma_semaphore, #tpu.memory_space<semaphore_mem>> -> memref<1x!tpu.dma_semaphore, #tpu.memory_space<semaphore_mem>>
        %dma_wait3A_479 = tpu.memref_squeeze %dma_wait3A_478 : memref<1x!tpu.dma_semaphore, #tpu.memory_space<semaphore_mem>> -> memref<!tpu.dma_semaphore, #tpu.memory_space<semaphore_mem>>
        %dma_wait3A_480 = arith.constant 128 : i32
        %dma_wait3A_481 = tpu.memref_slice %arg6[%shift_right_logical3A_442, %dma_wait3A_480, %mul3A_446] : memref<200x144x1024xf32, #tpu.memory_space<hbm>> -> memref<1x16x128xf32, #tpu.memory_space<hbm>>
        %dma_wait3A_482 = tpu.memref_squeeze %dma_wait3A_481 : memref<1x16x128xf32, #tpu.memory_space<hbm>> -> memref<16x128xf32, #tpu.memory_space<hbm>>
        %dma_wait3A_483 = arith.constant 0 : i32
        %dma_wait3A_484 = arith.constant 0 : i32
        %dma_wait3A_485 = tpu.memref_slice %arg11[%and3A_353, %dma_wait3A_483, %dma_wait3A_484] : memref<2x16x128xf32, #tpu.memory_space<vmem>> -> memref<1x16x128xf32, #tpu.memory_space<vmem>>
        %dma_wait3A_486 = tpu.memref_squeeze %dma_wait3A_485 : memref<1x16x128xf32, #tpu.memory_space<vmem>> -> memref<16x128xf32, #tpu.memory_space<vmem>>
        tpu.wait_dma2 semaphore(%dma_wait3A_479 : memref<!tpu.dma_semaphore, #tpu.memory_space<semaphore_mem>>) src(%dma_wait3A_486 : memref<16x128xf32, #tpu.memory_space<vmem>>) dst(%dma_wait3A_482 : memref<16x128xf32, #tpu.memory_space<hbm>>)
      } else {
      }
      %add3A_365 = arith.addi %mul3A_2, %scan3A_349 : i32
      %shift_right_logical3A_366 = arith.constant 3 : i32
      %shift_right_logical3A_367 = arith.shrui %add3A_365, %shift_right_logical3A_366 : i32
      %and3A_368 = arith.constant 7 : i32
      %and3A_369 = arith.andi %add3A_365, %and3A_368 : i32
      %mul3A_370 = arith.constant 128 : i32
      %mul3A_371 = arith.muli %and3A_369, %mul3A_370 : i32
      %add3A_372 = arith.constant 8 : i32
      %add3A_373 = arith.addi %multiple_of3A, %add3A_372 : i32
      %lt3A_374 = arith.cmpi slt, %shift_right_logical3A_367, %add3A_373 : i32
      %sub3A_375 = arith.subi %shift_right_logical3A_367, %multiple_of3A : i32
      %sub3A_376 = arith.subi %shift_right_logical3A_367, %multiple_of3A_8 : i32
      %add3A_377 = arith.constant 8 : i32
      %add3A_378 = arith.addi %sub3A_376, %add3A_377 : i32
      %select_n3A_379 = arith.select %lt3A_374, %sub3A_375, %add3A_378 : i32
      %dma_wait3A_380 = arith.constant 0 : i32
      %dma_wait3A_381 = arith.constant 0 : i32
      %dma_wait3A_382 = tpu.memref_slice %arg9[%scan3A_350, %dma_wait3A_380, %dma_wait3A_381] : memref<3x128x128xf32, #tpu.memory_space<vmem>> -> memref<1x128x128xf32, #tpu.memory_space<vmem>>
      %dma_wait3A_383 = tpu.memref_squeeze %dma_wait3A_382 : memref<1x128x128xf32, #tpu.memory_space<vmem>> -> memref<128x128xf32, #tpu.memory_space<vmem>>
      %dma_wait3A_384 = tpu.memref_slice %arg7[%select_n3A_379, %mul3A_371] : memref<16x1024xi32, #tpu.memory_space<vmem>> -> memref<1x128xi32, #tpu.memory_space<vmem>>
      %dma_wait3A_385 = tpu.memref_squeeze %dma_wait3A_384 : memref<1x128xi32, #tpu.memory_space<vmem>> -> memref<128xi32, #tpu.memory_space<vmem>>
      %dma_wait3A_386 = arith.constant 0 : i32
      %dma_wait3A_387 = arith.constant 0 : i32
      %dma_wait3A_388 = tpu.memref_slice %arg4[%dma_wait3A_386, %dma_wait3A_387] : memref<100000x128xf32, #tpu.memory_space<hbm>> -> memref<100000x128xf32, #tpu.memory_space<hbm>>
      %dma_wait3A_389 = tpu.memref_slice %arg13[%scan3A_350] : memref<3x!tpu.dma_semaphore, #tpu.memory_space<semaphore_mem>> -> memref<1x!tpu.dma_semaphore, #tpu.memory_space<semaphore_mem>>
      %dma_wait3A_390 = tpu.memref_squeeze %dma_wait3A_389 : memref<1x!tpu.dma_semaphore, #tpu.memory_space<semaphore_mem>> -> memref<!tpu.dma_semaphore, #tpu.memory_space<semaphore_mem>>
      tpu.wait_indirect_dma semaphore(%dma_wait3A_390 : memref<!tpu.dma_semaphore, #tpu.memory_space<semaphore_mem>>) src(%dma_wait3A_388 : memref<100000x128xf32, #tpu.memory_space<hbm>>) dst(%dma_wait3A_383 : memref<128x128xf32, #tpu.memory_space<vmem>>)
      %parallel_loop3A = arith.constant 0 : i32
      %parallel_loop3A_391 = arith.constant 64 : i32
      %parallel_loop3A_392 = arith.constant 1 : i32
      scf.for %parallel_loop3A_438 = %parallel_loop3A to %parallel_loop3A_391 step %parallel_loop3A_392  : i32 {
        %parallel_loop3A_439 = arith.constant 7 : i32
        %parallel_loop3A_440 = arith.andi %parallel_loop3A_438, %parallel_loop3A_439 : i32
        %parallel_loop3A_441 = arith.constant 16 : i32
        %parallel_loop3A_442 = arith.muli %parallel_loop3A_440, %parallel_loop3A_441 : i32
        %parallel_loop3A_443 = arith.constant 3 : i32
        %parallel_loop3A_444 = arith.shrui %parallel_loop3A_438, %parallel_loop3A_443 : i32
        %parallel_loop3A_445 = arith.constant 16 : i32
        %parallel_loop3A_446 = arith.muli %parallel_loop3A_444, %parallel_loop3A_445 : i32
        %parallel_loop3A_447 = vector.broadcast %parallel_loop3A_442 : i32 to vector<16xi32>
        %parallel_loop3A_448 = arith.addi %iota3A, %parallel_loop3A_447 : vector<16xi32>
        %parallel_loop3A_449 = vector.broadcast %parallel_loop3A_446 : i32 to vector<16xi32>
        %parallel_loop3A_450 = arith.addi %and3A_92, %parallel_loop3A_449 : vector<16xi32>
        %parallel_loop3A_451 = arith.constant 0 : i32
        %parallel_loop3A_452 = arith.constant 0 : i32
        %parallel_loop3A_453 = tpu.memref_slice %arg9[%scan3A_350, %parallel_loop3A_451, %parallel_loop3A_452] : memref<3x128x128xf32, #tpu.memory_space<vmem>> -> memref<1x128x128xf32, #tpu.memory_space<vmem>>
        %parallel_loop3A_454 = tpu.memref_squeeze %parallel_loop3A_453 : memref<1x128x128xf32, #tpu.memory_space<vmem>> -> memref<128x128xf32, #tpu.memory_space<vmem>>
        %parallel_loop3A_455 = tpu.vector_load_idx %parallel_loop3A_454[%parallel_loop3A_448, %parallel_loop3A_450] : memref<128x128xf32, #tpu.memory_space<vmem>>[vector<16xi32>, vector<16xi32>], vector<16xf32>,
        %parallel_loop3A_456 = arith.constant 0 : i32
        %parallel_loop3A_457 = arith.constant 0 : i32
        %parallel_loop3A_458 = tpu.memref_slice %arg10[%and3A_353, %parallel_loop3A_456, %parallel_loop3A_457] : memref<2x128x128xf32, #tpu.memory_space<vmem>> -> memref<1x128x128xf32, #tpu.memory_space<vmem>>
        %parallel_loop3A_459 = tpu.memref_squeeze %parallel_loop3A_458 : memref<1x128x128xf32, #tpu.memory_space<vmem>> -> memref<128x128xf32, #tpu.memory_space<vmem>>
        tpu.vector_store_idx %parallel_loop3A_459[%parallel_loop3A_450, %parallel_loop3A_448], %parallel_loop3A_455 : memref<128x128xf32, #tpu.memory_space<vmem>>[vector<16xi32>, vector<16xi32>], vector<16xf32>,
        %parallel_loop3A_460 = vector.broadcast %parallel_loop3A_446 : i32 to vector<16xi32>
        %parallel_loop3A_461 = arith.addi %and3A_98, %parallel_loop3A_460 : vector<16xi32>
        %parallel_loop3A_462 = arith.constant 0 : i32
        %parallel_loop3A_463 = arith.constant 0 : i32
        %parallel_loop3A_464 = tpu.memref_slice %arg9[%scan3A_350, %parallel_loop3A_462, %parallel_loop3A_463] : memref<3x128x128xf32, #tpu.memory_space<vmem>> -> memref<1x128x128xf32, #tpu.memory_space<vmem>>
        %parallel_loop3A_465 = tpu.memref_squeeze %parallel_loop3A_464 : memref<1x128x128xf32, #tpu.memory_space<vmem>> -> memref<128x128xf32, #tpu.memory_space<vmem>>
        %parallel_loop3A_466 = tpu.vector_load_idx %parallel_loop3A_465[%parallel_loop3A_448, %parallel_loop3A_461] : memref<128x128xf32, #tpu.memory_space<vmem>>[vector<16xi32>, vector<16xi32>], vector<16xf32>,
        %parallel_loop3A_467 = arith.constant 0 : i32
        %parallel_loop3A_468 = arith.constant 0 : i32
        %parallel_loop3A_469 = tpu.memref_slice %arg10[%and3A_353, %parallel_loop3A_467, %parallel_loop3A_468] : memref<2x128x128xf32, #tpu.memory_space<vmem>> -> memref<1x128x128xf32, #tpu.memory_space<vmem>>
        %parallel_loop3A_470 = tpu.memref_squeeze %parallel_loop3A_469 : memref<1x128x128xf32, #tpu.memory_space<vmem>> -> memref<128x128xf32, #tpu.memory_space<vmem>>
        tpu.vector_store_idx %parallel_loop3A_470[%parallel_loop3A_461, %parallel_loop3A_448], %parallel_loop3A_466 : memref<128x128xf32, #tpu.memory_space<vmem>>[vector<16xi32>, vector<16xi32>], vector<16xf32>,
        %parallel_loop3A_471 = vector.broadcast %parallel_loop3A_446 : i32 to vector<16xi32>
        %parallel_loop3A_472 = arith.addi %and3A_104, %parallel_loop3A_471 : vector<16xi32>
        %parallel_loop3A_473 = arith.constant 0 : i32
        %parallel_loop3A_474 = arith.constant 0 : i32
        %parallel_loop3A_475 = tpu.memref_slice %arg9[%scan3A_350, %parallel_loop3A_473, %parallel_loop3A_474] : memref<3x128x128xf32, #tpu.memory_space<vmem>> -> memref<1x128x128xf32, #tpu.memory_space<vmem>>
        %parallel_loop3A_476 = tpu.memref_squeeze %parallel_loop3A_475 : memref<1x128x128xf32, #tpu.memory_space<vmem>> -> memref<128x128xf32, #tpu.memory_space<vmem>>
        %parallel_loop3A_477 = tpu.vector_load_idx %parallel_loop3A_476[%parallel_loop3A_448, %parallel_loop3A_472] : memref<128x128xf32, #tpu.memory_space<vmem>>[vector<16xi32>, vector<16xi32>], vector<16xf32>,
        %parallel_loop3A_478 = arith.constant 0 : i32
        %parallel_loop3A_479 = arith.constant 0 : i32
        %parallel_loop3A_480 = tpu.memref_slice %arg10[%and3A_353, %parallel_loop3A_478, %parallel_loop3A_479] : memref<2x128x128xf32, #tpu.memory_space<vmem>> -> memref<1x128x128xf32, #tpu.memory_space<vmem>>
        %parallel_loop3A_481 = tpu.memref_squeeze %parallel_loop3A_480 : memref<1x128x128xf32, #tpu.memory_space<vmem>> -> memref<128x128xf32, #tpu.memory_space<vmem>>
        tpu.vector_store_idx %parallel_loop3A_481[%parallel_loop3A_472, %parallel_loop3A_448], %parallel_loop3A_477 : memref<128x128xf32, #tpu.memory_space<vmem>>[vector<16xi32>, vector<16xi32>], vector<16xf32>,
        %parallel_loop3A_482 = vector.broadcast %parallel_loop3A_446 : i32 to vector<16xi32>
        %parallel_loop3A_483 = arith.addi %and3A_110, %parallel_loop3A_482 : vector<16xi32>
        %parallel_loop3A_484 = arith.constant 0 : i32
        %parallel_loop3A_485 = arith.constant 0 : i32
        %parallel_loop3A_486 = tpu.memref_slice %arg9[%scan3A_350, %parallel_loop3A_484, %parallel_loop3A_485] : memref<3x128x128xf32, #tpu.memory_space<vmem>> -> memref<1x128x128xf32, #tpu.memory_space<vmem>>
        %parallel_loop3A_487 = tpu.memref_squeeze %parallel_loop3A_486 : memref<1x128x128xf32, #tpu.memory_space<vmem>> -> memref<128x128xf32, #tpu.memory_space<vmem>>
        %parallel_loop3A_488 = tpu.vector_load_idx %parallel_loop3A_487[%parallel_loop3A_448, %parallel_loop3A_483] : memref<128x128xf32, #tpu.memory_space<vmem>>[vector<16xi32>, vector<16xi32>], vector<16xf32>,
        %parallel_loop3A_489 = arith.constant 0 : i32
        %parallel_loop3A_490 = arith.constant 0 : i32
        %parallel_loop3A_491 = tpu.memref_slice %arg10[%and3A_353, %parallel_loop3A_489, %parallel_loop3A_490] : memref<2x128x128xf32, #tpu.memory_space<vmem>> -> memref<1x128x128xf32, #tpu.memory_space<vmem>>
        %parallel_loop3A_492 = tpu.memref_squeeze %parallel_loop3A_491 : memref<1x128x128xf32, #tpu.memory_space<vmem>> -> memref<128x128xf32, #tpu.memory_space<vmem>>
        tpu.vector_store_idx %parallel_loop3A_492[%parallel_loop3A_483, %parallel_loop3A_448], %parallel_loop3A_488 : memref<128x128xf32, #tpu.memory_space<vmem>>[vector<16xi32>, vector<16xi32>], vector<16xf32>,
        %parallel_loop3A_493 = vector.broadcast %parallel_loop3A_446 : i32 to vector<16xi32>
        %parallel_loop3A_494 = arith.addi %and3A_116, %parallel_loop3A_493 : vector<16xi32>
        %parallel_loop3A_495 = arith.constant 0 : i32
        %parallel_loop3A_496 = arith.constant 0 : i32
        %parallel_loop3A_497 = tpu.memref_slice %arg9[%scan3A_350, %parallel_loop3A_495, %parallel_loop3A_496] : memref<3x128x128xf32, #tpu.memory_space<vmem>> -> memref<1x128x128xf32, #tpu.memory_space<vmem>>
        %parallel_loop3A_498 = tpu.memref_squeeze %parallel_loop3A_497 : memref<1x128x128xf32, #tpu.memory_space<vmem>> -> memref<128x128xf32, #tpu.memory_space<vmem>>
        %parallel_loop3A_499 = tpu.vector_load_idx %parallel_loop3A_498[%parallel_loop3A_448, %parallel_loop3A_494] : memref<128x128xf32, #tpu.memory_space<vmem>>[vector<16xi32>, vector<16xi32>], vector<16xf32>,
        %parallel_loop3A_500 = arith.constant 0 : i32
        %parallel_loop3A_501 = arith.constant 0 : i32
        %parallel_loop3A_502 = tpu.memref_slice %arg10[%and3A_353, %parallel_loop3A_500, %parallel_loop3A_501] : memref<2x128x128xf32, #tpu.memory_space<vmem>> -> memref<1x128x128xf32, #tpu.memory_space<vmem>>
        %parallel_loop3A_503 = tpu.memref_squeeze %parallel_loop3A_502 : memref<1x128x128xf32, #tpu.memory_space<vmem>> -> memref<128x128xf32, #tpu.memory_space<vmem>>
        tpu.vector_store_idx %parallel_loop3A_503[%parallel_loop3A_494, %parallel_loop3A_448], %parallel_loop3A_499 : memref<128x128xf32, #tpu.memory_space<vmem>>[vector<16xi32>, vector<16xi32>], vector<16xf32>,
        %parallel_loop3A_504 = vector.broadcast %parallel_loop3A_446 : i32 to vector<16xi32>
        %parallel_loop3A_505 = arith.addi %and3A_122, %parallel_loop3A_504 : vector<16xi32>
        %parallel_loop3A_506 = arith.constant 0 : i32
        %parallel_loop3A_507 = arith.constant 0 : i32
        %parallel_loop3A_508 = tpu.memref_slice %arg9[%scan3A_350, %parallel_loop3A_506, %parallel_loop3A_507] : memref<3x128x128xf32, #tpu.memory_space<vmem>> -> memref<1x128x128xf32, #tpu.memory_space<vmem>>
        %parallel_loop3A_509 = tpu.memref_squeeze %parallel_loop3A_508 : memref<1x128x128xf32, #tpu.memory_space<vmem>> -> memref<128x128xf32, #tpu.memory_space<vmem>>
        %parallel_loop3A_510 = tpu.vector_load_idx %parallel_loop3A_509[%parallel_loop3A_448, %parallel_loop3A_505] : memref<128x128xf32, #tpu.memory_space<vmem>>[vector<16xi32>, vector<16xi32>], vector<16xf32>,
        %parallel_loop3A_511 = arith.constant 0 : i32
        %parallel_loop3A_512 = arith.constant 0 : i32
        %parallel_loop3A_513 = tpu.memref_slice %arg10[%and3A_353, %parallel_loop3A_511, %parallel_loop3A_512] : memref<2x128x128xf32, #tpu.memory_space<vmem>> -> memref<1x128x128xf32, #tpu.memory_space<vmem>>
        %parallel_loop3A_514 = tpu.memref_squeeze %parallel_loop3A_513 : memref<1x128x128xf32, #tpu.memory_space<vmem>> -> memref<128x128xf32, #tpu.memory_space<vmem>>
        tpu.vector_store_idx %parallel_loop3A_514[%parallel_loop3A_505, %parallel_loop3A_448], %parallel_loop3A_510 : memref<128x128xf32, #tpu.memory_space<vmem>>[vector<16xi32>, vector<16xi32>], vector<16xf32>,
        %parallel_loop3A_515 = vector.broadcast %parallel_loop3A_446 : i32 to vector<16xi32>
        %parallel_loop3A_516 = arith.addi %and3A_128, %parallel_loop3A_515 : vector<16xi32>
        %parallel_loop3A_517 = arith.constant 0 : i32
        %parallel_loop3A_518 = arith.constant 0 : i32
        %parallel_loop3A_519 = tpu.memref_slice %arg9[%scan3A_350, %parallel_loop3A_517, %parallel_loop3A_518] : memref<3x128x128xf32, #tpu.memory_space<vmem>> -> memref<1x128x128xf32, #tpu.memory_space<vmem>>
        %parallel_loop3A_520 = tpu.memref_squeeze %parallel_loop3A_519 : memref<1x128x128xf32, #tpu.memory_space<vmem>> -> memref<128x128xf32, #tpu.memory_space<vmem>>
        %parallel_loop3A_521 = tpu.vector_load_idx %parallel_loop3A_520[%parallel_loop3A_448, %parallel_loop3A_516] : memref<128x128xf32, #tpu.memory_space<vmem>>[vector<16xi32>, vector<16xi32>], vector<16xf32>,
        %parallel_loop3A_522 = arith.constant 0 : i32
        %parallel_loop3A_523 = arith.constant 0 : i32
        %parallel_loop3A_524 = tpu.memref_slice %arg10[%and3A_353, %parallel_loop3A_522, %parallel_loop3A_523] : memref<2x128x128xf32, #tpu.memory_space<vmem>> -> memref<1x128x128xf32, #tpu.memory_space<vmem>>
        %parallel_loop3A_525 = tpu.memref_squeeze %parallel_loop3A_524 : memref<1x128x128xf32, #tpu.memory_space<vmem>> -> memref<128x128xf32, #tpu.memory_space<vmem>>
        tpu.vector_store_idx %parallel_loop3A_525[%parallel_loop3A_516, %parallel_loop3A_448], %parallel_loop3A_521 : memref<128x128xf32, #tpu.memory_space<vmem>>[vector<16xi32>, vector<16xi32>], vector<16xf32>,
        %parallel_loop3A_526 = vector.broadcast %parallel_loop3A_446 : i32 to vector<16xi32>
        %parallel_loop3A_527 = arith.addi %and3A_134, %parallel_loop3A_526 : vector<16xi32>
        %parallel_loop3A_528 = arith.constant 0 : i32
        %parallel_loop3A_529 = arith.constant 0 : i32
        %parallel_loop3A_530 = tpu.memref_slice %arg9[%scan3A_350, %parallel_loop3A_528, %parallel_loop3A_529] : memref<3x128x128xf32, #tpu.memory_space<vmem>> -> memref<1x128x128xf32, #tpu.memory_space<vmem>>
        %parallel_loop3A_531 = tpu.memref_squeeze %parallel_loop3A_530 : memref<1x128x128xf32, #tpu.memory_space<vmem>> -> memref<128x128xf32, #tpu.memory_space<vmem>>
        %parallel_loop3A_532 = tpu.vector_load_idx %parallel_loop3A_531[%parallel_loop3A_448, %parallel_loop3A_527] : memref<128x128xf32, #tpu.memory_space<vmem>>[vector<16xi32>, vector<16xi32>], vector<16xf32>,
        %parallel_loop3A_533 = arith.constant 0 : i32
        %parallel_loop3A_534 = arith.constant 0 : i32
        %parallel_loop3A_535 = tpu.memref_slice %arg10[%and3A_353, %parallel_loop3A_533, %parallel_loop3A_534] : memref<2x128x128xf32, #tpu.memory_space<vmem>> -> memref<1x128x128xf32, #tpu.memory_space<vmem>>
        %parallel_loop3A_536 = tpu.memref_squeeze %parallel_loop3A_535 : memref<1x128x128xf32, #tpu.memory_space<vmem>> -> memref<128x128xf32, #tpu.memory_space<vmem>>
        tpu.vector_store_idx %parallel_loop3A_536[%parallel_loop3A_527, %parallel_loop3A_448], %parallel_loop3A_532 : memref<128x128xf32, #tpu.memory_space<vmem>>[vector<16xi32>, vector<16xi32>], vector<16xf32>,
        %parallel_loop3A_537 = vector.broadcast %parallel_loop3A_446 : i32 to vector<16xi32>
        %parallel_loop3A_538 = arith.addi %and3A_140, %parallel_loop3A_537 : vector<16xi32>
        %parallel_loop3A_539 = arith.constant 0 : i32
        %parallel_loop3A_540 = arith.constant 0 : i32
        %parallel_loop3A_541 = tpu.memref_slice %arg9[%scan3A_350, %parallel_loop3A_539, %parallel_loop3A_540] : memref<3x128x128xf32, #tpu.memory_space<vmem>> -> memref<1x128x128xf32, #tpu.memory_space<vmem>>
        %parallel_loop3A_542 = tpu.memref_squeeze %parallel_loop3A_541 : memref<1x128x128xf32, #tpu.memory_space<vmem>> -> memref<128x128xf32, #tpu.memory_space<vmem>>
        %parallel_loop3A_543 = tpu.vector_load_idx %parallel_loop3A_542[%parallel_loop3A_448, %parallel_loop3A_538] : memref<128x128xf32, #tpu.memory_space<vmem>>[vector<16xi32>, vector<16xi32>], vector<16xf32>,
        %parallel_loop3A_544 = arith.constant 0 : i32
        %parallel_loop3A_545 = arith.constant 0 : i32
        %parallel_loop3A_546 = tpu.memref_slice %arg10[%and3A_353, %parallel_loop3A_544, %parallel_loop3A_545] : memref<2x128x128xf32, #tpu.memory_space<vmem>> -> memref<1x128x128xf32, #tpu.memory_space<vmem>>
        %parallel_loop3A_547 = tpu.memref_squeeze %parallel_loop3A_546 : memref<1x128x128xf32, #tpu.memory_space<vmem>> -> memref<128x128xf32, #tpu.memory_space<vmem>>
        tpu.vector_store_idx %parallel_loop3A_547[%parallel_loop3A_538, %parallel_loop3A_448], %parallel_loop3A_543 : memref<128x128xf32, #tpu.memory_space<vmem>>[vector<16xi32>, vector<16xi32>], vector<16xf32>,
        %parallel_loop3A_548 = vector.broadcast %parallel_loop3A_446 : i32 to vector<16xi32>
        %parallel_loop3A_549 = arith.addi %and3A_146, %parallel_loop3A_548 : vector<16xi32>
        %parallel_loop3A_550 = arith.constant 0 : i32
        %parallel_loop3A_551 = arith.constant 0 : i32
        %parallel_loop3A_552 = tpu.memref_slice %arg9[%scan3A_350, %parallel_loop3A_550, %parallel_loop3A_551] : memref<3x128x128xf32, #tpu.memory_space<vmem>> -> memref<1x128x128xf32, #tpu.memory_space<vmem>>
        %parallel_loop3A_553 = tpu.memref_squeeze %parallel_loop3A_552 : memref<1x128x128xf32, #tpu.memory_space<vmem>> -> memref<128x128xf32, #tpu.memory_space<vmem>>
        %parallel_loop3A_554 = tpu.vector_load_idx %parallel_loop3A_553[%parallel_loop3A_448, %parallel_loop3A_549] : memref<128x128xf32, #tpu.memory_space<vmem>>[vector<16xi32>, vector<16xi32>], vector<16xf32>,
        %parallel_loop3A_555 = arith.constant 0 : i32
        %parallel_loop3A_556 = arith.constant 0 : i32
        %parallel_loop3A_557 = tpu.memref_slice %arg10[%and3A_353, %parallel_loop3A_555, %parallel_loop3A_556] : memref<2x128x128xf32, #tpu.memory_space<vmem>> -> memref<1x128x128xf32, #tpu.memory_space<vmem>>
        %parallel_loop3A_558 = tpu.memref_squeeze %parallel_loop3A_557 : memref<1x128x128xf32, #tpu.memory_space<vmem>> -> memref<128x128xf32, #tpu.memory_space<vmem>>
        tpu.vector_store_idx %parallel_loop3A_558[%parallel_loop3A_549, %parallel_loop3A_448], %parallel_loop3A_554 : memref<128x128xf32, #tpu.memory_space<vmem>>[vector<16xi32>, vector<16xi32>], vector<16xf32>,
        %parallel_loop3A_559 = vector.broadcast %parallel_loop3A_446 : i32 to vector<16xi32>
        %parallel_loop3A_560 = arith.addi %and3A_152, %parallel_loop3A_559 : vector<16xi32>
        %parallel_loop3A_561 = arith.constant 0 : i32
        %parallel_loop3A_562 = arith.constant 0 : i32
        %parallel_loop3A_563 = tpu.memref_slice %arg9[%scan3A_350, %parallel_loop3A_561, %parallel_loop3A_562] : memref<3x128x128xf32, #tpu.memory_space<vmem>> -> memref<1x128x128xf32, #tpu.memory_space<vmem>>
        %parallel_loop3A_564 = tpu.memref_squeeze %parallel_loop3A_563 : memref<1x128x128xf32, #tpu.memory_space<vmem>> -> memref<128x128xf32, #tpu.memory_space<vmem>>
        %parallel_loop3A_565 = tpu.vector_load_idx %parallel_loop3A_564[%parallel_loop3A_448, %parallel_loop3A_560] : memref<128x128xf32, #tpu.memory_space<vmem>>[vector<16xi32>, vector<16xi32>], vector<16xf32>,
        %parallel_loop3A_566 = arith.constant 0 : i32
        %parallel_loop3A_567 = arith.constant 0 : i32
        %parallel_loop3A_568 = tpu.memref_slice %arg10[%and3A_353, %parallel_loop3A_566, %parallel_loop3A_567] : memref<2x128x128xf32, #tpu.memory_space<vmem>> -> memref<1x128x128xf32, #tpu.memory_space<vmem>>
        %parallel_loop3A_569 = tpu.memref_squeeze %parallel_loop3A_568 : memref<1x128x128xf32, #tpu.memory_space<vmem>> -> memref<128x128xf32, #tpu.memory_space<vmem>>
        tpu.vector_store_idx %parallel_loop3A_569[%parallel_loop3A_560, %parallel_loop3A_448], %parallel_loop3A_565 : memref<128x128xf32, #tpu.memory_space<vmem>>[vector<16xi32>, vector<16xi32>], vector<16xf32>,
        %parallel_loop3A_570 = vector.broadcast %parallel_loop3A_446 : i32 to vector<16xi32>
        %parallel_loop3A_571 = arith.addi %and3A_158, %parallel_loop3A_570 : vector<16xi32>
        %parallel_loop3A_572 = arith.constant 0 : i32
        %parallel_loop3A_573 = arith.constant 0 : i32
        %parallel_loop3A_574 = tpu.memref_slice %arg9[%scan3A_350, %parallel_loop3A_572, %parallel_loop3A_573] : memref<3x128x128xf32, #tpu.memory_space<vmem>> -> memref<1x128x128xf32, #tpu.memory_space<vmem>>
        %parallel_loop3A_575 = tpu.memref_squeeze %parallel_loop3A_574 : memref<1x128x128xf32, #tpu.memory_space<vmem>> -> memref<128x128xf32, #tpu.memory_space<vmem>>
        %parallel_loop3A_576 = tpu.vector_load_idx %parallel_loop3A_575[%parallel_loop3A_448, %parallel_loop3A_571] : memref<128x128xf32, #tpu.memory_space<vmem>>[vector<16xi32>, vector<16xi32>], vector<16xf32>,
        %parallel_loop3A_577 = arith.constant 0 : i32
        %parallel_loop3A_578 = arith.constant 0 : i32
        %parallel_loop3A_579 = tpu.memref_slice %arg10[%and3A_353, %parallel_loop3A_577, %parallel_loop3A_578] : memref<2x128x128xf32, #tpu.memory_space<vmem>> -> memref<1x128x128xf32, #tpu.memory_space<vmem>>
        %parallel_loop3A_580 = tpu.memref_squeeze %parallel_loop3A_579 : memref<1x128x128xf32, #tpu.memory_space<vmem>> -> memref<128x128xf32, #tpu.memory_space<vmem>>
        tpu.vector_store_idx %parallel_loop3A_580[%parallel_loop3A_571, %parallel_loop3A_448], %parallel_loop3A_576 : memref<128x128xf32, #tpu.memory_space<vmem>>[vector<16xi32>, vector<16xi32>], vector<16xf32>,
        %parallel_loop3A_581 = vector.broadcast %parallel_loop3A_446 : i32 to vector<16xi32>
        %parallel_loop3A_582 = arith.addi %and3A_164, %parallel_loop3A_581 : vector<16xi32>
        %parallel_loop3A_583 = arith.constant 0 : i32
        %parallel_loop3A_584 = arith.constant 0 : i32
        %parallel_loop3A_585 = tpu.memref_slice %arg9[%scan3A_350, %parallel_loop3A_583, %parallel_loop3A_584] : memref<3x128x128xf32, #tpu.memory_space<vmem>> -> memref<1x128x128xf32, #tpu.memory_space<vmem>>
        %parallel_loop3A_586 = tpu.memref_squeeze %parallel_loop3A_585 : memref<1x128x128xf32, #tpu.memory_space<vmem>> -> memref<128x128xf32, #tpu.memory_space<vmem>>
        %parallel_loop3A_587 = tpu.vector_load_idx %parallel_loop3A_586[%parallel_loop3A_448, %parallel_loop3A_582] : memref<128x128xf32, #tpu.memory_space<vmem>>[vector<16xi32>, vector<16xi32>], vector<16xf32>,
        %parallel_loop3A_588 = arith.constant 0 : i32
        %parallel_loop3A_589 = arith.constant 0 : i32
        %parallel_loop3A_590 = tpu.memref_slice %arg10[%and3A_353, %parallel_loop3A_588, %parallel_loop3A_589] : memref<2x128x128xf32, #tpu.memory_space<vmem>> -> memref<1x128x128xf32, #tpu.memory_space<vmem>>
        %parallel_loop3A_591 = tpu.memref_squeeze %parallel_loop3A_590 : memref<1x128x128xf32, #tpu.memory_space<vmem>> -> memref<128x128xf32, #tpu.memory_space<vmem>>
        tpu.vector_store_idx %parallel_loop3A_591[%parallel_loop3A_582, %parallel_loop3A_448], %parallel_loop3A_587 : memref<128x128xf32, #tpu.memory_space<vmem>>[vector<16xi32>, vector<16xi32>], vector<16xf32>,
        %parallel_loop3A_592 = vector.broadcast %parallel_loop3A_446 : i32 to vector<16xi32>
        %parallel_loop3A_593 = arith.addi %and3A_170, %parallel_loop3A_592 : vector<16xi32>
        %parallel_loop3A_594 = arith.constant 0 : i32
        %parallel_loop3A_595 = arith.constant 0 : i32
        %parallel_loop3A_596 = tpu.memref_slice %arg9[%scan3A_350, %parallel_loop3A_594, %parallel_loop3A_595] : memref<3x128x128xf32, #tpu.memory_space<vmem>> -> memref<1x128x128xf32, #tpu.memory_space<vmem>>
        %parallel_loop3A_597 = tpu.memref_squeeze %parallel_loop3A_596 : memref<1x128x128xf32, #tpu.memory_space<vmem>> -> memref<128x128xf32, #tpu.memory_space<vmem>>
        %parallel_loop3A_598 = tpu.vector_load_idx %parallel_loop3A_597[%parallel_loop3A_448, %parallel_loop3A_593] : memref<128x128xf32, #tpu.memory_space<vmem>>[vector<16xi32>, vector<16xi32>], vector<16xf32>,
        %parallel_loop3A_599 = arith.constant 0 : i32
        %parallel_loop3A_600 = arith.constant 0 : i32
        %parallel_loop3A_601 = tpu.memref_slice %arg10[%and3A_353, %parallel_loop3A_599, %parallel_loop3A_600] : memref<2x128x128xf32, #tpu.memory_space<vmem>> -> memref<1x128x128xf32, #tpu.memory_space<vmem>>
        %parallel_loop3A_602 = tpu.memref_squeeze %parallel_loop3A_601 : memref<1x128x128xf32, #tpu.memory_space<vmem>> -> memref<128x128xf32, #tpu.memory_space<vmem>>
        tpu.vector_store_idx %parallel_loop3A_602[%parallel_loop3A_593, %parallel_loop3A_448], %parallel_loop3A_598 : memref<128x128xf32, #tpu.memory_space<vmem>>[vector<16xi32>, vector<16xi32>], vector<16xf32>,
        %parallel_loop3A_603 = vector.broadcast %parallel_loop3A_446 : i32 to vector<16xi32>
        %parallel_loop3A_604 = arith.addi %and3A_176, %parallel_loop3A_603 : vector<16xi32>
        %parallel_loop3A_605 = arith.constant 0 : i32
        %parallel_loop3A_606 = arith.constant 0 : i32
        %parallel_loop3A_607 = tpu.memref_slice %arg9[%scan3A_350, %parallel_loop3A_605, %parallel_loop3A_606] : memref<3x128x128xf32, #tpu.memory_space<vmem>> -> memref<1x128x128xf32, #tpu.memory_space<vmem>>
        %parallel_loop3A_608 = tpu.memref_squeeze %parallel_loop3A_607 : memref<1x128x128xf32, #tpu.memory_space<vmem>> -> memref<128x128xf32, #tpu.memory_space<vmem>>
        %parallel_loop3A_609 = tpu.vector_load_idx %parallel_loop3A_608[%parallel_loop3A_448, %parallel_loop3A_604] : memref<128x128xf32, #tpu.memory_space<vmem>>[vector<16xi32>, vector<16xi32>], vector<16xf32>,
        %parallel_loop3A_610 = arith.constant 0 : i32
        %parallel_loop3A_611 = arith.constant 0 : i32
        %parallel_loop3A_612 = tpu.memref_slice %arg10[%and3A_353, %parallel_loop3A_610, %parallel_loop3A_611] : memref<2x128x128xf32, #tpu.memory_space<vmem>> -> memref<1x128x128xf32, #tpu.memory_space<vmem>>
        %parallel_loop3A_613 = tpu.memref_squeeze %parallel_loop3A_612 : memref<1x128x128xf32, #tpu.memory_space<vmem>> -> memref<128x128xf32, #tpu.memory_space<vmem>>
        tpu.vector_store_idx %parallel_loop3A_613[%parallel_loop3A_604, %parallel_loop3A_448], %parallel_loop3A_609 : memref<128x128xf32, #tpu.memory_space<vmem>>[vector<16xi32>, vector<16xi32>], vector<16xf32>,
        %parallel_loop3A_614 = vector.broadcast %parallel_loop3A_446 : i32 to vector<16xi32>
        %parallel_loop3A_615 = arith.addi %and3A_182, %parallel_loop3A_614 : vector<16xi32>
        %parallel_loop3A_616 = arith.constant 0 : i32
        %parallel_loop3A_617 = arith.constant 0 : i32
        %parallel_loop3A_618 = tpu.memref_slice %arg9[%scan3A_350, %parallel_loop3A_616, %parallel_loop3A_617] : memref<3x128x128xf32, #tpu.memory_space<vmem>> -> memref<1x128x128xf32, #tpu.memory_space<vmem>>
        %parallel_loop3A_619 = tpu.memref_squeeze %parallel_loop3A_618 : memref<1x128x128xf32, #tpu.memory_space<vmem>> -> memref<128x128xf32, #tpu.memory_space<vmem>>
        %parallel_loop3A_620 = tpu.vector_load_idx %parallel_loop3A_619[%parallel_loop3A_448, %parallel_loop3A_615] : memref<128x128xf32, #tpu.memory_space<vmem>>[vector<16xi32>, vector<16xi32>], vector<16xf32>,
        %parallel_loop3A_621 = arith.constant 0 : i32
        %parallel_loop3A_622 = arith.constant 0 : i32
        %parallel_loop3A_623 = tpu.memref_slice %arg10[%and3A_353, %parallel_loop3A_621, %parallel_loop3A_622] : memref<2x128x128xf32, #tpu.memory_space<vmem>> -> memref<1x128x128xf32, #tpu.memory_space<vmem>>
        %parallel_loop3A_624 = tpu.memref_squeeze %parallel_loop3A_623 : memref<1x128x128xf32, #tpu.memory_space<vmem>> -> memref<128x128xf32, #tpu.memory_space<vmem>>
        tpu.vector_store_idx %parallel_loop3A_624[%parallel_loop3A_615, %parallel_loop3A_448], %parallel_loop3A_620 : memref<128x128xf32, #tpu.memory_space<vmem>>[vector<16xi32>, vector<16xi32>], vector<16xf32>,
      } {sc.loop_unroll_factor = 4 : i64, sc.parallel_access}
      %parallel_loop3A_393 = arith.constant 0 : i32
      %parallel_loop3A_394 = arith.constant 8 : i32
      %parallel_loop3A_395 = arith.constant 1 : i32
      scf.for %parallel_loop3A_438 = %parallel_loop3A_393 to %parallel_loop3A_394 step %parallel_loop3A_395  : i32 {
        %parallel_loop3A_439 = arith.constant 16 : i32
        %parallel_loop3A_440 = arith.muli %parallel_loop3A_438, %parallel_loop3A_439 : i32
        %parallel_loop3A_441 = arith.addi %mul3A_371, %parallel_loop3A_440 : i32
        %parallel_loop3A_442 = arith.index_cast %select_n3A_379 : i32 to index
        %parallel_loop3A_443 = arith.index_cast %parallel_loop3A_441 : i32 to index
        %parallel_loop3A_444 = tpu.vector_load %arg8[%parallel_loop3A_442, %parallel_loop3A_443] {strides = array<i32>} : memref<16x1024xi32, #tpu.memory_space<vmem>>, vector<16xi32>,
        %parallel_loop3A_445 = arith.constant 16 : i32
        %parallel_loop3A_446 = vector.broadcast %parallel_loop3A_445 : i32 to vector<16xi32>
        %parallel_loop3A_447 = arith.muli %parallel_loop3A_444, %parallel_loop3A_446 : vector<16xi32>
        %parallel_loop3A_448 = arith.constant 0 : i32
        %parallel_loop3A_449 = vector.broadcast %parallel_loop3A_448 : i32 to vector<16xi32>
        %parallel_loop3A_450 = arith.addi %parallel_loop3A_447, %parallel_loop3A_449 : vector<16xi32>
        %parallel_loop3A_451 = tpu.vector_load_idx %arg12[%parallel_loop3A_450] : memref<64xf32, #tpu.memory_space<vmem>>[vector<16xi32>], vector<16xf32>,
        %parallel_loop3A_452 = arith.constant 0 : i32
        %parallel_loop3A_453 = arith.index_cast %and3A_353 : i32 to index
        %parallel_loop3A_454 = arith.index_cast %parallel_loop3A_452 : i32 to index
        %parallel_loop3A_455 = arith.index_cast %parallel_loop3A_440 : i32 to index
        %parallel_loop3A_456 = tpu.vector_load %arg11[%parallel_loop3A_453, %parallel_loop3A_454, %parallel_loop3A_455] {strides = array<i32>} : memref<2x16x128xf32, #tpu.memory_space<vmem>>, vector<16xf32>,
        tpu.vector_store %arg11[%parallel_loop3A_453, %parallel_loop3A_454, %parallel_loop3A_455], %parallel_loop3A_451 {strides = array<i32>} : memref<2x16x128xf32, #tpu.memory_space<vmem>>, vector<16xf32>,
        %parallel_loop3A_457 = arith.constant 1 : i32
        %parallel_loop3A_458 = vector.broadcast %parallel_loop3A_457 : i32 to vector<16xi32>
        %parallel_loop3A_459 = arith.addi %parallel_loop3A_447, %parallel_loop3A_458 : vector<16xi32>
        %parallel_loop3A_460 = tpu.vector_load_idx %arg12[%parallel_loop3A_459] : memref<64xf32, #tpu.memory_space<vmem>>[vector<16xi32>], vector<16xf32>,
        %parallel_loop3A_461 = arith.constant 1 : i32
        %parallel_loop3A_462 = arith.index_cast %and3A_353 : i32 to index
        %parallel_loop3A_463 = arith.index_cast %parallel_loop3A_461 : i32 to index
        %parallel_loop3A_464 = arith.index_cast %parallel_loop3A_440 : i32 to index
        %parallel_loop3A_465 = tpu.vector_load %arg11[%parallel_loop3A_462, %parallel_loop3A_463, %parallel_loop3A_464] {strides = array<i32>} : memref<2x16x128xf32, #tpu.memory_space<vmem>>, vector<16xf32>,
        tpu.vector_store %arg11[%parallel_loop3A_462, %parallel_loop3A_463, %parallel_loop3A_464], %parallel_loop3A_460 {strides = array<i32>} : memref<2x16x128xf32, #tpu.memory_space<vmem>>, vector<16xf32>,
        %parallel_loop3A_466 = arith.constant 2 : i32
        %parallel_loop3A_467 = vector.broadcast %parallel_loop3A_466 : i32 to vector<16xi32>
        %parallel_loop3A_468 = arith.addi %parallel_loop3A_447, %parallel_loop3A_467 : vector<16xi32>
        %parallel_loop3A_469 = tpu.vector_load_idx %arg12[%parallel_loop3A_468] : memref<64xf32, #tpu.memory_space<vmem>>[vector<16xi32>], vector<16xf32>,
        %parallel_loop3A_470 = arith.constant 2 : i32
        %parallel_loop3A_471 = arith.index_cast %and3A_353 : i32 to index
        %parallel_loop3A_472 = arith.index_cast %parallel_loop3A_470 : i32 to index
        %parallel_loop3A_473 = arith.index_cast %parallel_loop3A_440 : i32 to index
        %parallel_loop3A_474 = tpu.vector_load %arg11[%parallel_loop3A_471, %parallel_loop3A_472, %parallel_loop3A_473] {strides = array<i32>} : memref<2x16x128xf32, #tpu.memory_space<vmem>>, vector<16xf32>,
        tpu.vector_store %arg11[%parallel_loop3A_471, %parallel_loop3A_472, %parallel_loop3A_473], %parallel_loop3A_469 {strides = array<i32>} : memref<2x16x128xf32, #tpu.memory_space<vmem>>, vector<16xf32>,
        %parallel_loop3A_475 = arith.constant 3 : i32
        %parallel_loop3A_476 = vector.broadcast %parallel_loop3A_475 : i32 to vector<16xi32>
        %parallel_loop3A_477 = arith.addi %parallel_loop3A_447, %parallel_loop3A_476 : vector<16xi32>
        %parallel_loop3A_478 = tpu.vector_load_idx %arg12[%parallel_loop3A_477] : memref<64xf32, #tpu.memory_space<vmem>>[vector<16xi32>], vector<16xf32>,
        %parallel_loop3A_479 = arith.constant 3 : i32
        %parallel_loop3A_480 = arith.index_cast %and3A_353 : i32 to index
        %parallel_loop3A_481 = arith.index_cast %parallel_loop3A_479 : i32 to index
        %parallel_loop3A_482 = arith.index_cast %parallel_loop3A_440 : i32 to index
        %parallel_loop3A_483 = tpu.vector_load %arg11[%parallel_loop3A_480, %parallel_loop3A_481, %parallel_loop3A_482] {strides = array<i32>} : memref<2x16x128xf32, #tpu.memory_space<vmem>>, vector<16xf32>,
        tpu.vector_store %arg11[%parallel_loop3A_480, %parallel_loop3A_481, %parallel_loop3A_482], %parallel_loop3A_478 {strides = array<i32>} : memref<2x16x128xf32, #tpu.memory_space<vmem>>, vector<16xf32>,
        %parallel_loop3A_484 = arith.constant 4 : i32
        %parallel_loop3A_485 = vector.broadcast %parallel_loop3A_484 : i32 to vector<16xi32>
        %parallel_loop3A_486 = arith.addi %parallel_loop3A_447, %parallel_loop3A_485 : vector<16xi32>
        %parallel_loop3A_487 = tpu.vector_load_idx %arg12[%parallel_loop3A_486] : memref<64xf32, #tpu.memory_space<vmem>>[vector<16xi32>], vector<16xf32>,
        %parallel_loop3A_488 = arith.constant 4 : i32
        %parallel_loop3A_489 = arith.index_cast %and3A_353 : i32 to index
        %parallel_loop3A_490 = arith.index_cast %parallel_loop3A_488 : i32 to index
        %parallel_loop3A_491 = arith.index_cast %parallel_loop3A_440 : i32 to index
        %parallel_loop3A_492 = tpu.vector_load %arg11[%parallel_loop3A_489, %parallel_loop3A_490, %parallel_loop3A_491] {strides = array<i32>} : memref<2x16x128xf32, #tpu.memory_space<vmem>>, vector<16xf32>,
        tpu.vector_store %arg11[%parallel_loop3A_489, %parallel_loop3A_490, %parallel_loop3A_491], %parallel_loop3A_487 {strides = array<i32>} : memref<2x16x128xf32, #tpu.memory_space<vmem>>, vector<16xf32>,
        %parallel_loop3A_493 = arith.constant 5 : i32
        %parallel_loop3A_494 = vector.broadcast %parallel_loop3A_493 : i32 to vector<16xi32>
        %parallel_loop3A_495 = arith.addi %parallel_loop3A_447, %parallel_loop3A_494 : vector<16xi32>
        %parallel_loop3A_496 = tpu.vector_load_idx %arg12[%parallel_loop3A_495] : memref<64xf32, #tpu.memory_space<vmem>>[vector<16xi32>], vector<16xf32>,
        %parallel_loop3A_497 = arith.constant 5 : i32
        %parallel_loop3A_498 = arith.index_cast %and3A_353 : i32 to index
        %parallel_loop3A_499 = arith.index_cast %parallel_loop3A_497 : i32 to index
        %parallel_loop3A_500 = arith.index_cast %parallel_loop3A_440 : i32 to index
        %parallel_loop3A_501 = tpu.vector_load %arg11[%parallel_loop3A_498, %parallel_loop3A_499, %parallel_loop3A_500] {strides = array<i32>} : memref<2x16x128xf32, #tpu.memory_space<vmem>>, vector<16xf32>,
        tpu.vector_store %arg11[%parallel_loop3A_498, %parallel_loop3A_499, %parallel_loop3A_500], %parallel_loop3A_496 {strides = array<i32>} : memref<2x16x128xf32, #tpu.memory_space<vmem>>, vector<16xf32>,
        %parallel_loop3A_502 = arith.constant 6 : i32
        %parallel_loop3A_503 = vector.broadcast %parallel_loop3A_502 : i32 to vector<16xi32>
        %parallel_loop3A_504 = arith.addi %parallel_loop3A_447, %parallel_loop3A_503 : vector<16xi32>
        %parallel_loop3A_505 = tpu.vector_load_idx %arg12[%parallel_loop3A_504] : memref<64xf32, #tpu.memory_space<vmem>>[vector<16xi32>], vector<16xf32>,
        %parallel_loop3A_506 = arith.constant 6 : i32
        %parallel_loop3A_507 = arith.index_cast %and3A_353 : i32 to index
        %parallel_loop3A_508 = arith.index_cast %parallel_loop3A_506 : i32 to index
        %parallel_loop3A_509 = arith.index_cast %parallel_loop3A_440 : i32 to index
        %parallel_loop3A_510 = tpu.vector_load %arg11[%parallel_loop3A_507, %parallel_loop3A_508, %parallel_loop3A_509] {strides = array<i32>} : memref<2x16x128xf32, #tpu.memory_space<vmem>>, vector<16xf32>,
        tpu.vector_store %arg11[%parallel_loop3A_507, %parallel_loop3A_508, %parallel_loop3A_509], %parallel_loop3A_505 {strides = array<i32>} : memref<2x16x128xf32, #tpu.memory_space<vmem>>, vector<16xf32>,
        %parallel_loop3A_511 = arith.constant 7 : i32
        %parallel_loop3A_512 = vector.broadcast %parallel_loop3A_511 : i32 to vector<16xi32>
        %parallel_loop3A_513 = arith.addi %parallel_loop3A_447, %parallel_loop3A_512 : vector<16xi32>
        %parallel_loop3A_514 = tpu.vector_load_idx %arg12[%parallel_loop3A_513] : memref<64xf32, #tpu.memory_space<vmem>>[vector<16xi32>], vector<16xf32>,
        %parallel_loop3A_515 = arith.constant 7 : i32
        %parallel_loop3A_516 = arith.index_cast %and3A_353 : i32 to index
        %parallel_loop3A_517 = arith.index_cast %parallel_loop3A_515 : i32 to index
        %parallel_loop3A_518 = arith.index_cast %parallel_loop3A_440 : i32 to index
        %parallel_loop3A_519 = tpu.vector_load %arg11[%parallel_loop3A_516, %parallel_loop3A_517, %parallel_loop3A_518] {strides = array<i32>} : memref<2x16x128xf32, #tpu.memory_space<vmem>>, vector<16xf32>,
        tpu.vector_store %arg11[%parallel_loop3A_516, %parallel_loop3A_517, %parallel_loop3A_518], %parallel_loop3A_514 {strides = array<i32>} : memref<2x16x128xf32, #tpu.memory_space<vmem>>, vector<16xf32>,
        %parallel_loop3A_520 = arith.constant 8 : i32
        %parallel_loop3A_521 = vector.broadcast %parallel_loop3A_520 : i32 to vector<16xi32>
        %parallel_loop3A_522 = arith.addi %parallel_loop3A_447, %parallel_loop3A_521 : vector<16xi32>
        %parallel_loop3A_523 = tpu.vector_load_idx %arg12[%parallel_loop3A_522] : memref<64xf32, #tpu.memory_space<vmem>>[vector<16xi32>], vector<16xf32>,
        %parallel_loop3A_524 = arith.constant 8 : i32
        %parallel_loop3A_525 = arith.index_cast %and3A_353 : i32 to index
        %parallel_loop3A_526 = arith.index_cast %parallel_loop3A_524 : i32 to index
        %parallel_loop3A_527 = arith.index_cast %parallel_loop3A_440 : i32 to index
        %parallel_loop3A_528 = tpu.vector_load %arg11[%parallel_loop3A_525, %parallel_loop3A_526, %parallel_loop3A_527] {strides = array<i32>} : memref<2x16x128xf32, #tpu.memory_space<vmem>>, vector<16xf32>,
        tpu.vector_store %arg11[%parallel_loop3A_525, %parallel_loop3A_526, %parallel_loop3A_527], %parallel_loop3A_523 {strides = array<i32>} : memref<2x16x128xf32, #tpu.memory_space<vmem>>, vector<16xf32>,
        %parallel_loop3A_529 = arith.constant 9 : i32
        %parallel_loop3A_530 = vector.broadcast %parallel_loop3A_529 : i32 to vector<16xi32>
        %parallel_loop3A_531 = arith.addi %parallel_loop3A_447, %parallel_loop3A_530 : vector<16xi32>
        %parallel_loop3A_532 = tpu.vector_load_idx %arg12[%parallel_loop3A_531] : memref<64xf32, #tpu.memory_space<vmem>>[vector<16xi32>], vector<16xf32>,
        %parallel_loop3A_533 = arith.constant 9 : i32
        %parallel_loop3A_534 = arith.index_cast %and3A_353 : i32 to index
        %parallel_loop3A_535 = arith.index_cast %parallel_loop3A_533 : i32 to index
        %parallel_loop3A_536 = arith.index_cast %parallel_loop3A_440 : i32 to index
        %parallel_loop3A_537 = tpu.vector_load %arg11[%parallel_loop3A_534, %parallel_loop3A_535, %parallel_loop3A_536] {strides = array<i32>} : memref<2x16x128xf32, #tpu.memory_space<vmem>>, vector<16xf32>,
        tpu.vector_store %arg11[%parallel_loop3A_534, %parallel_loop3A_535, %parallel_loop3A_536], %parallel_loop3A_532 {strides = array<i32>} : memref<2x16x128xf32, #tpu.memory_space<vmem>>, vector<16xf32>,
        %parallel_loop3A_538 = arith.constant 10 : i32
        %parallel_loop3A_539 = vector.broadcast %parallel_loop3A_538 : i32 to vector<16xi32>
        %parallel_loop3A_540 = arith.addi %parallel_loop3A_447, %parallel_loop3A_539 : vector<16xi32>
        %parallel_loop3A_541 = tpu.vector_load_idx %arg12[%parallel_loop3A_540] : memref<64xf32, #tpu.memory_space<vmem>>[vector<16xi32>], vector<16xf32>,
        %parallel_loop3A_542 = arith.constant 10 : i32
        %parallel_loop3A_543 = arith.index_cast %and3A_353 : i32 to index
        %parallel_loop3A_544 = arith.index_cast %parallel_loop3A_542 : i32 to index
        %parallel_loop3A_545 = arith.index_cast %parallel_loop3A_440 : i32 to index
        %parallel_loop3A_546 = tpu.vector_load %arg11[%parallel_loop3A_543, %parallel_loop3A_544, %parallel_loop3A_545] {strides = array<i32>} : memref<2x16x128xf32, #tpu.memory_space<vmem>>, vector<16xf32>,
        tpu.vector_store %arg11[%parallel_loop3A_543, %parallel_loop3A_544, %parallel_loop3A_545], %parallel_loop3A_541 {strides = array<i32>} : memref<2x16x128xf32, #tpu.memory_space<vmem>>, vector<16xf32>,
        %parallel_loop3A_547 = arith.constant 11 : i32
        %parallel_loop3A_548 = vector.broadcast %parallel_loop3A_547 : i32 to vector<16xi32>
        %parallel_loop3A_549 = arith.addi %parallel_loop3A_447, %parallel_loop3A_548 : vector<16xi32>
        %parallel_loop3A_550 = tpu.vector_load_idx %arg12[%parallel_loop3A_549] : memref<64xf32, #tpu.memory_space<vmem>>[vector<16xi32>], vector<16xf32>,
        %parallel_loop3A_551 = arith.constant 11 : i32
        %parallel_loop3A_552 = arith.index_cast %and3A_353 : i32 to index
        %parallel_loop3A_553 = arith.index_cast %parallel_loop3A_551 : i32 to index
        %parallel_loop3A_554 = arith.index_cast %parallel_loop3A_440 : i32 to index
        %parallel_loop3A_555 = tpu.vector_load %arg11[%parallel_loop3A_552, %parallel_loop3A_553, %parallel_loop3A_554] {strides = array<i32>} : memref<2x16x128xf32, #tpu.memory_space<vmem>>, vector<16xf32>,
        tpu.vector_store %arg11[%parallel_loop3A_552, %parallel_loop3A_553, %parallel_loop3A_554], %parallel_loop3A_550 {strides = array<i32>} : memref<2x16x128xf32, #tpu.memory_space<vmem>>, vector<16xf32>,
        %parallel_loop3A_556 = arith.constant 12 : i32
        %parallel_loop3A_557 = vector.broadcast %parallel_loop3A_556 : i32 to vector<16xi32>
        %parallel_loop3A_558 = arith.addi %parallel_loop3A_447, %parallel_loop3A_557 : vector<16xi32>
        %parallel_loop3A_559 = tpu.vector_load_idx %arg12[%parallel_loop3A_558] : memref<64xf32, #tpu.memory_space<vmem>>[vector<16xi32>], vector<16xf32>,
        %parallel_loop3A_560 = arith.constant 12 : i32
        %parallel_loop3A_561 = arith.index_cast %and3A_353 : i32 to index
        %parallel_loop3A_562 = arith.index_cast %parallel_loop3A_560 : i32 to index
        %parallel_loop3A_563 = arith.index_cast %parallel_loop3A_440 : i32 to index
        %parallel_loop3A_564 = tpu.vector_load %arg11[%parallel_loop3A_561, %parallel_loop3A_562, %parallel_loop3A_563] {strides = array<i32>} : memref<2x16x128xf32, #tpu.memory_space<vmem>>, vector<16xf32>,
        tpu.vector_store %arg11[%parallel_loop3A_561, %parallel_loop3A_562, %parallel_loop3A_563], %parallel_loop3A_559 {strides = array<i32>} : memref<2x16x128xf32, #tpu.memory_space<vmem>>, vector<16xf32>,
        %parallel_loop3A_565 = arith.constant 13 : i32
        %parallel_loop3A_566 = vector.broadcast %parallel_loop3A_565 : i32 to vector<16xi32>
        %parallel_loop3A_567 = arith.addi %parallel_loop3A_447, %parallel_loop3A_566 : vector<16xi32>
        %parallel_loop3A_568 = tpu.vector_load_idx %arg12[%parallel_loop3A_567] : memref<64xf32, #tpu.memory_space<vmem>>[vector<16xi32>], vector<16xf32>,
        %parallel_loop3A_569 = arith.constant 13 : i32
        %parallel_loop3A_570 = arith.index_cast %and3A_353 : i32 to index
        %parallel_loop3A_571 = arith.index_cast %parallel_loop3A_569 : i32 to index
        %parallel_loop3A_572 = arith.index_cast %parallel_loop3A_440 : i32 to index
        %parallel_loop3A_573 = tpu.vector_load %arg11[%parallel_loop3A_570, %parallel_loop3A_571, %parallel_loop3A_572] {strides = array<i32>} : memref<2x16x128xf32, #tpu.memory_space<vmem>>, vector<16xf32>,
        tpu.vector_store %arg11[%parallel_loop3A_570, %parallel_loop3A_571, %parallel_loop3A_572], %parallel_loop3A_568 {strides = array<i32>} : memref<2x16x128xf32, #tpu.memory_space<vmem>>, vector<16xf32>,
        %parallel_loop3A_574 = arith.constant 14 : i32
        %parallel_loop3A_575 = vector.broadcast %parallel_loop3A_574 : i32 to vector<16xi32>
        %parallel_loop3A_576 = arith.addi %parallel_loop3A_447, %parallel_loop3A_575 : vector<16xi32>
        %parallel_loop3A_577 = tpu.vector_load_idx %arg12[%parallel_loop3A_576] : memref<64xf32, #tpu.memory_space<vmem>>[vector<16xi32>], vector<16xf32>,
        %parallel_loop3A_578 = arith.constant 14 : i32
        %parallel_loop3A_579 = arith.index_cast %and3A_353 : i32 to index
        %parallel_loop3A_580 = arith.index_cast %parallel_loop3A_578 : i32 to index
        %parallel_loop3A_581 = arith.index_cast %parallel_loop3A_440 : i32 to index
        %parallel_loop3A_582 = tpu.vector_load %arg11[%parallel_loop3A_579, %parallel_loop3A_580, %parallel_loop3A_581] {strides = array<i32>} : memref<2x16x128xf32, #tpu.memory_space<vmem>>, vector<16xf32>,
        tpu.vector_store %arg11[%parallel_loop3A_579, %parallel_loop3A_580, %parallel_loop3A_581], %parallel_loop3A_577 {strides = array<i32>} : memref<2x16x128xf32, #tpu.memory_space<vmem>>, vector<16xf32>,
        %parallel_loop3A_583 = arith.constant 15 : i32
        %parallel_loop3A_584 = vector.broadcast %parallel_loop3A_583 : i32 to vector<16xi32>
        %parallel_loop3A_585 = arith.addi %parallel_loop3A_447, %parallel_loop3A_584 : vector<16xi32>
        %parallel_loop3A_586 = tpu.vector_load_idx %arg12[%parallel_loop3A_585] : memref<64xf32, #tpu.memory_space<vmem>>[vector<16xi32>], vector<16xf32>,
        %parallel_loop3A_587 = arith.constant 15 : i32
        %parallel_loop3A_588 = arith.index_cast %and3A_353 : i32 to index
        %parallel_loop3A_589 = arith.index_cast %parallel_loop3A_587 : i32 to index
        %parallel_loop3A_590 = arith.index_cast %parallel_loop3A_440 : i32 to index
        %parallel_loop3A_591 = tpu.vector_load %arg11[%parallel_loop3A_588, %parallel_loop3A_589, %parallel_loop3A_590] {strides = array<i32>} : memref<2x16x128xf32, #tpu.memory_space<vmem>>, vector<16xf32>,
        tpu.vector_store %arg11[%parallel_loop3A_588, %parallel_loop3A_589, %parallel_loop3A_590], %parallel_loop3A_586 {strides = array<i32>} : memref<2x16x128xf32, #tpu.memory_space<vmem>>, vector<16xf32>,
      } {sc.loop_unroll_factor = 2 : i64, sc.parallel_access}
      %dma_start3A_396 = arith.constant 0 : i32
      %dma_start3A_397 = arith.constant 0 : i32
      %dma_start3A_398 = tpu.memref_slice %arg10[%and3A_353, %dma_start3A_396, %dma_start3A_397] : memref<2x128x128xf32, #tpu.memory_space<vmem>> -> memref<1x128x128xf32, #tpu.memory_space<vmem>>
      %dma_start3A_399 = tpu.memref_squeeze %dma_start3A_398 : memref<1x128x128xf32, #tpu.memory_space<vmem>> -> memref<128x128xf32, #tpu.memory_space<vmem>>
      %dma_start3A_400 = arith.constant 0 : i32
      %dma_start3A_401 = tpu.memref_slice %arg6[%shift_right_logical3A_367, %dma_start3A_400, %mul3A_371] : memref<200x144x1024xf32, #tpu.memory_space<hbm>> -> memref<1x128x128xf32, #tpu.memory_space<hbm>>
      %dma_start3A_402 = tpu.memref_squeeze %dma_start3A_401 : memref<1x128x128xf32, #tpu.memory_space<hbm>> -> memref<128x128xf32, #tpu.memory_space<hbm>>
      %dma_start3A_403 = tpu.memref_slice %arg15[%and3A_353] : memref<2x!tpu.dma_semaphore, #tpu.memory_space<semaphore_mem>> -> memref<1x!tpu.dma_semaphore, #tpu.memory_space<semaphore_mem>>
      %dma_start3A_404 = tpu.memref_squeeze %dma_start3A_403 : memref<1x!tpu.dma_semaphore, #tpu.memory_space<semaphore_mem>> -> memref<!tpu.dma_semaphore, #tpu.memory_space<semaphore_mem>>
      %dma_start3A_405 = arith.constant 0 : i32
      %dma_start3A_406 = tpu.memref_slice %arg6[%shift_right_logical3A_367, %dma_start3A_405, %mul3A_371] : memref<200x144x1024xf32, #tpu.memory_space<hbm>> -> memref<1x128x128xf32, #tpu.memory_space<hbm>>
      %dma_start3A_407 = tpu.memref_squeeze %dma_start3A_406 : memref<1x128x128xf32, #tpu.memory_space<hbm>> -> memref<128x128xf32, #tpu.memory_space<hbm>>
      %dma_start3A_408 = arith.constant 0 : i32
      %dma_start3A_409 = arith.constant 0 : i32
      %dma_start3A_410 = tpu.memref_slice %arg10[%and3A_353, %dma_start3A_408, %dma_start3A_409] : memref<2x128x128xf32, #tpu.memory_space<vmem>> -> memref<1x128x128xf32, #tpu.memory_space<vmem>>
      %dma_start3A_411 = tpu.memref_squeeze %dma_start3A_410 : memref<1x128x128xf32, #tpu.memory_space<vmem>> -> memref<128x128xf32, #tpu.memory_space<vmem>>
      tpu.enqueue_dma source(%dma_start3A_411 : memref<128x128xf32, #tpu.memory_space<vmem>>) target(%dma_start3A_407 : memref<128x128xf32, #tpu.memory_space<hbm>>) target_semaphore(%dma_start3A_404 : memref<!tpu.dma_semaphore, #tpu.memory_space<semaphore_mem>>)
      %dma_start3A_412 = arith.constant 0 : i32
      %dma_start3A_413 = arith.constant 0 : i32
      %dma_start3A_414 = tpu.memref_slice %arg11[%and3A_353, %dma_start3A_412, %dma_start3A_413] : memref<2x16x128xf32, #tpu.memory_space<vmem>> -> memref<1x16x128xf32, #tpu.memory_space<vmem>>
      %dma_start3A_415 = tpu.memref_squeeze %dma_start3A_414 : memref<1x16x128xf32, #tpu.memory_space<vmem>> -> memref<16x128xf32, #tpu.memory_space<vmem>>
      %dma_start3A_416 = arith.constant 128 : i32
      %dma_start3A_417 = tpu.memref_slice %arg6[%shift_right_logical3A_367, %dma_start3A_416, %mul3A_371] : memref<200x144x1024xf32, #tpu.memory_space<hbm>> -> memref<1x16x128xf32, #tpu.memory_space<hbm>>
      %dma_start3A_418 = tpu.memref_squeeze %dma_start3A_417 : memref<1x16x128xf32, #tpu.memory_space<hbm>> -> memref<16x128xf32, #tpu.memory_space<hbm>>
      %dma_start3A_419 = tpu.memref_slice %arg15[%and3A_353] : memref<2x!tpu.dma_semaphore, #tpu.memory_space<semaphore_mem>> -> memref<1x!tpu.dma_semaphore, #tpu.memory_space<semaphore_mem>>
      %dma_start3A_420 = tpu.memref_squeeze %dma_start3A_419 : memref<1x!tpu.dma_semaphore, #tpu.memory_space<semaphore_mem>> -> memref<!tpu.dma_semaphore, #tpu.memory_space<semaphore_mem>>
      %dma_start3A_421 = arith.constant 128 : i32
      %dma_start3A_422 = tpu.memref_slice %arg6[%shift_right_logical3A_367, %dma_start3A_421, %mul3A_371] : memref<200x144x1024xf32, #tpu.memory_space<hbm>> -> memref<1x16x128xf32, #tpu.memory_space<hbm>>
      %dma_start3A_423 = tpu.memref_squeeze %dma_start3A_422 : memref<1x16x128xf32, #tpu.memory_space<hbm>> -> memref<16x128xf32, #tpu.memory_space<hbm>>
      %dma_start3A_424 = arith.constant 0 : i32
      %dma_start3A_425 = arith.constant 0 : i32
      %dma_start3A_426 = tpu.memref_slice %arg11[%and3A_353, %dma_start3A_424, %dma_start3A_425] : memref<2x16x128xf32, #tpu.memory_space<vmem>> -> memref<1x16x128xf32, #tpu.memory_space<vmem>>
      %dma_start3A_427 = tpu.memref_squeeze %dma_start3A_426 : memref<1x16x128xf32, #tpu.memory_space<vmem>> -> memref<16x128xf32, #tpu.memory_space<vmem>>
      tpu.enqueue_dma source(%dma_start3A_427 : memref<16x128xf32, #tpu.memory_space<vmem>>) target(%dma_start3A_423 : memref<16x128xf32, #tpu.memory_space<hbm>>) target_semaphore(%dma_start3A_420 : memref<!tpu.dma_semaphore, #tpu.memory_space<semaphore_mem>>)
      %eq3A = arith.constant 2 : i32
      %eq3A_428 = arith.cmpi eq, %scan3A_350, %eq3A : i32
      %add3A_429 = arith.constant 1 : i32
      %add3A_430 = arith.addi %scan3A_350, %add3A_429 : i32
      %jit3A = arith.constant 0 : i32
      %select_n3A_431 = arith.select %eq3A_428, %jit3A, %add3A_430 : i32
      %eq3A_432 = arith.constant 2 : i32
      %eq3A_433 = arith.cmpi eq, %scan3A_351, %eq3A_432 : i32
      %add3A_434 = arith.constant 1 : i32
      %add3A_435 = arith.addi %scan3A_351, %add3A_434 : i32
      %jit3A_436 = arith.constant 0 : i32
      %select_n3A_437 = arith.select %eq3A_433, %jit3A_436, %add3A_435 : i32
      scf.yield %select_n3A_431, %select_n3A_437 : i32, i32
    }
    %scan3A_244 = arith.constant 50 : i32
    %add3A_245 = arith.constant 48 : i32
    %add3A_246 = arith.addi %mul3A_2, %add3A_245 : i32
    %shift_right_logical3A_247 = arith.constant 3 : i32
    %shift_right_logical3A_248 = arith.shrui %add3A_246, %shift_right_logical3A_247 : i32
    %and3A_249 = arith.constant 7 : i32
    %and3A_250 = arith.andi %add3A_246, %and3A_249 : i32
    %mul3A_251 = arith.constant 128 : i32
    %mul3A_252 = arith.muli %and3A_250, %mul3A_251 : i32
    %add3A_253 = arith.constant 8 : i32
    %add3A_254 = arith.addi %multiple_of3A, %add3A_253 : i32
    %lt3A_255 = arith.cmpi slt, %shift_right_logical3A_248, %add3A_254 : i32
    %sub3A_256 = arith.subi %shift_right_logical3A_248, %multiple_of3A : i32
    %sub3A_257 = arith.subi %shift_right_logical3A_248, %multiple_of3A_8 : i32
    %add3A_258 = arith.constant 8 : i32
    %add3A_259 = arith.addi %sub3A_257, %add3A_258 : i32
    %select_n3A_260 = arith.select %lt3A_255, %sub3A_256, %add3A_259 : i32
    %dma_wait3A_261 = arith.constant 0 : i32
    %dma_wait3A_262 = arith.constant 0 : i32
    %dma_wait3A_263 = arith.constant 0 : i32
    %dma_wait3A_264 = arith.constant 0 : i32
    %dma_wait3A_265 = tpu.memref_slice %arg10[%dma_wait3A_261, %dma_wait3A_263, %dma_wait3A_264] : memref<2x128x128xf32, #tpu.memory_space<vmem>> -> memref<1x128x128xf32, #tpu.memory_space<vmem>>
    %dma_wait3A_266 = tpu.memref_squeeze %dma_wait3A_265 : memref<1x128x128xf32, #tpu.memory_space<vmem>> -> memref<128x128xf32, #tpu.memory_space<vmem>>
    %dma_wait3A_267 = arith.constant 0 : i32
    %dma_wait3A_268 = tpu.memref_slice %arg6[%shift_right_logical3A_248, %dma_wait3A_267, %mul3A_252] : memref<200x144x1024xf32, #tpu.memory_space<hbm>> -> memref<1x128x128xf32, #tpu.memory_space<hbm>>
    %dma_wait3A_269 = tpu.memref_squeeze %dma_wait3A_268 : memref<1x128x128xf32, #tpu.memory_space<hbm>> -> memref<128x128xf32, #tpu.memory_space<hbm>>
    %dma_wait3A_270 = tpu.memref_slice %arg15[%dma_wait3A_262] : memref<2x!tpu.dma_semaphore, #tpu.memory_space<semaphore_mem>> -> memref<1x!tpu.dma_semaphore, #tpu.memory_space<semaphore_mem>>
    %dma_wait3A_271 = tpu.memref_squeeze %dma_wait3A_270 : memref<1x!tpu.dma_semaphore, #tpu.memory_space<semaphore_mem>> -> memref<!tpu.dma_semaphore, #tpu.memory_space<semaphore_mem>>
    %dma_wait3A_272 = arith.constant 0 : i32
    %dma_wait3A_273 = tpu.memref_slice %arg6[%shift_right_logical3A_248, %dma_wait3A_272, %mul3A_252] : memref<200x144x1024xf32, #tpu.memory_space<hbm>> -> memref<1x128x128xf32, #tpu.memory_space<hbm>>
    %dma_wait3A_274 = tpu.memref_squeeze %dma_wait3A_273 : memref<1x128x128xf32, #tpu.memory_space<hbm>> -> memref<128x128xf32, #tpu.memory_space<hbm>>
    %dma_wait3A_275 = arith.constant 0 : i32
    %dma_wait3A_276 = arith.constant 0 : i32
    %dma_wait3A_277 = tpu.memref_slice %arg10[%dma_wait3A_261, %dma_wait3A_275, %dma_wait3A_276] : memref<2x128x128xf32, #tpu.memory_space<vmem>> -> memref<1x128x128xf32, #tpu.memory_space<vmem>>
    %dma_wait3A_278 = tpu.memref_squeeze %dma_wait3A_277 : memref<1x128x128xf32, #tpu.memory_space<vmem>> -> memref<128x128xf32, #tpu.memory_space<vmem>>
    tpu.wait_dma2 semaphore(%dma_wait3A_271 : memref<!tpu.dma_semaphore, #tpu.memory_space<semaphore_mem>>) src(%dma_wait3A_278 : memref<128x128xf32, #tpu.memory_space<vmem>>) dst(%dma_wait3A_274 : memref<128x128xf32, #tpu.memory_space<hbm>>)
    %dma_wait3A_279 = arith.constant 0 : i32
    %dma_wait3A_280 = arith.constant 0 : i32
    %dma_wait3A_281 = arith.constant 0 : i32
    %dma_wait3A_282 = arith.constant 0 : i32
    %dma_wait3A_283 = tpu.memref_slice %arg11[%dma_wait3A_279, %dma_wait3A_281, %dma_wait3A_282] : memref<2x16x128xf32, #tpu.memory_space<vmem>> -> memref<1x16x128xf32, #tpu.memory_space<vmem>>
    %dma_wait3A_284 = tpu.memref_squeeze %dma_wait3A_283 : memref<1x16x128xf32, #tpu.memory_space<vmem>> -> memref<16x128xf32, #tpu.memory_space<vmem>>
    %dma_wait3A_285 = arith.constant 128 : i32
    %dma_wait3A_286 = tpu.memref_slice %arg6[%shift_right_logical3A_248, %dma_wait3A_285, %mul3A_252] : memref<200x144x1024xf32, #tpu.memory_space<hbm>> -> memref<1x16x128xf32, #tpu.memory_space<hbm>>
    %dma_wait3A_287 = tpu.memref_squeeze %dma_wait3A_286 : memref<1x16x128xf32, #tpu.memory_space<hbm>> -> memref<16x128xf32, #tpu.memory_space<hbm>>
    %dma_wait3A_288 = tpu.memref_slice %arg15[%dma_wait3A_280] : memref<2x!tpu.dma_semaphore, #tpu.memory_space<semaphore_mem>> -> memref<1x!tpu.dma_semaphore, #tpu.memory_space<semaphore_mem>>
    %dma_wait3A_289 = tpu.memref_squeeze %dma_wait3A_288 : memref<1x!tpu.dma_semaphore, #tpu.memory_space<semaphore_mem>> -> memref<!tpu.dma_semaphore, #tpu.memory_space<semaphore_mem>>
    %dma_wait3A_290 = arith.constant 128 : i32
    %dma_wait3A_291 = tpu.memref_slice %arg6[%shift_right_logical3A_248, %dma_wait3A_290, %mul3A_252] : memref<200x144x1024xf32, #tpu.memory_space<hbm>> -> memref<1x16x128xf32, #tpu.memory_space<hbm>>
    %dma_wait3A_292 = tpu.memref_squeeze %dma_wait3A_291 : memref<1x16x128xf32, #tpu.memory_space<hbm>> -> memref<16x128xf32, #tpu.memory_space<hbm>>
    %dma_wait3A_293 = arith.constant 0 : i32
    %dma_wait3A_294 = arith.constant 0 : i32
    %dma_wait3A_295 = tpu.memref_slice %arg11[%dma_wait3A_279, %dma_wait3A_293, %dma_wait3A_294] : memref<2x16x128xf32, #tpu.memory_space<vmem>> -> memref<1x16x128xf32, #tpu.memory_space<vmem>>
    %dma_wait3A_296 = tpu.memref_squeeze %dma_wait3A_295 : memref<1x16x128xf32, #tpu.memory_space<vmem>> -> memref<16x128xf32, #tpu.memory_space<vmem>>
    tpu.wait_dma2 semaphore(%dma_wait3A_289 : memref<!tpu.dma_semaphore, #tpu.memory_space<semaphore_mem>>) src(%dma_wait3A_296 : memref<16x128xf32, #tpu.memory_space<vmem>>) dst(%dma_wait3A_292 : memref<16x128xf32, #tpu.memory_space<hbm>>)
    %add3A_297 = arith.constant 49 : i32
    %add3A_298 = arith.addi %mul3A_2, %add3A_297 : i32
    %shift_right_logical3A_299 = arith.constant 3 : i32
    %shift_right_logical3A_300 = arith.shrui %add3A_298, %shift_right_logical3A_299 : i32
    %and3A_301 = arith.constant 7 : i32
    %and3A_302 = arith.andi %add3A_298, %and3A_301 : i32
    %mul3A_303 = arith.constant 128 : i32
    %mul3A_304 = arith.muli %and3A_302, %mul3A_303 : i32
    %add3A_305 = arith.constant 8 : i32
    %add3A_306 = arith.addi %multiple_of3A, %add3A_305 : i32
    %lt3A_307 = arith.cmpi slt, %shift_right_logical3A_300, %add3A_306 : i32
    %sub3A_308 = arith.subi %shift_right_logical3A_300, %multiple_of3A : i32
    %sub3A_309 = arith.subi %shift_right_logical3A_300, %multiple_of3A_8 : i32
    %add3A_310 = arith.constant 8 : i32
    %add3A_311 = arith.addi %sub3A_309, %add3A_310 : i32
    %select_n3A_312 = arith.select %lt3A_307, %sub3A_308, %add3A_311 : i32
    %dma_wait3A_313 = arith.constant 1 : i32
    %dma_wait3A_314 = arith.constant 1 : i32
    %dma_wait3A_315 = arith.constant 0 : i32
    %dma_wait3A_316 = arith.constant 0 : i32
    %dma_wait3A_317 = tpu.memref_slice %arg10[%dma_wait3A_313, %dma_wait3A_315, %dma_wait3A_316] : memref<2x128x128xf32, #tpu.memory_space<vmem>> -> memref<1x128x128xf32, #tpu.memory_space<vmem>>
    %dma_wait3A_318 = tpu.memref_squeeze %dma_wait3A_317 : memref<1x128x128xf32, #tpu.memory_space<vmem>> -> memref<128x128xf32, #tpu.memory_space<vmem>>
    %dma_wait3A_319 = arith.constant 0 : i32
    %dma_wait3A_320 = tpu.memref_slice %arg6[%shift_right_logical3A_300, %dma_wait3A_319, %mul3A_304] : memref<200x144x1024xf32, #tpu.memory_space<hbm>> -> memref<1x128x128xf32, #tpu.memory_space<hbm>>
    %dma_wait3A_321 = tpu.memref_squeeze %dma_wait3A_320 : memref<1x128x128xf32, #tpu.memory_space<hbm>> -> memref<128x128xf32, #tpu.memory_space<hbm>>
    %dma_wait3A_322 = tpu.memref_slice %arg15[%dma_wait3A_314] : memref<2x!tpu.dma_semaphore, #tpu.memory_space<semaphore_mem>> -> memref<1x!tpu.dma_semaphore, #tpu.memory_space<semaphore_mem>>
    %dma_wait3A_323 = tpu.memref_squeeze %dma_wait3A_322 : memref<1x!tpu.dma_semaphore, #tpu.memory_space<semaphore_mem>> -> memref<!tpu.dma_semaphore, #tpu.memory_space<semaphore_mem>>
    %dma_wait3A_324 = arith.constant 0 : i32
    %dma_wait3A_325 = tpu.memref_slice %arg6[%shift_right_logical3A_300, %dma_wait3A_324, %mul3A_304] : memref<200x144x1024xf32, #tpu.memory_space<hbm>> -> memref<1x128x128xf32, #tpu.memory_space<hbm>>
    %dma_wait3A_326 = tpu.memref_squeeze %dma_wait3A_325 : memref<1x128x128xf32, #tpu.memory_space<hbm>> -> memref<128x128xf32, #tpu.memory_space<hbm>>
    %dma_wait3A_327 = arith.constant 0 : i32
    %dma_wait3A_328 = arith.constant 0 : i32
    %dma_wait3A_329 = tpu.memref_slice %arg10[%dma_wait3A_313, %dma_wait3A_327, %dma_wait3A_328] : memref<2x128x128xf32, #tpu.memory_space<vmem>> -> memref<1x128x128xf32, #tpu.memory_space<vmem>>
    %dma_wait3A_330 = tpu.memref_squeeze %dma_wait3A_329 : memref<1x128x128xf32, #tpu.memory_space<vmem>> -> memref<128x128xf32, #tpu.memory_space<vmem>>
    tpu.wait_dma2 semaphore(%dma_wait3A_323 : memref<!tpu.dma_semaphore, #tpu.memory_space<semaphore_mem>>) src(%dma_wait3A_330 : memref<128x128xf32, #tpu.memory_space<vmem>>) dst(%dma_wait3A_326 : memref<128x128xf32, #tpu.memory_space<hbm>>)
    %dma_wait3A_331 = arith.constant 1 : i32
    %dma_wait3A_332 = arith.constant 1 : i32
    %dma_wait3A_333 = arith.constant 0 : i32
    %dma_wait3A_334 = arith.constant 0 : i32
    %dma_wait3A_335 = tpu.memref_slice %arg11[%dma_wait3A_331, %dma_wait3A_333, %dma_wait3A_334] : memref<2x16x128xf32, #tpu.memory_space<vmem>> -> memref<1x16x128xf32, #tpu.memory_space<vmem>>
    %dma_wait3A_336 = tpu.memref_squeeze %dma_wait3A_335 : memref<1x16x128xf32, #tpu.memory_space<vmem>> -> memref<16x128xf32, #tpu.memory_space<vmem>>
    %dma_wait3A_337 = arith.constant 128 : i32
    %dma_wait3A_338 = tpu.memref_slice %arg6[%shift_right_logical3A_300, %dma_wait3A_337, %mul3A_304] : memref<200x144x1024xf32, #tpu.memory_space<hbm>> -> memref<1x16x128xf32, #tpu.memory_space<hbm>>
    %dma_wait3A_339 = tpu.memref_squeeze %dma_wait3A_338 : memref<1x16x128xf32, #tpu.memory_space<hbm>> -> memref<16x128xf32, #tpu.memory_space<hbm>>
    %dma_wait3A_340 = tpu.memref_slice %arg15[%dma_wait3A_332] : memref<2x!tpu.dma_semaphore, #tpu.memory_space<semaphore_mem>> -> memref<1x!tpu.dma_semaphore, #tpu.memory_space<semaphore_mem>>
    %dma_wait3A_341 = tpu.memref_squeeze %dma_wait3A_340 : memref<1x!tpu.dma_semaphore, #tpu.memory_space<semaphore_mem>> -> memref<!tpu.dma_semaphore, #tpu.memory_space<semaphore_mem>>
    %dma_wait3A_342 = arith.constant 128 : i32
    %dma_wait3A_343 = tpu.memref_slice %arg6[%shift_right_logical3A_300, %dma_wait3A_342, %mul3A_304] : memref<200x144x1024xf32, #tpu.memory_space<hbm>> -> memref<1x16x128xf32, #tpu.memory_space<hbm>>
    %dma_wait3A_344 = tpu.memref_squeeze %dma_wait3A_343 : memref<1x16x128xf32, #tpu.memory_space<hbm>> -> memref<16x128xf32, #tpu.memory_space<hbm>>
    %dma_wait3A_345 = arith.constant 0 : i32
    %dma_wait3A_346 = arith.constant 0 : i32
    %dma_wait3A_347 = tpu.memref_slice %arg11[%dma_wait3A_331, %dma_wait3A_345, %dma_wait3A_346] : memref<2x16x128xf32, #tpu.memory_space<vmem>> -> memref<1x16x128xf32, #tpu.memory_space<vmem>>
    %dma_wait3A_348 = tpu.memref_squeeze %dma_wait3A_347 : memref<1x16x128xf32, #tpu.memory_space<vmem>> -> memref<16x128xf32, #tpu.memory_space<vmem>>
    tpu.wait_dma2 semaphore(%dma_wait3A_341 : memref<!tpu.dma_semaphore, #tpu.memory_space<semaphore_mem>>) src(%dma_wait3A_348 : memref<16x128xf32, #tpu.memory_space<vmem>>) dst(%dma_wait3A_344 : memref<16x128xf32, #tpu.memory_space<hbm>>)
    return
  }
}

</mosaic_0001>

<sc_bundles>
// kernel: kernel.3.cloned.1.call-start
scs
__scs_entry_jumppad:
0x0: {  	(pc) =	sbr.rel $0x88, $3  }
0x1: {  	(tag) =	ssettag $0x0;
	lr =	simm.s32 $0x1  }
0x2: {  	[smem:$0x3F9D] =	sst lr;
	_ =	strace $0xD0000000  }
0x3: {  	_ = 	snop  }
0x4: {  	_ = 	snop  }
0x5: {  	_ = 	snop  }
0x6: {  	_ = 	snop  }
0x7: {  	_ = 	snop  }
__scs_overlays_trampoline_lowered:
0x8: {  	[smem:$0x3FAC] =	sst s0  }
0x9: {  	[smem:$0x3FAD] =	sst s1  }
0xa: {  	[smem:$0x3FAE] =	sst s2  }
0xb: {  	[smem:$0x3FAF] =	sst s3  }
0xc: {  	[smem:$0x3FB0] =	sst s4  }
0xd: {  	[smem:$0x3FB1] =	sst s5  }
0xe: {  	[smem:$0x3FB2] =	sst s6  }
0xf: {  	[smem:$0x3FB3] =	sst s7  }
0x10: {  	[smem:$0x3FB4] =	sst s8  }
0x11: {  	[smem:$0x3FB5] =	sst s9;
	s0 =	simm.s32 @!p0 $0x0  }
0x12: {  	s1 =	sld [smem:$0x3F9B];
	s0 =	simm.s32 @p0 $0x1  }
0x13: {  	[smem:$0x3FB6] =	sst s0;
	s0 =	simm.s32 @!p1 $0x0  }
0x14: {  	s2 =	sld [smem:$0x3F9A];
	s0 =	simm.s32 @p1 $0x1  }
0x15: {  	[smem:$0x3FB7] =	sst s0;
	s0 =	simm.s32 @!p2 $0x0  }
0x16: {  	s3 =	sld [smem:$0x3FDB];
	s0 =	simm.s32 @p2 $0x1  }
0x17: {  	s4 =	simm.s32 $0x1BF5;
	[smem:$0x3FB9] =	sst s0  }
0x18: {  	s0 =	sld [smem:$0x3F9C];
	_ =	swait.ge [sflag:s4], $0x0  }
0x19: {  	s7 =	sld [smem:$0x3F9D]  }
0x1a: {  	s8 =	sadd.s32 $0xFFFFE003, lr  }
0x1b: {  	s9 =	sadd.s32 $0xFFFFFEF7, lr;
	s5 =	simm.s32 $0xFFFFFFFF;
	p2 =	slt.u32 s8, $0xFFFFF086  }
0x1c: {  	p1 =	slt.u32 s9, $0xF7A;
	s5 =	simm.s32 @!p2 $0x0  }
0x1d: {  	s5 =	simm.s32 @p1 $0x1;
	p0 =	seq.s32 s7, s2  }
0x1e: {  	s7 =	smul.u32 @!p0 $0xF7A, s2;
	p2 =	seq.s32 @!p0 s5, $0x0  }
0x1f: {  	s9 =	smul.u32 $0xF7A, s1;
	s8 =	simm.s32 @!p0 $0x1BF5;
	p2 =	por !p2, p0  }
0x20: {  	[sflag:s8] =	ssyncset.s32 @!p0 $0xFFFFF086;
	s6 =	sadd.s32 @!p0 s3, s7;
	s7 =	simm.s32 @!p0 $0x108  }
0x21: {  	s3 =	sadd.s32 s3, s9;
	s6 =	sadd.s32 @!p0 $0x88, s6;
	s7 =	simm.s32 @p2 $0x1082  }
0x22: {  	[simem:s7], [sflag:s8] =	dma.local @!p0 [hbm:s6], $0xF7A  }
0x23: {  	s9 =	sor.u32 $0xD0000000, s2;
	s6 =	simm.s32 $0x108;
	_ =	swait.ge @!p0 [sflag:s8], $0x0  }
0x24: {  	s3 =	sadd.s32 $0x88, s3;
	s6 =	simm.s32 @!p1 $0x1082;
	[sflag:s4] =	ssyncset.s32 $0xFFFFF086  }
0x25: {  	[simem:s6], [sflag:s4] =	dma.local [hbm:s3], $0xF7A  }
0x26: {  	[smem:$0x3F9D] =	sst s1;
	(tag) =	ssettag s2;
	_ =	strace s9  }
0x27: {  	s1 =	sld [smem:$0x3FAD]  }
0x28: {  	s2 =	sld [smem:$0x3FAE]  }
0x29: {  	s4 =	sld [smem:$0x3FB0]  }
0x2a: {  	p0 =	seq.s32 s5, $0x0;
	s5 =	sld [smem:$0x3FB1]  }
0x2b: {  	s6 =	sld [smem:$0x3FB2]  }
0x2c: {  	s7 =	sld [smem:$0x3FB3]  }
0x2d: {  	s3 =	simm.s32 $0x108;
	s8 =	sld [smem:$0x3FB4]  }
0x2e: {  	s3 =	simm.s32 @!p0 $0x1082;
	s9 =	sld [smem:$0x3FB5]  }
0x2f: {  	lr =	sadd.s32 s0, s3;
	s0 =	sld [smem:$0x3FAC]  }
0x30: {  	s3 =	sld [smem:$0x3FAF]  }
0x31: {  	[smem:$0x3FB8] =	sst s10  }
0x32: {  	s10 =	sld [smem:$0x3FB6];
	_ =	sdelay $0x3  }
0x33: {  	p0 =	seq.s32 s10, $0x1;
	s10 =	sld [smem:$0x3FB8];
	_ =	sdelay $0x3  }
0x34: {  	[smem:$0x3FB8] =	sst s10  }
0x35: {  	s10 =	sld [smem:$0x3FB7];
	_ =	sdelay $0x3  }
0x36: {  	p1 =	seq.s32 s10, $0x1;
	s10 =	sld [smem:$0x3FB8];
	_ =	sdelay $0x3  }
0x37: {  	[smem:$0x3FB8] =	sst s10  }
0x38: {  	s10 =	sld [smem:$0x3FB9]  }
0x39: {  	_ = 	snop;
	(pc) =	sbr.ind lr, $3  }
0x3a: {  	_ = 	snop  }
0x3b: {  	_ = 	snop  }
0x3c: {  	p2 =	seq.s32 s10, $0x1;
	s10 =	sld [smem:$0x3FB8]  }
0x3d: {  	_ =	shalt  }
0x3e: {  	_ =	shalt  }
0x3f: {  	_ =	shalt  }
0x40: {  	_ =	shalt  }
0x41: {  	_ =	shalt  }
0x42: {  	_ =	shalt  }
0x43: {  	_ =	shalt  }
0x44: {  	_ =	shalt  }
0x45: {  	_ =	shalt  }
0x46: {  	_ =	shalt  }
0x47: {  	_ =	shalt  }
0x48: {  	_ =	shalt  }
0x49: {  	_ =	shalt  }
0x4a: {  	_ =	shalt  }
0x4b: {  	_ =	shalt  }
0x4c: {  	_ =	shalt  }
0x4d: {  	_ =	shalt  }
0x4e: {  	_ =	shalt  }
0x4f: {  	_ =	shalt  }
0x50: {  	_ =	shalt  }
0x51: {  	_ =	shalt  }
0x52: {  	_ =	shalt  }
0x53: {  	_ =	shalt  }
0x54: {  	_ =	shalt  }
0x55: {  	_ =	shalt  }
0x56: {  	_ =	shalt  }
0x57: {  	_ =	shalt  }
0x58: {  	_ =	shalt  }
0x59: {  	_ =	shalt  }
0x5a: {  	_ =	shalt  }
0x5b: {  	_ =	shalt  }
0x5c: {  	_ =	shalt  }
0x5d: {  	_ =	shalt  }
0x5e: {  	_ =	shalt  }
0x5f: {  	_ =	shalt  }
0x60: {  	_ =	shalt  }
0x61: {  	_ =	shalt  }
0x62: {  	_ =	shalt  }
0x63: {  	_ =	shalt  }
0x64: {  	_ =	shalt  }
0x65: {  	_ =	shalt  }
0x66: {  	_ =	shalt  }
0x67: {  	_ =	shalt  }
0x68: {  	_ =	shalt  }
0x69: {  	_ =	shalt  }
0x6a: {  	_ =	shalt  }
0x6b: {  	_ =	shalt  }
0x6c: {  	_ =	shalt  }
0x6d: {  	_ =	shalt  }
0x6e: {  	_ =	shalt  }
0x6f: {  	_ =	shalt  }
0x70: {  	_ =	shalt  }
0x71: {  	_ =	shalt  }
0x72: {  	_ =	shalt  }
0x73: {  	_ =	shalt  }
0x74: {  	_ =	shalt  }
0x75: {  	_ =	shalt  }
0x76: {  	_ =	shalt  }
0x77: {  	_ =	shalt  }
0x78: {  	_ =	shalt  }
0x79: {  	_ =	shalt  }
0x7a: {  	_ =	shalt  }
0x7b: {  	_ =	shalt  }
0x7c: {  	_ =	shalt  }
0x7d: {  	_ =	shalt  }
0x7e: {  	_ =	shalt  }
0x7f: {  	_ =	shalt  }
0x80: {  	_ =	shalt  }
0x81: {  	_ =	shalt  }
0x82: {  	_ =	shalt  }
0x83: {  	_ =	shalt  }
0x84: {  	_ =	shalt  }
0x85: {  	_ =	shalt  }
0x86: {  	_ =	shalt  }
0x87: {  	_ =	shalt  }
.Lfunc_end0:
.L_simem_size_0:
called_computation_lowered:
.L_overlay_start_0:
0x88: {  	s2 =	sld [smem:$0x3FD9]  }
0x89: {  	s3 =	sld [smem:$0x3FFE];
	_ =	sdelay $0x1  }
0x8a: {  	s1 =	srdreg.scid  }
0x8b: {  	s0 =	sand.u32 $0x1, s1  }
0x8c: {  	s17 =	sshll.u32 s0, $0xA;
	s2 =	sadd.s32 s3, s2  }
0x8d: {  	s2 =	sadd.s32 s2, s17  }
0x8e: {  	[smem:$0x3FC4] =	sst s2  }
0x8f: {  	_ = 	snop  }
0x90: {  	s2 =	sld [smem:$0x3FC9]  }
0x91: {  	s18 =	sld [smem:$0x3FC8]  }
0x92: {  	s4 =	sld [smem:$0x3FC7]  }
0x93: {  	s5 =	sld [smem:$0x3FD0];
	(tm) =	ssettm $0x1  }
0x94: {  	s6 =	sld [smem:$0x3FFB];
	_ =	sdelay $0x3  }
0x95: {  	_ =	strace s6  }
0x96: {  	s6 =	sld [smem:$0x3FFC];
	_ =	sdelay $0x3  }
0x97: {  	_ =	strace s6  }
0x98: {  	s6 =	sld [smem:$0x3FFD];
	_ =	sdelay $0x3  }
0x99: {  	_ =	strace s6  }
0x9a: {  	_ =	strace $0x8FFFFFFF  }
0x9b: {  	s19 =	sld [smem:$0x3FDB];
	_ =	sdelay $0x1  }
0x9c: {  	s7 =	simm.s32 $_scs_section_size  }
0x9d: {  	s8 =	simm.s32 $_size__tile_overlayer_lowered;
	s9 =	simm.s32 $_tile_overlayer_lowered  }
0x9e: {  	s22 =	simm.s32 $0x1BFF;
	s21 =	sshll.u32 s9, $0x1;
	s6 =	sadd.s32 s7, s19  }
0x9f: {  	s10 =	simm.s32 $0x0;
	s20 =	sshll.u32 s8, $0x1;
	s8 =	sadd.s32 s21, s6  }
0xa0: {  	[timem:s10], [sflag:s22] =	dma.local [hbm:s8], s20  }
0xa1: {  	_ =	swait.ge [sflag:s22], s20  }
0xa2: {  	s7 =	ssub.s32 $0x0, s20;
	[sflag:s22] =	ssyncset.done $0x0  }
0xa3: {  	[sflag:s22] =	ssyncadd.s32 s7;
	_ =	sdelay $0x1  }
0xa4: {  	s23 =	simm.s32 $0x1B8B  }
0xa5: {  	_ =	swait.ge [sflag:s23], $0x1  }
0xa6: {  	[sflag:s23] =	ssyncset.done $0x0  }
0xa7: {  	s25 =	simm.s32 $0x1B8E;
	s24 =	sld [smem:$0x3FFE];
	[sflag:s23] =	ssyncadd.s32 $0xFFFFFFFF  }
0xa8: {  	s26 =	simm.s32 $execute0_lowered;
	[smem:$0x3FD2] =	sst s25  }
0xa9: {  	s8 =	sshll.u32 s26, $0x1;
	_ =	strace $0x80000046;
	[dreg:$0x1] =	wrdreg $0xFFFFFFFF  }
0xaa: {  	s28 =	simm.s32 $_size_execute0_lowered;
	s6 =	sadd.s32 s6, s8;
	[dreg:$0x0] =	wrdreg $0x0  }
0xab: {  	s8 =	sshll.u32 s28, $0x1;
	[dreg:$0x2] =	wrdreg s6  }
0xac: {  	[dreg:$0x3] =	wrdreg s8  }
0xad: {  	[dreg:$0x4] =	wrdreg $0xC0  }
0xae: {  	_ =	task [dreg:s10], $0x5FFFF  }
0xaf: {  	[dreg:$0x1] =	wrdreg $0xFFFFFFFF  }
0xb0: {  	[dreg:$0x0] =	wrdreg $0x60  }
0xb1: {  	[dreg:$0x2] =	wrdreg s2  }
0xb2: {  	[dreg:$0x3] =	wrdreg s18  }
0xb3: {  	[dreg:$0x4] =	wrdreg s4  }
0xb4: {  	[dreg:$0x5] =	wrdreg s24  }
0xb5: {  	[dreg:$0x6] =	wrdreg s5  }
0xb6: {  	[dreg:$0x7] =	wrdreg $0x9  }
0xb7: {  	_ =	task.clear_ibuf [dreg:s10], $0x8FFFF;
	_ =	strace $0x90000046  }
0xb8: {  	s29 =	simm.s32 $0x9;
	_ =	strace $0x80000048  }
0xb9: {  	_ =	swait.ge [sflag:s29], $0x1  }
0xba: {  	[sflag:s29] =	ssyncadd.s32 $0xFFFFFFFF  }
0xbb: {  	_ =	strace $0x90000048  }
0xbc: {  	_ =	sfence  }
0xbd: {  	s30 =	sld [smem:$0x0];
	_ =	sdelay $0x2  }
0xbe: {  	s31 =	sshll.u32 s1, $0xD;
	s1 =	sshrl.u32 s1, $0x2  }
0xbf: {  	s3 =	sand.u32 $0x4000, s31;
	s1 =	sadd.s32 s1, s30  }
0xc0: {  	s0 =	sor.u32 s3, s0;
	s1 =	sshll.u32 s1, $0x11  }
0xc1: {  	s0 =	sor.u32 s1, s0  }
0xc2: {  	s0 =	sadd.s32 $0x8F2B, s0  }
0xc3: {  	[sflag:s0] =	ssyncadd.remote.s32 $0x1  }
0xc4: {  	_ =	sfence.sel $0xFFFF  }
0xc5: {  	[dreg:$0x0] =	wrdreg $0xFFFFFFFF;
	(pc) =	sbr.abs _section_cstart, $3  }
0xc6: {  	[dreg:$0x1] =	wrdreg $0xFFFFFFFF  }
0xc7: {  	_ =	task.clear_ibuf [dreg:s10], $0x2FFFF;
	_ =	strace $0x9FFFFFFF  }
0xc8: {  	(tm) =	ssettm $0x7FFFFFFF  }
0xc9: {  	_ =	shalt  }
tec
execute0_lowered:
.L_overlay_start_1:
0x0: {  	(tag) =	ssettag $0x1  }
0x1: {  	v0 =	vimm.s32 $0xFEDCBA9;
	v2 =	vimm.s32 $0x87654321  }
0x2: {  	v3 =	vimm.s32 $0x98765432;
	v4 =	vimm.s32 $0x210FEDCB;
	v5 =	vimm.s32 $0xA9876543  }
0x3: {  	v15 =	vimm.s32 $0xCBA98765;
	v17 =	vimm.s32 $0x6543210F;
	v18 =	vimm.s32 $0xEDCBA987  }
0x4: {  	s4 =	rddreg [dreg:$0x0];
	v19 =	vimm.s32 $0xFEDCBA98;
	v20 =	vimm.s32 $0x76543210;
	v1 =	vunpack.c.l.s4.s8 v0  }
0x5: {  	s1 =	rddreg [dreg:$0x1];
	v0 =	vlaneseq.u32;
	v3 =	vunpack.c.l.s4.s8 v3;
	v4 =	vunpack.c.l.s4.s8 v4  }
0x6: {  	s0 =	rddreg [dreg:$0x2];
	s2 =	srdreg.scid;
	v17 =	vunpack.c.l.s4.s8 v17;
	v18 =	vunpack.c.l.s4.s8 v18;
	v19 =	vunpack.c.l.s4.s8 v19  }
0x7: {  	s3 =	stileid.u32;
	s7 =	rddreg [dreg:$0x3];
	v7 =	vunpack.c.0.s8.s32 v1;
	v1 =	vunpack.c.l.s4.s8 v2;
	v2 =	vimm.s32 $0x10FEDCBA  }
0x8: {  	s6 =	simm.s32 $0x0;
	s30 =	simm.s32 $0x400;
	s25 =	smul.u32 $0x64, s3;
	v10 =	vunpack.c.0.s8.s32 v3;
	v17 =	vunpack.c.0.s8.s32 v17;
	v18 =	vunpack.c.0.s8.s32 v18  }
0x9: {  	s2 =	sand.u32 $0x1, s2;
	s5 =	sshll.u32 s3, $0x1;
	s26 =	smul.u32 $0x3200, s3;
	v11 =	vunpack.c.0.s8.s32 v4;
	v19 =	vunpack.c.0.s8.s32 v19;
	v2 =	vunpack.c.l.s4.s8 v2  }
0xa: {  	[smem:$0x7FF] =	sst s6;
	s7 =	sadd.s32 $0x400, s7;
	s29 =	smul.u32 $0x1900, s2;
	v8 =	vunpack.c.0.s8.s32 v1;
	v1 =	vunpack.c.l.s4.s8 v5;
	v23 =	vcombine.low v18, v17  }
0xb: {  	s9 =	sor.u32 s2, s5;
	s11 =	ssub.s32 $0x2, s2;
	s2 =	smul.u32 $0x32, s2;
	v19 =	vand.u32 $0xF, v19;
	v9 =	vunpack.c.0.s8.s32 v2;
	v2 =	vimm.s32 $0x3210FEDC  }
0xc: {  	_ =	strace $0x80000047;
	[dreg:$0x6] =	wrdreg s7;
	s5 =	smul.u32 $0x32, s9;
	v12 =	vunpack.c.0.s8.s32 v1;
	v1 =	vunpack.c.l.s4.s8 v2;
	v2 =	vimm.s32 $0xBA987654  }
0xd: {  	s12 =	smul.u32 $0x320, s9;
	s19 =	sshrl.u32 s11, $0x1;
	s22 =	sshll.u32 s9, $0xB;
	v3 =	vcombine.low v8, v7;
	v62 =	vcombine.low v7, v8;
	v7 =	vand.u32 $0xF, v23  }
0xe: {  	s7 =	ssub.s32 s11, s19;
	s2 =	sadd.s32 s2, s25;
	s10 =	sshrl.u32 s5, $0x3;
	v4 =	vcombine.low v10, v9;
	v2 =	vunpack.c.l.s4.s8 v2;
	v10 =	vcombine.low v9, v10  }
0xf: {  	s12 =	sand.u32 $0x7C00, s12;
	s31 =	smax.u32 s7, $0x1;
	[dreg:$0xe] =	wrdreg s2;
	v5 =	vcombine.low v12, v11;
	v13 =	vunpack.c.0.s8.s32 v1;
	v1 =	vimm.s32 $0x43210FED  }
0x10: {  	s6 =	sand.u32 $0xF8, s10;
	s13 =	sadd.s32 s4, s12;
	[dreg:$0xd] =	wrdreg s31;
	v63 =	vand.u32 $0xF, v3;
	v11 =	vcombine.low v11, v12;
	v8 =	vand.u32 $0xF, v62  }
0x11: {  	s23 =	sadd.s32 s1, s12;
	s8 =	sadd.s32 $0x8, s6;
	[dreg:$0x7] =	wrdreg s13;
	v14 =	vunpack.c.0.s8.s32 v2;
	v6 =	vunpack.c.l.s4.s8 v1;
	v3 =	vand.u32 $0xF, v4  }
0x12: {  	s15 =	sadd.s32 $0x2, s5;
	[dreg:$0x9] =	wrdreg s23;
	s20 =	smin.u32 s8, $0xC0;
	v4 =	vunpack.c.l.s4.s8 v15;
	v9 =	vand.u32 $0xF, v10;
	v1 =	vand.u32 $0xF, v5  }
0x13: {  	p0 =	slt.u32 s10, s8;
	s21 =	sshll.u32 s20, $0x7;
	s14 =	ssub.s32 s10, s20;
	v10 =	vand.u32 $0xF, v11;
	v5 =	vcombine.low v14, v13;
	v15 =	vunpack.c.0.s8.s32 v6  }
0x14: {  	s10 =	sand.u32 $0x7, s10;
	s14 =	sadd.s32 $0x8, s14;
	s4 =	sadd.s32 s4, s21;
	v16 =	vunpack.c.0.s8.s32 v4;
	v4 =	vimm.s32 $0x543210FE;
	v6 =	vimm.s32 $0xDCBA9876  }
0x15: {  	s1 =	sadd.s32 s1, s21;
	[dreg:$0x8] =	wrdreg s4;
	s14 =	smov.u32 @p0 s10;
	v12 =	vcombine.low v13, v14;
	v4 =	vunpack.c.l.s4.s8 v4;
	v6 =	vunpack.c.l.s4.s8 v6  }
0x16: {  	s4 =	sand.u32 $0x1800, s22;
	[dreg:$0xa] =	wrdreg s1;
	s24 =	sshll.u32 s14, $0xA;
	v2 =	vand.u32 $0xF, v5;
	v5 =	vcombine.low v16, v15;
	v13 =	vcombine.low v15, v16  }
0x17: {  	s1 =	sadd.s32 s29, s26;
	s10 =	sshll.u32 s14, $0x7;
	s9 =	sand.u32 $0xFFFFE000, s24;
	v21 =	vunpack.c.0.s8.s32 v4;
	v22 =	vunpack.c.0.s8.s32 v6;
	v6 =	vunpack.c.l.s4.s8 v20  }
0x18: {  	s1 =	sshrl.u32 s1, $0x7;
	s10 =	sand.u32 $0x380, s10;
	s4 =	sor.u32 s4, s9;
	v15 =	vcombine.low v17, v18;
	v12 =	vand.u32 $0xF, v12;
	v13 =	vand.u32 $0xF, v13  }
0x19: {  	s23 =	simm.s32 $0x1D000;
	[dreg:$0xf] =	wrdreg s1;
	s28 =	sor.u32 s10, s4;
	v6 =	vunpack.c.0.s8.s32 v6;
	v61 =	vcombine.low v22, v21;
	v14 =	vcombine.low v21, v22  }
0x1a: {  	s17 =	ssub.s32 $0x8, s20;
	[dreg:$0xb] =	wrdreg s28;
	s3 =	sor.u32 $0x400, s28;
	v4 =	vand.u32 $0xF, v5;
	v62 =	vand.u32 $0xF, v15;
	v15 =	vlaneseq.u32;
	[tilespmem:$0x1FFE0] =	vst v13  }
0x1b: {  	s20 =	simm.s32 $0x2000;
	[dreg:$0xc] =	wrdreg s3;
	s3 =	simm.s32 $0x0;
	[tilespmem:$0x1FFF0] =	vst v62;
	v5 =	vcombine.low v19, v6;
	v6 =	vand.u32 $0xF, v61;
	v14 =	vand.u32 $0xF, v14  }
.LBB2_1:
0x1c: {  	[dreg:$0x10] =	wrdreg s3  }
0x1d: {  	s1 =	simm.s32 $0x0;
	s2 =	rddreg [dreg:$0x7]  }
0x1e: {  	[tilespmem:s1], [sflag:$0x4] =	stream.linear.gather [hbm4b:s2+s1], $0x2000, $0x38;
	[tilespmem:$0x1D080] =	vst v63  }
0x1f: {  	s12 =	rddreg [dreg:$0x8]  }
0x20: {  	[tilespmem:s20], [sflag:$0x4] =	stream.linear.gather [hbm4b:s12+s1], $0x2000, $0x38;
	[tilespmem:$0x1D080] =	vst v63  }
0x21: {  	s13 =	rddreg [dreg:$0x9];
	s14 =	simm.s32 $0x4000  }
0x22: {  	[tilespmem:s14], [sflag:$0x4] =	stream.linear.gather [hbm4b:s13+s1], $0x2000, $0x38;
	[tilespmem:$0x1D080] =	vst v63  }
0x23: {  	s16 =	rddreg [dreg:$0xa];
	s18 =	simm.s32 $0x6000  }
0x24: {  	[tilespmem:s18], [sflag:$0x4] =	stream.linear.gather [hbm4b:s16+s1], $0x2000, $0x38;
	[tilespmem:$0x1D080] =	vst v63  }
0x25: {  	s19 =	rddreg [dreg:$0x6];
	s21 =	simm.s32 $0x7  }
0x26: {  	[tilespmem:s23], [sflag:$0x7] =	stream.linear.gather [hbm4b:s19+s1], $0x80, $0x38;
	[tilespmem:$0x1D080] =	vst v63  }
0x27: {  	_ =	swait.ge [sflag:s21], $0x80  }
0x28: {  	[sflag:s21] =	ssyncset.done $0x0  }
0x29: {  	s22 =	simm.s32 $0x4;
	[sflag:s21] =	ssyncadd.s32 $0xFFFFFF80  }
0x2a: {  	_ =	swait.ge [sflag:s22], $0x2000  }
0x2b: {  	[sflag:s22] =	ssyncset.done $0x0  }
0x2c: {  	[sflag:s22] =	ssyncadd.s32 $0xFFFFE000  }
0x2d: {  	_ =	swait.ge [sflag:s22], $0x2000  }
0x2e: {  	[sflag:s22] =	ssyncset.done $0x0  }
0x2f: {  	[sflag:s22] =	ssyncadd.s32 $0xFFFFE000  }
0x30: {  	_ =	swait.ge [sflag:s22], $0x2000  }
0x31: {  	[sflag:s22] =	ssyncset.done $0x0  }
0x32: {  	[sflag:s22] =	ssyncadd.s32 $0xFFFFE000  }
0x33: {  	s25 =	simm.s32 $0x80;
	_ =	swait.ge [sflag:s22], $0x2000  }
0x34: {  	s26 =	simm.s32 $0x8000;
	s31 =	simm.s32 $0xC000;
	s24 =	rddreg [dreg:$0xb]  }
0x35: {  	p0 =	por $0x0, $0x0;
	[sflag:s22] =	ssyncset.done $0x0;
	s28 =	rddreg [dreg:$0xc]  }
0x36: {  	s10 =	simm.s32 $0x0;
	s19 =	rddreg [dreg:$0xf];
	[sflag:s22] =	ssyncadd.s32 $0xFFFFE000  }
0x37: {  	[tilespmem:s26], [sflag:$0x1] =	stream.indirect.gather [hbm4b:s0+s25], $0x80, s24, s25, $0xb8;
	[tilespmem:$0x1D080] =	vst v63  }
0x38: {  	s29 =	simm.s32 $0x0;
	s21 =	simm.s32 $0x2;
	s18 =	rddreg [dreg:$0xe]  }
0x39: {  	[tilespmem:s31], [sflag:$0x2] =	stream.indirect.gather [hbm4b:s0+s25], $0x80, s28, s25, $0xb8;
	[tilespmem:$0x1D080] =	vst v63  }
.LBB2_2:
0x3a: {  	p1 =	sgt.u32 s29, $0x2F  }
0x3b: {  	s2 =	sadd.s32 @!p1 s29, s15  }
0x3c: {  	s4 =	sshrl.u32 @!p1 s2, $0x3  }
0x3d: {  	s26 =	sand.u32 $0x1, s29;
	s12 =	sand.u32 $0x7, s19;
	p2 =	slt.u32 @!p1 s4, s8  }
0x3e: {  	s13 =	sshll.u32 s18, $0x6;
	s7 =	ssub.s32 @!p1 $0x0, s6;
	p2 =	por !p2, p1  }
0x3f: {  	s25 =	simm.s32 $0x0;
	s2 =	sshll.u32 @!p1 s2, $0xA;
	s7 =	smov.u32 @p2 s17  }
0x40: {  	s16 =	sshll.u32 s12, $0xC;
	s2 =	sand.u32 @!p1 $0x1C00, s2;
	s4 =	sadd.s32 @!p1 s7, s4  }
0x41: {  	p2 =	slt.u32 @!p1 s29, $0x2;
	s7 =	sshll.u32 @!p1 s21, $0x10;
	s9 =	sshll.u32 @!p1 s4, $0xA  }
0x42: {  	s7 =	sshra.s32 @!p1 s7, $0x2;
	s4 =	sshll.u32 @!p1 s4, $0x7;
	s9 =	sand.u32 @!p1 $0xFFFFE000, s9  }
0x43: {  	s7 =	sadd.s32 @!p1 $0x8000, s7;
	s4 =	sand.u32 @!p1 $0x380, s4;
	s2 =	sor.u32 @!p1 s2, s9  }
0x44: {  	s9 =	simm.s32 @!p1 $0x80;
	s2 =	sor.u32 @!p1 s4, s2;
	s4 =	sadd.s32 @!p1 $0x1, s21  }
0x45: {  	[tilespmem:s7], [sflag:s4] =	stream.indirect.gather @!p1 [hbm4b:s0+s9], $0x80, s2, s9, $0xb8;
	[tilespmem:$0x1D080] =	vst v63  }
0x46: {  	s28 =	sand.u32 $0xE00, s13;
	p1 =	por p1, !p2;
	s9 =	sadd.s32 $0x5, s26  }
0x47: {  	s24 =	sshll.u32 s26, $0xE;
	s1 =	sand.u32 $0x40, s25;
	_ =	swait.ge @p1 [sflag:s9], $0x4000  }
0x48: {  	s12 =	sadd.s32 $0x14000, s24;
	s24 =	sor.u32 $0x30, s1;
	[sflag:s9] =	ssyncset.done @p1 $0x0  }
0x49: {  	s13 =	sand.u32 $0x70, s25;
	s3 =	sor.u32 $0x10, s1;
	v18 =	vor.u32 s24, v0;
	[sflag:s9] =	ssyncadd.s32 @p1 $0xFFFFC000  }
0x4a: {  	v20 =	vor.u32 s13, v0;
	v16 =	vor.u32 s3, v0;
	s24 =	sor.u32 $0x20, s1;
	v19 =	vshll.u32 v18, $0x7;
	_ =	swait.ge @p1 [sflag:s9], $0x800  }
0x4b: {  	v17 =	vshll.u32 v16, $0x7;
	v24 =	vor.u32 s24, v0;
	v21 =	vor.u32 v20, v19;
	s2 =	simm.s32 $0x1;
	[sflag:s9] =	ssyncset.done @p1 $0x0  }
0x4c: {  	v25 =	vor.u32 s1, v0;
	v22 =	vor.u32 v20, v17;
	v27 =	vshll.u32 v24, $0x7;
	s7 =	sadd.s32 $0x1, s10;
	s2 =	simm.s32 @!p0 $0x0;
	[sflag:s9] =	ssyncadd.s32 @p1 $0xFFFFF800  }
0x4d: {  	s22 =	sshll.u32 s10, $0x10;
	v26 =	vshll.u32 v25, $0x7;
	v23 =	vor.u32 v20, v27;
	s2 =	sshll.u32 s2, $0xB;
	_ =	swait.ge [sflag:s7], $0x4000  }
0x4e: {  	v28 =	vshll.u32 v20, $0x7;
	v20 =	vor.u32 v20, v26;
	s11 =	sor.u32 $0x1C400, s2;
	s2 =	sshra.s32 s22, $0x2;
	[sflag:s7] =	ssyncset.done $0x0  }
0x4f: {  	s22 =	sadd.s32 $0x8000, s2;
	[sflag:s7] =	ssyncadd.s32 $0xFFFFC000  }
0x50: {  	v29 =	vor.u32 s13, v63;
	v30 =	vor.u32 v18, v28;
	v21 =	vld.idx.msk [tilespmem:v21+s22+$0x0], $0xffff  }
0x51: {  	v32 =	vor.u32 v16, v28;
	v31 =	vor.u32 v29, v19;
	v22 =	vld.idx.msk [tilespmem:v22+s22+$0x0], $0xffff  }
0x52: {  	v34 =	vor.u32 v25, v28;
	v28 =	vor.u32 v24, v28;
	v23 =	vld.idx.msk [tilespmem:v23+s22+$0x0], $0xffff  }
0x53: {  	v33 =	vor.u32 v29, v17;
	v20 =	vld.idx.msk [tilespmem:v20+s22+$0x0], $0xffff  }
0x54: {  	v35 =	vor.u32 v29, v27  }
0x55: {  	[tilespmem:v30+s12+$0x0] =	vst.idx.msk $0xffff, v21;
	v21 =	vshll.u32 v29, $0x7;
	v29 =	vor.u32 v29, v26  }
0x56: {  	[tilespmem:v32+s12+$0x0] =	vst.idx.msk $0xffff, v22;
	v30 =	vld.idx.msk [tilespmem:v31+s22+$0x0], $0xffff;
	v31 =	vor.u32 s13, v3;
	v36 =	vor.u32 v18, v21  }
0x57: {  	[tilespmem:v28+s12+$0x0] =	vst.idx.msk $0xffff, v23;
	v22 =	vor.u32 v31, v19  }
0x58: {  	[tilespmem:v34+s12+$0x0] =	vst.idx.msk $0xffff, v20;
	v32 =	vld.idx.msk [tilespmem:v33+s22+$0x0], $0xffff;
	v41 =	vor.u32 v16, v21  }
0x59: {  	v28 =	vor.u32 v25, v21;
	v20 =	vld.idx.msk [tilespmem:v35+s22+$0x0], $0xffff;
	v21 =	vor.u32 v24, v21;
	v23 =	vor.u32 v31, v17  }
0x5a: {  	v42 =	vor.u32 v31, v27;
	v29 =	vld.idx.msk [tilespmem:v29+s22+$0x0], $0xffff  }
0x5b: {  	[tilespmem:v36+s12+$0x0] =	vst.idx.msk $0xffff, v30;
	v30 =	vshll.u32 v31, $0x7;
	v31 =	vor.u32 v31, v26  }
0x5c: {  	v43 =	vor.u32 s13, v1;
	v22 =	vld.idx.msk [tilespmem:v22+s22+$0x0], $0xffff;
	v44 =	vor.u32 v18, v30  }
0x5d: {  	v45 =	vor.u32 v43, v19;
	[tilespmem:v41+s12+$0x0] =	vst.idx.msk $0xffff, v32  }
0x5e: {  	[tilespmem:v21+s12+$0x0] =	vst.idx.msk $0xffff, v20;
	v23 =	vld.idx.msk [tilespmem:v23+s22+$0x0], $0xffff;
	v46 =	vor.u32 v16, v30  }
0x5f: {  	v20 =	vor.u32 v43, v17;
	[tilespmem:v28+s12+$0x0] =	vst.idx.msk $0xffff, v29;
	v28 =	vld.idx.msk [tilespmem:v42+s22+$0x0], $0xffff;
	v29 =	vor.u32 v24, v30  }
0x60: {  	v21 =	vor.u32 v25, v30;
	v30 =	vld.idx.msk [tilespmem:v31+s22+$0x0], $0xffff;
	v31 =	vor.u32 v43, v27  }
0x61: {  	v47 =	vor.u32 v43, v26;
	[tilespmem:v44+s12+$0x0] =	vst.idx.msk $0xffff, v22;
	v22 =	vshll.u32 v43, $0x7  }
0x62: {  	v48 =	vor.u32 s13, v2;
	v32 =	vld.idx.msk [tilespmem:v45+s22+$0x0], $0xffff;
	v49 =	vor.u32 v18, v22  }
0x63: {  	[tilespmem:v46+s12+$0x0] =	vst.idx.msk $0xffff, v23;
	v23 =	vor.u32 v48, v19  }
0x64: {  	v20 =	vld.idx.msk [tilespmem:v20+s22+$0x0], $0xffff;
	v50 =	vor.u32 v16, v22;
	[tilespmem:v29+s12+$0x0] =	vst.idx.msk $0xffff, v28;
	v28 =	vor.u32 v48, v17  }
0x65: {  	v29 =	vor.u32 v25, v22;
	v22 =	vor.u32 v24, v22;
	[tilespmem:v21+s12+$0x0] =	vst.idx.msk $0xffff, v30;
	v21 =	vld.idx.msk [tilespmem:v31+s22+$0x0], $0xffff  }
0x66: {  	v31 =	vor.u32 v48, v27;
	v30 =	vld.idx.msk [tilespmem:v47+s22+$0x0], $0xffff  }
0x67: {  	v51 =	vshll.u32 v48, $0x7;
	v52 =	vor.u32 v48, v26;
	[tilespmem:v49+s12+$0x0] =	vst.idx.msk $0xffff, v32  }
0x68: {  	v53 =	vor.u32 s13, v4;
	v54 =	vor.u32 v18, v51;
	v23 =	vld.idx.msk [tilespmem:v23+s22+$0x0], $0xffff  }
0x69: {  	[tilespmem:v50+s12+$0x0] =	vst.idx.msk $0xffff, v20;
	v20 =	vor.u32 v53, v19  }
0x6a: {  	v55 =	vor.u32 v16, v51;
	v28 =	vld.idx.msk [tilespmem:v28+s22+$0x0], $0xffff;
	[tilespmem:v22+s12+$0x0] =	vst.idx.msk $0xffff, v21  }
0x6b: {  	v21 =	vor.u32 v53, v17;
	[tilespmem:v29+s12+$0x0] =	vst.idx.msk $0xffff, v30;
	v29 =	vld.idx.msk [tilespmem:v31+s22+$0x0], $0xffff;
	v30 =	vor.u32 v24, v51  }
0x6c: {  	v56 =	vor.u32 v53, v27;
	v22 =	vor.u32 v25, v51;
	v31 =	vld.idx.msk [tilespmem:v52+s22+$0x0], $0xffff  }
0x6d: {  	v57 =	vor.u32 v53, v26;
	[tilespmem:v54+s12+$0x0] =	vst.idx.msk $0xffff, v23;
	v23 =	vshll.u32 v53, $0x7  }
0x6e: {  	v58 =	vor.u32 s13, v6;
	v20 =	vld.idx.msk [tilespmem:v20+s22+$0x0], $0xffff;
	v59 =	vor.u32 v18, v23  }
0x6f: {  	[tilespmem:v55+s12+$0x0] =	vst.idx.msk $0xffff, v28;
	v28 =	vor.u32 v58, v19  }
0x70: {  	v37 =	vor.u32 v58, v17;
	v60 =	vor.u32 v16, v23;
	v21 =	vld.idx.msk [tilespmem:v21+s22+$0x0], $0xffff;
	[tilespmem:v30+s12+$0x0] =	vst.idx.msk $0xffff, v29  }
0x71: {  	v29 =	vor.u32 v25, v23;
	v23 =	vor.u32 v24, v23;
	[tilespmem:v22+s12+$0x0] =	vst.idx.msk $0xffff, v31;
	v22 =	vld.idx.msk [tilespmem:v56+s22+$0x0], $0xffff  }
0x72: {  	v30 =	vor.u32 v58, v27;
	v31 =	vld.idx.msk [tilespmem:v57+s22+$0x0], $0xffff  }
0x73: {  	v61 =	vor.u32 v58, v26;
	[tilespmem:v59+s12+$0x0] =	vst.idx.msk $0xffff, v20;
	v20 =	vshll.u32 v58, $0x7  }
0x74: {  	v40 =	vor.u32 s13, v7;
	v28 =	vld.idx.msk [tilespmem:v28+s22+$0x0], $0xffff;
	v41 =	vor.u32 v18, v20  }
0x75: {  	[tilespmem:v60+s12+$0x0] =	vst.idx.msk $0xffff, v21;
	v21 =	vor.u32 v40, v19  }
0x76: {  	v44 =	vor.u32 v40, v17;
	v42 =	vor.u32 v16, v20;
	v43 =	vld.idx.msk [tilespmem:v37+s22+$0x0], $0xffff;
	[tilespmem:v23+s12+$0x0] =	vst.idx.msk $0xffff, v22  }
0x77: {  	v22 =	vor.u32 v25, v20;
	v20 =	vor.u32 v24, v20;
	[tilespmem:v29+s12+$0x0] =	vst.idx.msk $0xffff, v31;
	v23 =	vld.idx.msk [tilespmem:v30+s22+$0x0], $0xffff  }
0x78: {  	v29 =	vor.u32 v40, v27;
	v30 =	vld.idx.msk [tilespmem:v61+s22+$0x0], $0xffff  }
0x79: {  	v31 =	vor.u32 v40, v26;
	[tilespmem:v41+s12+$0x0] =	vst.idx.msk $0xffff, v28;
	v28 =	vshll.u32 v40, $0x7  }
0x7a: {  	v45 =	vor.u32 s13, v5;
	v21 =	vld.idx.msk [tilespmem:v21+s22+$0x0], $0xffff;
	v46 =	vor.u32 v18, v28  }
0x7b: {  	v47 =	vor.u32 v45, v19;
	[tilespmem:v42+s12+$0x0] =	vst.idx.msk $0xffff, v43  }
0x7c: {  	v48 =	vor.u32 v16, v28;
	v36 =	vld.idx.msk [tilespmem:v44+s22+$0x0], $0xffff;
	[tilespmem:v20+s12+$0x0] =	vst.idx.msk $0xffff, v23  }
0x7d: {  	v49 =	vor.u32 v45, v17;
	v23 =	vor.u32 v24, v28;
	[tilespmem:v22+s12+$0x0] =	vst.idx.msk $0xffff, v30;
	v22 =	vld.idx.msk [tilespmem:v29+s22+$0x0], $0xffff  }
0x7e: {  	v20 =	vor.u32 v25, v28;
	v28 =	vor.u32 v45, v27;
	v29 =	vld.idx.msk [tilespmem:v31+s22+$0x0], $0xffff  }
0x7f: {  	s25 =	simm.s32 $0x40;
	v30 =	vor.u32 v45, v26;
	[tilespmem:v46+s12+$0x0] =	vst.idx.msk $0xffff, v21;
	v21 =	vshll.u32 v45, $0x7  }
0x80: {  	s2 =	sand.u32 $0x40, s25;
	v50 =	vor.u32 s13, v8;
	v31 =	vld.idx.msk [tilespmem:v47+s22+$0x0], $0xffff;
	v51 =	vor.u32 v18, v21  }
0x81: {  	s1 =	sor.u32 $0x30, s2;
	v52 =	vor.u32 v50, v19;
	[tilespmem:v48+s12+$0x0] =	vst.idx.msk $0xffff, v36  }
0x82: {  	v34 =	vor.u32 s1, v0;
	v53 =	vor.u32 v16, v21;
	v36 =	vld.idx.msk [tilespmem:v49+s22+$0x0], $0xffff;
	[tilespmem:v23+s12+$0x0] =	vst.idx.msk $0xffff, v22  }
0x83: {  	s3 =	simm.s32 $0x8;
	v54 =	vor.u32 v50, v17;
	v22 =	vor.u32 v24, v21;
	[tilespmem:v20+s12+$0x0] =	vst.idx.msk $0xffff, v29;
	v20 =	vld.idx.msk [tilespmem:v28+s22+$0x0], $0xffff  }
0x84: {  	s4 =	sand.u32 $0x70, s3;
	v35 =	vshll.u32 v34, $0x7;
	v21 =	vor.u32 v25, v21;
	v23 =	vor.u32 v50, v27;
	v29 =	vld.idx.msk [tilespmem:v30+s22+$0x0], $0xffff  }
0x85: {  	v42 =	vor.u32 s4, v0;
	v28 =	vshll.u32 v50, $0x7;
	v30 =	vor.u32 v50, v26;
	[tilespmem:v51+s12+$0x0] =	vst.idx.msk $0xffff, v31  }
0x86: {  	v55 =	vor.u32 s13, v9;
	v43 =	vor.u32 v42, v35;
	v56 =	vor.u32 v18, v28;
	v31 =	vld.idx.msk [tilespmem:v52+s22+$0x0], $0xffff  }
0x87: {  	v39 =	vor.u32 v55, v19;
	v40 =	vor.u32 v55, v17;
	[tilespmem:v53+s12+$0x0] =	vst.idx.msk $0xffff, v36  }
0x88: {  	v44 =	vshll.u32 v55, $0x7;
	v57 =	vor.u32 v16, v28;
	v37 =	vld.idx.msk [tilespmem:v54+s22+$0x0], $0xffff;
	[tilespmem:v22+s12+$0x0] =	vst.idx.msk $0xffff, v20  }
0x89: {  	s31 =	sor.u32 $0x10, s2;
	v59 =	vshll.u32 v42, $0x7;
	v45 =	vor.u32 s13, v10;
	v46 =	vor.u32 v18, v44;
	[tilespmem:v21+s12+$0x0] =	vst.idx.msk $0xffff, v29;
	v21 =	vld.idx.msk [tilespmem:v23+s22+$0x0], $0xffff  }
0x8a: {  	v38 =	vor.u32 v25, v28;
	v20 =	vor.u32 v24, v28;
	v41 =	vld.idx.msk [tilespmem:v30+s22+$0x0], $0xffff;
	v30 =	vor.u32 s31, v0  }
0x8b: {  	v60 =	vld.idx.msk [tilespmem:v43+s22+$0x0], $0xffff;
	v28 =	vor.u32 s2, v0;
	v22 =	vor.u32 v55, v27;
	[tilespmem:v56+s12+$0x0] =	vst.idx.msk $0xffff, v31;
	v33 =	vshll.u32 v30, $0x7  }
0x8c: {  	v58 =	vor.u32 v45, v19;
	s2 =	sor.u32 $0x20, s2;
	v29 =	vshll.u32 v28, $0x7;
	v39 =	vld.idx.msk [tilespmem:v39+s22+$0x0], $0xffff;
	v47 =	vor.u32 v42, v33  }
0x8d: {  	v50 =	vor.u32 v34, v59;
	v31 =	vor.u32 s2, v0;
	[tilespmem:v57+s12+$0x0] =	vst.idx.msk $0xffff, v37;
	v37 =	vor.u32 v42, v29  }
0x8e: {  	v43 =	vor.u32 v24, v44;
	v49 =	vor.u32 s4, v63;
	v32 =	vshll.u32 v31, $0x7  }
0x8f: {  	v48 =	vor.u32 v42, v32;
	v40 =	vld.idx.msk [tilespmem:v40+s22+$0x0], $0xffff;
	[tilespmem:v20+s12+$0x0] =	vst.idx.msk $0xffff, v21;
	v21 =	vor.u32 v16, v44  }
0x90: {  	v61 =	vor.u32 v49, v35;
	v51 =	vshll.u32 v45, $0x7;
	v52 =	vor.u32 s13, v12;
	v22 =	vld.idx.msk [tilespmem:v22+s22+$0x0], $0xffff  }
0x91: {  	v23 =	vor.u32 v55, v26;
	[tilespmem:v46+s12+$0x0] =	vst.idx.msk $0xffff, v39;
	v39 =	vor.u32 v30, v59;
	v47 =	vld.idx.msk [tilespmem:v47+s22+$0x0], $0xffff  }
0x92: {  	[tilespmem:v50+s12+$0x0] =	vst.idx.msk $0xffff, v60;
	v20 =	vor.u32 v25, v44;
	v44 =	vor.u32 v28, v59;
	v37 =	vld.idx.msk [tilespmem:v37+s22+$0x0], $0xffff  }
0x93: {  	v53 =	vor.u32 v18, v51;
	v54 =	vor.u32 v49, v33;
	[tilespmem:v38+s12+$0x0] =	vst.idx.msk $0xffff, v41;
	v36 =	vld.idx.msk [tilespmem:v58+s22+$0x0], $0xffff  }
0x94: {  	v56 =	vor.u32 v52, v19;
	v38 =	vor.u32 v31, v59;
	v48 =	vld.idx.msk [tilespmem:v48+s22+$0x0], $0xffff;
	[tilespmem:v21+s12+$0x0] =	vst.idx.msk $0xffff, v40  }
0x95: {  	v60 =	vshll.u32 v49, $0x7;
	v55 =	vor.u32 v49, v32;
	[tilespmem:v43+s12+$0x0] =	vst.idx.msk $0xffff, v22  }
0x96: {  	v50 =	vor.u32 v34, v60;
	v57 =	vor.u32 v49, v29;
	v23 =	vld.idx.msk [tilespmem:v23+s22+$0x0], $0xffff;
	[tilespmem:v39+s12+$0x0] =	vst.idx.msk $0xffff, v47  }
0x97: {  	v42 =	vor.u32 v45, v17;
	v49 =	vor.u32 v16, v51;
	v46 =	vld.idx.msk [tilespmem:v61+s22+$0x0], $0xffff;
	[tilespmem:v44+s12+$0x0] =	vst.idx.msk $0xffff, v37  }
0x98: {  	v21 =	vor.u32 v45, v27;
	v40 =	vor.u32 v45, v26;
	[tilespmem:v53+s12+$0x0] =	vst.idx.msk $0xffff, v36;
	v53 =	vld.idx.msk [tilespmem:v54+s22+$0x0], $0xffff  }
0x99: {  	v43 =	vor.u32 s4, v3;
	v39 =	vshll.u32 v52, $0x7;
	v37 =	vor.u32 v30, v60;
	[tilespmem:v38+s12+$0x0] =	vst.idx.msk $0xffff, v48;
	v47 =	vld.idx.msk [tilespmem:v56+s22+$0x0], $0xffff  }
0x9a: {  	v45 =	vor.u32 v31, v60;
	v61 =	vor.u32 v43, v35;
	v48 =	vor.u32 v18, v39;
	v44 =	vld.idx.msk [tilespmem:v55+s22+$0x0], $0xffff  }
0x9b: {  	v22 =	vor.u32 v28, v60;
	v38 =	vor.u32 s13, v13;
	v55 =	vld.idx.msk [tilespmem:v57+s22+$0x0], $0xffff;
	v56 =	vor.u32 v43, v33  }
0x9c: {  	v42 =	vld.idx.msk [tilespmem:v42+s22+$0x0], $0xffff;
	v58 =	vor.u32 v43, v29;
	[tilespmem:v20+s12+$0x0] =	vst.idx.msk $0xffff, v23;
	v54 =	vor.u32 v38, v19  }
0x9d: {  	v20 =	vor.u32 s4, v1;
	v60 =	vor.u32 v43, v32;
	[tilespmem:v50+s12+$0x0] =	vst.idx.msk $0xffff, v46;
	v46 =	vor.u32 v24, v51  }
0x9e: {  	v43 =	vshll.u32 v43, $0x7;
	v57 =	vor.u32 v20, v33;
	v21 =	vld.idx.msk [tilespmem:v21+s22+$0x0], $0xffff;
	[tilespmem:v37+s12+$0x0] =	vst.idx.msk $0xffff, v53  }
0x9f: {  	v50 =	vor.u32 v28, v43;
	v36 =	vld.idx.msk [tilespmem:v61+s22+$0x0], $0xffff;
	v61 =	vor.u32 v34, v43;
	[tilespmem:v48+s12+$0x0] =	vst.idx.msk $0xffff, v47  }
0xa0: {  	v47 =	vshll.u32 v38, $0x7;
	v53 =	vld.idx.msk [tilespmem:v56+s22+$0x0], $0xffff;
	[tilespmem:v22+s12+$0x0] =	vst.idx.msk $0xffff, v55;
	v22 =	vor.u32 v30, v43  }
0xa1: {  	v37 =	vor.u32 v20, v35;
	[tilespmem:v45+s12+$0x0] =	vst.idx.msk $0xffff, v44;
	v48 =	vld.idx.msk [tilespmem:v54+s22+$0x0], $0xffff;
	v45 =	vor.u32 v18, v47  }
0xa2: {  	[tilespmem:v49+s12+$0x0] =	vst.idx.msk $0xffff, v42;
	v44 =	vor.u32 s13, v14;
	v43 =	vor.u32 v31, v43;
	v54 =	vld.idx.msk [tilespmem:v60+s22+$0x0], $0xffff  }
0xa3: {  	v41 =	vor.u32 v25, v51;
	[tilespmem:v46+s12+$0x0] =	vst.idx.msk $0xffff, v21;
	v55 =	vor.u32 v44, v19;
	v56 =	vld.idx.msk [tilespmem:v58+s22+$0x0], $0xffff  }
0xa4: {  	v23 =	vor.u32 v52, v17;
	v59 =	vor.u32 v20, v29;
	v40 =	vld.idx.msk [tilespmem:v40+s22+$0x0], $0xffff;
	[tilespmem:v61+s12+$0x0] =	vst.idx.msk $0xffff, v36  }
0xa5: {  	v51 =	vor.u32 v52, v27;
	v58 =	vor.u32 v20, v32;
	v60 =	vshll.u32 v20, $0x7;
	[tilespmem:v22+s12+$0x0] =	vst.idx.msk $0xffff, v53  }
0xa6: {  	v20 =	vshll.u32 v44, $0x7;
	v42 =	vor.u32 v34, v60;
	v61 =	vor.u32 s4, v2;
	v37 =	vld.idx.msk [tilespmem:v37+s22+$0x0], $0xffff;
	[tilespmem:v45+s12+$0x0] =	vst.idx.msk $0xffff, v48  }
0xa7: {  	v22 =	vor.u32 v61, v35;
	v53 =	vld.idx.msk [tilespmem:v57+s22+$0x0], $0xffff;
	[tilespmem:v43+s12+$0x0] =	vst.idx.msk $0xffff, v54;
	v43 =	vor.u32 v30, v60  }
0xa8: {  	v48 =	vor.u32 v18, v20;
	[tilespmem:v50+s12+$0x0] =	vst.idx.msk $0xffff, v56;
	v56 =	vor.u32 v61, v33;
	v45 =	vld.idx.msk [tilespmem:v55+s22+$0x0], $0xffff  }
0xa9: {  	v52 =	vor.u32 v52, v26;
	v21 =	vor.u32 v25, v39;
	[tilespmem:v41+s12+$0x0] =	vst.idx.msk $0xffff, v40;
	v36 =	vor.u32 s13, v62  }
0xaa: {  	v49 =	vor.u32 v28, v60;
	v19 =	vor.u32 v36, v19;
	v54 =	vor.u32 v31, v60;
	v50 =	vld.idx.msk [tilespmem:v58+s22+$0x0], $0xffff  }
0xab: {  	v57 =	vor.u32 v61, v32;
	v55 =	vld.idx.msk [tilespmem:v59+s22+$0x0], $0xffff;
	v58 =	vshll.u32 v61, $0x7;
	[tilespmem:v42+s12+$0x0] =	vst.idx.msk $0xffff, v37  }
0xac: {  	v46 =	vor.u32 v34, v58;
	v42 =	vor.u32 v61, v29;
	v22 =	vld.idx.msk [tilespmem:v22+s22+$0x0], $0xffff;
	[tilespmem:v43+s12+$0x0] =	vst.idx.msk $0xffff, v53  }
0xad: {  	v37 =	vshll.u32 v36, $0x7;
	v61 =	vor.u32 v30, v58;
	[tilespmem:v48+s12+$0x0] =	vst.idx.msk $0xffff, v45;
	v48 =	vor.u32 s4, v4;
	v53 =	vld.idx.msk [tilespmem:v56+s22+$0x0], $0xffff  }
0xae: {  	v51 =	vld.idx.msk [tilespmem:v51+s22+$0x0], $0xffff;
	v45 =	vor.u32 v16, v39;
	v39 =	vor.u32 v24, v39;
	v60 =	vor.u32 v48, v35  }
0xaf: {  	v18 =	vor.u32 v18, v37;
	[tilespmem:v54+s12+$0x0] =	vst.idx.msk $0xffff, v50;
	v50 =	vor.u32 v28, v58;
	v19 =	vld.idx.msk [tilespmem:v19+s22+$0x0], $0xffff  }
0xb0: {  	[tilespmem:v49+s12+$0x0] =	vst.idx.msk $0xffff, v55;
	v56 =	vor.u32 v31, v58;
	v49 =	vor.u32 v48, v33;
	v55 =	vld.idx.msk [tilespmem:v57+s22+$0x0], $0xffff  }
0xb1: {  	v41 =	vor.u32 v48, v29;
	v40 =	vld.idx.msk [tilespmem:v42+s22+$0x0], $0xffff;
	v42 =	vor.u32 v48, v32;
	[tilespmem:v46+s12+$0x0] =	vst.idx.msk $0xffff, v22  }
0xb2: {  	v22 =	vld.idx.msk [tilespmem:v23+s22+$0x0], $0xffff;
	v23 =	vor.u32 v38, v17;
	v46 =	vshll.u32 v48, $0x7;
	v48 =	vor.u32 s4, v6;
	[tilespmem:v61+s12+$0x0] =	vst.idx.msk $0xffff, v53  }
0xb3: {  	v54 =	vor.u32 v48, v33;
	[tilespmem:v39+s12+$0x0] =	vst.idx.msk $0xffff, v51;
	v43 =	vld.idx.msk [tilespmem:v60+s22+$0x0], $0xffff;
	v60 =	vor.u32 v34, v46  }
0xb4: {  	v52 =	vld.idx.msk [tilespmem:v52+s22+$0x0], $0xffff;
	[tilespmem:v18+s12+$0x0] =	vst.idx.msk $0xffff, v19;
	v18 =	vor.u32 v38, v26;
	v38 =	vor.u32 v38, v27  }
0xb5: {  	v61 =	vor.u32 v30, v46;
	v19 =	vor.u32 v48, v35;
	v49 =	vld.idx.msk [tilespmem:v49+s22+$0x0], $0xffff;
	[tilespmem:v56+s12+$0x0] =	vst.idx.msk $0xffff, v55  }
0xb6: {  	v55 =	vor.u32 v31, v46;
	[tilespmem:v50+s12+$0x0] =	vst.idx.msk $0xffff, v40;
	v40 =	vld.idx.msk [tilespmem:v42+s22+$0x0], $0xffff;
	v42 =	vor.u32 v28, v46  }
0xb7: {  	v46 =	vor.u32 v48, v32;
	v41 =	vld.idx.msk [tilespmem:v41+s22+$0x0], $0xffff;
	[tilespmem:v45+s12+$0x0] =	vst.idx.msk $0xffff, v22;
	v22 =	vor.u32 v48, v29  }
0xb8: {  	v23 =	vld.idx.msk [tilespmem:v23+s22+$0x0], $0xffff;
	[tilespmem:v60+s12+$0x0] =	vst.idx.msk $0xffff, v43;
	v43 =	vshll.u32 v48, $0x7;
	v48 =	vor.u32 v16, v47  }
0xb9: {  	[tilespmem:v21+s12+$0x0] =	vst.idx.msk $0xffff, v52;
	v45 =	vor.u32 v25, v47;
	v47 =	vor.u32 v24, v47;
	v38 =	vld.idx.msk [tilespmem:v38+s22+$0x0], $0xffff  }
0xba: {  	v57 =	vor.u32 v44, v17;
	v50 =	vor.u32 s4, v7;
	[tilespmem:v61+s12+$0x0] =	vst.idx.msk $0xffff, v49;
	v18 =	vld.idx.msk [tilespmem:v18+s22+$0x0], $0xffff  }
0xbb: {  	v59 =	vor.u32 v50, v33;
	v19 =	vld.idx.msk [tilespmem:v19+s22+$0x0], $0xffff;
	v56 =	vor.u32 v34, v43;
	[tilespmem:v55+s12+$0x0] =	vst.idx.msk $0xffff, v40  }
0xbc: {  	v60 =	vor.u32 v50, v35;
	v61 =	vor.u32 v30, v43;
	v54 =	vld.idx.msk [tilespmem:v54+s22+$0x0], $0xffff;
	[tilespmem:v42+s12+$0x0] =	vst.idx.msk $0xffff, v41  }
0xbd: {  	v40 =	vor.u32 v44, v26;
	v55 =	vor.u32 v31, v43;
	v58 =	vld.idx.msk [tilespmem:v46+s22+$0x0], $0xffff;
	[tilespmem:v48+s12+$0x0] =	vst.idx.msk $0xffff, v23  }
0xbe: {  	v44 =	vor.u32 v44, v27;
	v42 =	vor.u32 v28, v43;
	v22 =	vld.idx.msk [tilespmem:v22+s22+$0x0], $0xffff;
	[tilespmem:v47+s12+$0x0] =	vst.idx.msk $0xffff, v38  }
0xbf: {  	v43 =	vor.u32 v50, v32;
	v46 =	vor.u32 v50, v29;
	[tilespmem:v45+s12+$0x0] =	vst.idx.msk $0xffff, v18  }
0xc0: {  	[tilespmem:v56+s12+$0x0] =	vst.idx.msk $0xffff, v19;
	v19 =	vshll.u32 v50, $0x7;
	v56 =	vor.u32 v16, v20;
	v48 =	vld.idx.msk [tilespmem:v57+s22+$0x0], $0xffff  }
0xc1: {  	[tilespmem:v61+s12+$0x0] =	vst.idx.msk $0xffff, v54;
	v21 =	vld.idx.msk [tilespmem:v60+s22+$0x0], $0xffff;
	v49 =	vor.u32 v34, v19;
	v60 =	vor.u32 s4, v5  }
0xc2: {  	[tilespmem:v55+s12+$0x0] =	vst.idx.msk $0xffff, v58;
	v58 =	vor.u32 v30, v19;
	v39 =	vld.idx.msk [tilespmem:v59+s22+$0x0], $0xffff;
	v61 =	vor.u32 v60, v35  }
0xc3: {  	v18 =	vor.u32 v24, v20;
	v54 =	vld.idx.msk [tilespmem:v44+s22+$0x0], $0xffff;
	[tilespmem:v42+s12+$0x0] =	vst.idx.msk $0xffff, v22;
	v22 =	vor.u32 v60, v33  }
0xc4: {  	v51 =	vor.u32 v25, v20;
	v59 =	vor.u32 v31, v19;
	v43 =	vld.idx.msk [tilespmem:v43+s22+$0x0], $0xffff  }
0xc5: {  	v19 =	vor.u32 v28, v19;
	v23 =	vor.u32 v60, v32;
	v46 =	vld.idx.msk [tilespmem:v46+s22+$0x0], $0xffff;
	[tilespmem:v56+s12+$0x0] =	vst.idx.msk $0xffff, v48  }
0xc6: {  	v52 =	vor.u32 s4, v8;
	v38 =	vld.idx.msk [tilespmem:v40+s22+$0x0], $0xffff;
	[tilespmem:v49+s12+$0x0] =	vst.idx.msk $0xffff, v21;
	v21 =	vor.u32 v60, v29;
	v60 =	vshll.u32 v60, $0x7  }
0xc7: {  	v17 =	vor.u32 v36, v17;
	[tilespmem:v58+s12+$0x0] =	vst.idx.msk $0xffff, v39;
	v61 =	vld.idx.msk [tilespmem:v61+s22+$0x0], $0xffff;
	v50 =	vor.u32 v34, v60  }
0xc8: {  	v20 =	vor.u32 v52, v35;
	[tilespmem:v18+s12+$0x0] =	vst.idx.msk $0xffff, v54;
	v55 =	vor.u32 v30, v60;
	v22 =	vld.idx.msk [tilespmem:v22+s22+$0x0], $0xffff  }
0xc9: {  	v42 =	vor.u32 v16, v37;
	v16 =	vor.u32 v52, v33;
	[tilespmem:v59+s12+$0x0] =	vst.idx.msk $0xffff, v43  }
0xca: {  	s25 =	simm.s32 $0x80;
	v41 =	vor.u32 v52, v32;
	v43 =	vor.u32 v31, v60;
	[tilespmem:v19+s12+$0x0] =	vst.idx.msk $0xffff, v46;
	v19 =	vld.idx.msk [tilespmem:v23+s22+$0x0], $0xffff  }
0xcb: {  	s2 =	sand.u32 $0x40, s25;
	v40 =	vshll.u32 v52, $0x7;
	[tilespmem:v51+s12+$0x0] =	vst.idx.msk $0xffff, v38;
	v23 =	vor.u32 v28, v60;
	v21 =	vld.idx.msk [tilespmem:v21+s22+$0x0], $0xffff  }
0xcc: {  	s25 =	sor.u32 $0x10, s2;
	v57 =	vor.u32 v52, v29;
	v47 =	vor.u32 v28, v40;
	[tilespmem:v50+s12+$0x0] =	vst.idx.msk $0xffff, v61  }
0xcd: {  	v56 =	vor.u32 s4, v9;
	v18 =	vor.u32 s25, v0;
	v60 =	vor.u32 v34, v40;
	[tilespmem:v55+s12+$0x0] =	vst.idx.msk $0xffff, v22;
	v58 =	vld.idx.msk [tilespmem:v20+s22+$0x0], $0xffff  }
0xce: {  	v49 =	vor.u32 v30, v40;
	v52 =	vor.u32 v56, v33;
	v22 =	vor.u32 v56, v35;
	v59 =	vld.idx.msk [tilespmem:v16+s22+$0x0], $0xffff  }
0xcf: {  	s24 =	simm.s32 $0x10;
	s31 =	sor.u32 $0x30, s2;
	v51 =	vor.u32 s4, v10;
	v39 =	vshll.u32 v56, $0x7;
	v40 =	vor.u32 v31, v40;
	v61 =	vld.idx.msk [tilespmem:v17+s22+$0x0], $0xffff;
	[tilespmem:v43+s12+$0x0] =	vst.idx.msk $0xffff, v19  }
0xd0: {  	s13 =	sand.u32 $0x70, s24;
	v16 =	vor.u32 s2, v0;
	v43 =	vor.u32 v56, v32;
	v20 =	vor.u32 s31, v0;
	s2 =	sor.u32 $0x20, s2;
	v41 =	vld.idx.msk [tilespmem:v41+s22+$0x0], $0xffff;
	[tilespmem:v23+s12+$0x0] =	vst.idx.msk $0xffff, v21  }
0xd1: {  	v19 =	vor.u32 s2, v0;
	v23 =	vshll.u32 v20, $0x7;
	v45 =	vld.idx.msk [tilespmem:v57+s22+$0x0], $0xffff;
	v57 =	vor.u32 s13, v0  }
0xd2: {  	v17 =	vshll.u32 v16, $0x7;
	v21 =	vshll.u32 v19, $0x7;
	[tilespmem:v60+s12+$0x0] =	vst.idx.msk $0xffff, v58;
	v58 =	vor.u32 v57, v23  }
0xd3: {  	v60 =	vor.u32 v34, v39;
	[tilespmem:v49+s12+$0x0] =	vst.idx.msk $0xffff, v59;
	v49 =	vor.u32 v57, v17;
	v48 =	vld.idx.msk [tilespmem:v22+s22+$0x0], $0xffff  }
0xd4: {  	[tilespmem:v42+s12+$0x0] =	vst.idx.msk $0xffff, v61;
	v59 =	vor.u32 v51, v35;
	v50 =	vor.u32 v57, v21;
	v22 =	vshll.u32 v18, $0x7  }
0xd5: {  	v52 =	vld.idx.msk [tilespmem:v52+s22+$0x0], $0xffff;
	[tilespmem:v40+s12+$0x0] =	vst.idx.msk $0xffff, v41;
	v40 =	vor.u32 v30, v39;
	v61 =	vor.u32 v57, v22  }
0xd6: {  	v38 =	vshll.u32 v57, $0x7;
	v41 =	vld.idx.msk [tilespmem:v43+s22+$0x0], $0xffff;
	v43 =	vor.u32 v28, v39;
	v39 =	vor.u32 v31, v39  }
0xd7: {  	v54 =	vshll.u32 v51, $0x7;
	v46 =	vor.u32 s13, v63;
	[tilespmem:v47+s12+$0x0] =	vst.idx.msk $0xffff, v45;
	v47 =	vor.u32 v20, v38;
	v45 =	vld.idx.msk [tilespmem:v58+s22+$0x0], $0xffff  }
0xd8: {  	v58 =	vor.u32 v16, v38;
	v49 =	vld.idx.msk [tilespmem:v49+s22+$0x0], $0xffff;
	[tilespmem:v60+s12+$0x0] =	vst.idx.msk $0xffff, v48;
	v48 =	vor.u32 v46, v23  }
0xd9: {  	v53 =	vor.u32 v56, v29;
	v56 =	vor.u32 s4, v12;
	v57 =	vor.u32 v34, v54;
	v44 =	vld.idx.msk [tilespmem:v59+s22+$0x0], $0xffff  }
0xda: {  	[tilespmem:v40+s12+$0x0] =	vst.idx.msk $0xffff, v52;
	v59 =	vor.u32 v18, v38;
	v60 =	vld.idx.msk [tilespmem:v61+s22+$0x0], $0xffff;
	v61 =	vor.u32 v56, v35  }
0xdb: {  	v50 =	vld.idx.msk [tilespmem:v50+s22+$0x0], $0xffff;
	v40 =	vor.u32 v46, v22;
	v38 =	vor.u32 v19, v38;
	[tilespmem:v39+s12+$0x0] =	vst.idx.msk $0xffff, v41  }
0xdc: {  	v11 =	vmov v62;
	v52 =	vor.u32 v46, v21;
	[tilespmem:v47+s12+$0x0] =	vst.idx.msk $0xffff, v45;
	v45 =	vshll.u32 v46, $0x7  }
0xdd: {  	v46 =	vor.u32 v46, v17;
	[tilespmem:v58+s12+$0x0] =	vst.idx.msk $0xffff, v49;
	v47 =	vld.idx.msk [tilespmem:v48+s22+$0x0], $0xffff;
	v39 =	vor.u32 v20, v45  }
0xde: {  	v62 =	vor.u32 s13, v3;
	v55 =	vor.u32 v51, v33;
	v42 =	vshll.u32 v56, $0x7;
	v48 =	vld.idx.msk [tilespmem:v53+s22+$0x0], $0xffff;
	[tilespmem:v57+s12+$0x0] =	vst.idx.msk $0xffff, v44  }
0xdf: {  	[tilespmem:v59+s12+$0x0] =	vst.idx.msk $0xffff, v60;
	v44 =	vor.u32 v62, v23;
	v59 =	vor.u32 v34, v42;
	v57 =	vld.idx.msk [tilespmem:v61+s22+$0x0], $0xffff  }
0xe0: {  	v41 =	vor.u32 s4, v13;
	[tilespmem:v38+s12+$0x0] =	vst.idx.msk $0xffff, v50;
	v38 =	vor.u32 v18, v45;
	v40 =	vld.idx.msk [tilespmem:v40+s22+$0x0], $0xffff  }
0xe1: {  	v58 =	vor.u32 v62, v22;
	v50 =	vor.u32 v41, v35;
	v49 =	vld.idx.msk [tilespmem:v52+s22+$0x0], $0xffff;
	v52 =	vor.u32 v19, v45  }
0xe2: {  	v60 =	vshll.u32 v62, $0x7;
	v45 =	vor.u32 v16, v45;
	v46 =	vld.idx.msk [tilespmem:v46+s22+$0x0], $0xffff;
	[tilespmem:v39+s12+$0x0] =	vst.idx.msk $0xffff, v47  }
0xe3: {  	v55 =	vld.idx.msk [tilespmem:v55+s22+$0x0], $0xffff;
	v61 =	vor.u32 v20, v60;
	v39 =	vor.u32 v62, v21;
	[tilespmem:v43+s12+$0x0] =	vst.idx.msk $0xffff, v48  }
0xe4: {  	v47 =	vor.u32 v62, v17;
	v48 =	vor.u32 s13, v1;
	v44 =	vld.idx.msk [tilespmem:v44+s22+$0x0], $0xffff;
	[tilespmem:v59+s12+$0x0] =	vst.idx.msk $0xffff, v57  }
0xe5: {  	v53 =	vor.u32 v30, v54;
	v43 =	vshll.u32 v41, $0x7;
	[tilespmem:v38+s12+$0x0] =	vst.idx.msk $0xffff, v40;
	v40 =	vor.u32 v48, v23  }
0xe6: {  	v57 =	vor.u32 v51, v32;
	[tilespmem:v52+s12+$0x0] =	vst.idx.msk $0xffff, v49;
	v49 =	vor.u32 v34, v43;
	v50 =	vld.idx.msk [tilespmem:v50+s22+$0x0], $0xffff  }
0xe7: {  	v38 =	vor.u32 s4, v14;
	v52 =	vld.idx.msk [tilespmem:v58+s22+$0x0], $0xffff;
	[tilespmem:v45+s12+$0x0] =	vst.idx.msk $0xffff, v46;
	v45 =	vor.u32 v18, v60  }
0xe8: {  	v59 =	vor.u32 v38, v35;
	v46 =	vor.u32 v16, v60;
	v60 =	vor.u32 v19, v60;
	v58 =	vld.idx.msk [tilespmem:v39+s22+$0x0], $0xffff  }
0xe9: {  	v27 =	vor.u32 v36, v27;
	v47 =	vld.idx.msk [tilespmem:v47+s22+$0x0], $0xffff;
	[tilespmem:v61+s12+$0x0] =	vst.idx.msk $0xffff, v44;
	v44 =	vor.u32 v48, v22  }
0xea: {  	[tilespmem:v53+s12+$0x0] =	vst.idx.msk $0xffff, v55;
	v53 =	vor.u32 v48, v21;
	v39 =	vshll.u32 v38, $0x7;
	v61 =	vshll.u32 v48, $0x7  }
0xeb: {  	v48 =	vor.u32 v48, v17;
	v55 =	vld.idx.msk [tilespmem:v40+s22+$0x0], $0xffff;
	v62 =	vor.u32 v20, v61;
	[tilespmem:v49+s12+$0x0] =	vst.idx.msk $0xffff, v50  }
0xec: {  	v49 =	vor.u32 v51, v29;
	v50 =	vor.u32 v31, v54;
	v51 =	vld.idx.msk [tilespmem:v57+s22+$0x0], $0xffff;
	[tilespmem:v45+s12+$0x0] =	vst.idx.msk $0xffff, v52  }
0xed: {  	v40 =	vor.u32 s4, v11;
	v45 =	vor.u32 s13, v2;
	v57 =	vld.idx.msk [tilespmem:v59+s22+$0x0], $0xffff;
	[tilespmem:v60+s12+$0x0] =	vst.idx.msk $0xffff, v58;
	v58 =	vor.u32 v34, v39  }
0xee: {  	v52 =	vor.u32 v45, v23;
	[tilespmem:v46+s12+$0x0] =	vst.idx.msk $0xffff, v47;
	v46 =	vor.u32 v18, v61;
	v44 =	vld.idx.msk [tilespmem:v44+s22+$0x0], $0xffff  }
0xef: {  	v36 =	vor.u32 v36, v26;
	v27 =	vld.idx.msk [tilespmem:v27+s22+$0x0], $0xffff;
	v35 =	vor.u32 v40, v35;
	v54 =	vor.u32 v28, v54  }
0xf0: {  	v60 =	vor.u32 v19, v61;
	v47 =	vld.idx.msk [tilespmem:v53+s22+$0x0], $0xffff;
	[tilespmem:v62+s12+$0x0] =	vst.idx.msk $0xffff, v55;
	v62 =	vor.u32 v45, v22  }
0xf1: {  	v48 =	vld.idx.msk [tilespmem:v48+s22+$0x0], $0xffff;
	v55 =	vor.u32 v16, v61;
	[tilespmem:v50+s12+$0x0] =	vst.idx.msk $0xffff, v51;
	v50 =	vor.u32 v45, v21  }
0xf2: {  	v51 =	vor.u32 v45, v17;
	v45 =	vshll.u32 v45, $0x7;
	v49 =	vld.idx.msk [tilespmem:v49+s22+$0x0], $0xffff;
	[tilespmem:v58+s12+$0x0] =	vst.idx.msk $0xffff, v57  }
0xf3: {  	v52 =	vld.idx.msk [tilespmem:v52+s22+$0x0], $0xffff;
	v57 =	vor.u32 s13, v4;
	v58 =	vor.u32 v20, v45;
	[tilespmem:v46+s12+$0x0] =	vst.idx.msk $0xffff, v44;
	v46 =	vshll.u32 v40, $0x7  }
0xf4: {  	v26 =	vor.u32 v25, v37;
	v44 =	vor.u32 v57, v23;
	v35 =	vld.idx.msk [tilespmem:v35+s22+$0x0], $0xffff;
	v34 =	vor.u32 v34, v46  }
0xf5: {  	v61 =	vor.u32 v18, v45;
	[tilespmem:v60+s12+$0x0] =	vst.idx.msk $0xffff, v47;
	v47 =	vor.u32 v56, v33;
	v60 =	vld.idx.msk [tilespmem:v62+s22+$0x0], $0xffff  }
0xf6: {  	v59 =	vor.u32 v41, v33;
	[tilespmem:v55+s12+$0x0] =	vst.idx.msk $0xffff, v48;
	v62 =	vor.u32 v57, v22;
	v50 =	vld.idx.msk [tilespmem:v50+s22+$0x0], $0xffff  }
0xf7: {  	v48 =	vor.u32 v16, v45;
	v45 =	vor.u32 v19, v45;
	v51 =	vld.idx.msk [tilespmem:v51+s22+$0x0], $0xffff;
	[tilespmem:v54+s12+$0x0] =	vst.idx.msk $0xffff, v49  }
0xf8: {  	v54 =	vor.u32 v56, v32;
	[tilespmem:v58+s12+$0x0] =	vst.idx.msk $0xffff, v52;
	v52 =	vor.u32 v57, v21;
	v58 =	vshll.u32 v57, $0x7  }
0xf9: {  	v57 =	vor.u32 v57, v17;
	v44 =	vld.idx.msk [tilespmem:v44+s22+$0x0], $0xffff;
	v49 =	vor.u32 v20, v58;
	[tilespmem:v34+s12+$0x0] =	vst.idx.msk $0xffff, v35  }
0xfa: {  	v47 =	vld.idx.msk [tilespmem:v47+s22+$0x0], $0xffff;
	v34 =	vor.u32 s13, v6;
	v35 =	vor.u32 v30, v42;
	[tilespmem:v61+s12+$0x0] =	vst.idx.msk $0xffff, v60  }
0xfb: {  	v56 =	vor.u32 v56, v29;
	v61 =	vor.u32 v18, v58;
	v60 =	vor.u32 v34, v23;
	v62 =	vld.idx.msk [tilespmem:v62+s22+$0x0], $0xffff  }
0xfc: {  	v25 =	vld.idx.msk [tilespmem:v36+s22+$0x0], $0xffff;
	[tilespmem:v45+s12+$0x0] =	vst.idx.msk $0xffff, v50;
	v55 =	vor.u32 v34, v22;
	v50 =	vor.u32 v24, v37  }
0xfd: {  	[tilespmem:v48+s12+$0x0] =	vst.idx.msk $0xffff, v51;
	v48 =	vor.u32 v19, v58;
	v51 =	vld.idx.msk [tilespmem:v52+s22+$0x0], $0xffff;
	v52 =	vor.u32 v16, v58  }
0xfe: {  	v58 =	vor.u32 v34, v21;
	v57 =	vld.idx.msk [tilespmem:v57+s22+$0x0], $0xffff;
	[tilespmem:v49+s12+$0x0] =	vst.idx.msk $0xffff, v44;
	v44 =	vor.u32 v31, v42  }
0xff: {  	v49 =	vld.idx.msk [tilespmem:v54+s22+$0x0], $0xffff;
	v54 =	vor.u32 v34, v17;
	v34 =	vshll.u32 v34, $0x7;
	[tilespmem:v35+s12+$0x0] =	vst.idx.msk $0xffff, v47  }
0x100: {  	v47 =	vor.u32 s13, v7;
	v35 =	vld.idx.msk [tilespmem:v60+s22+$0x0], $0xffff;
	v60 =	vor.u32 v20, v34;
	[tilespmem:v61+s12+$0x0] =	vst.idx.msk $0xffff, v62  }
0x101: {  	v42 =	vor.u32 v28, v42;
	v61 =	vld.idx.msk [tilespmem:v56+s22+$0x0], $0xffff;
	v62 =	vor.u32 v47, v23;
	[tilespmem:v50+s12+$0x0] =	vst.idx.msk $0xffff, v27  }
0x102: {  	v55 =	vld.idx.msk [tilespmem:v55+s22+$0x0], $0xffff;
	[tilespmem:v48+s12+$0x0] =	vst.idx.msk $0xffff, v51;
	v51 =	vor.u32 v18, v34  }
0x103: {  	v48 =	vor.u32 v41, v32;
	[tilespmem:v52+s12+$0x0] =	vst.idx.msk $0xffff, v57;
	v52 =	vor.u32 v19, v34;
	v56 =	vld.idx.msk [tilespmem:v58+s22+$0x0], $0xffff  }
0x104: {  	v34 =	vor.u32 v16, v34;
	[tilespmem:v44+s12+$0x0] =	vst.idx.msk $0xffff, v49;
	v44 =	vor.u32 v47, v22;
	v49 =	vld.idx.msk [tilespmem:v54+s22+$0x0], $0xffff  }
0x105: {  	v54 =	vshll.u32 v47, $0x7;
	[tilespmem:v60+s12+$0x0] =	vst.idx.msk $0xffff, v35;
	v35 =	vor.u32 v30, v43;
	v60 =	vld.idx.msk [tilespmem:v59+s22+$0x0], $0xffff  }
0x106: {  	[tilespmem:v42+s12+$0x0] =	vst.idx.msk $0xffff, v61;
	v42 =	vor.u32 v47, v21;
	v61 =	vld.idx.msk [tilespmem:v62+s22+$0x0], $0xffff;
	v62 =	vor.u32 v20, v54  }
0x107: {  	v0 =	vmovc v14;
	v13 =	vmov v10;
	v10 =	vmov v4;
	v47 =	vor.u32 v47, v17;
	[tilespmem:v51+s12+$0x0] =	vst.idx.msk $0xffff, v55  }
0x108: {  	v14 =	vmov v12;
	v36 =	vor.u32 v40, v32;
	v37 =	vor.u32 v28, v39;
	[tilespmem:v52+s12+$0x0] =	vst.idx.msk $0xffff, v56  }
0x109: {  	v41 =	vor.u32 v41, v29;
	v57 =	vor.u32 v31, v43;
	v48 =	vld.idx.msk [tilespmem:v48+s22+$0x0], $0xffff;
	[tilespmem:v34+s12+$0x0] =	vst.idx.msk $0xffff, v49  }
0x10a: {  	v58 =	vor.u32 v38, v33;
	v59 =	vor.u32 v18, v54;
	v44 =	vld.idx.msk [tilespmem:v44+s22+$0x0], $0xffff;
	[tilespmem:v35+s12+$0x0] =	vst.idx.msk $0xffff, v60  }
0x10b: {  	v12 =	vmov v6;
	v60 =	vor.u32 s13, v5;
	v42 =	vld.idx.msk [tilespmem:v42+s22+$0x0], $0xffff;
	[tilespmem:v62+s12+$0x0] =	vst.idx.msk $0xffff, v61;
	v61 =	vor.u32 v19, v54  }
0x10c: {  	v43 =	vor.u32 v28, v43;
	v47 =	vld.idx.msk [tilespmem:v47+s22+$0x0], $0xffff;
	v62 =	vor.u32 v16, v54;
	v53 =	vor.u32 v60, v23  }
0x10d: {  	v11 =	vmovc v8;
	v56 =	vor.u32 v38, v32;
	v38 =	vor.u32 v38, v29;
	v34 =	vor.u32 v28, v46  }
0x10e: {  	v41 =	vld.idx.msk [tilespmem:v41+s22+$0x0], $0xffff;
	v35 =	vor.u32 v40, v29;
	v24 =	vor.u32 v60, v22;
	[tilespmem:v57+s12+$0x0] =	vst.idx.msk $0xffff, v48  }
0x10f: {  	v54 =	vor.u32 v30, v39;
	v55 =	vld.idx.msk [tilespmem:v58+s22+$0x0], $0xffff;
	v45 =	vor.u32 v60, v17;
	[tilespmem:v59+s12+$0x0] =	vst.idx.msk $0xffff, v44  }
0x110: {  	v58 =	vor.u32 v40, v33;
	v44 =	vshll.u32 v60, $0x7;
	[tilespmem:v61+s12+$0x0] =	vst.idx.msk $0xffff, v42;
	v42 =	vor.u32 v60, v21  }
0x111: {  	v6 =	vmov v2;
	v57 =	vor.u32 s13, v8;
	v49 =	vld.idx.msk [tilespmem:v53+s22+$0x0], $0xffff;
	[tilespmem:v62+s12+$0x0] =	vst.idx.msk $0xffff, v47;
	v47 =	vor.u32 v20, v44  }
0x112: {  	v39 =	vor.u32 v31, v39;
	v33 =	vor.u32 v30, v46;
	v59 =	vor.u32 v57, v23;
	v60 =	vld.idx.msk [tilespmem:v56+s22+$0x0], $0xffff  }
0x113: {  	[tilespmem:v43+s12+$0x0] =	vst.idx.msk $0xffff, v41;
	v43 =	vor.u32 v57, v22;
	v61 =	vld.idx.msk [tilespmem:v24+s22+$0x0], $0xffff;
	v62 =	vor.u32 v18, v44  }
0x114: {  	v32 =	vor.u32 v57, v17;
	v29 =	vld.idx.msk [tilespmem:v38+s22+$0x0], $0xffff;
	v30 =	vor.u32 v16, v44;
	[tilespmem:v54+s12+$0x0] =	vst.idx.msk $0xffff, v55  }
0x115: {  	v8 =	vmovc v5;
	v24 =	vor.u32 v31, v46;
	v44 =	vor.u32 v19, v44;
	v46 =	vshll.u32 v57, $0x7;
	v28 =	vld.idx.msk [tilespmem:v42+s22+$0x0], $0xffff  }
0x116: {  	v38 =	vor.u32 v57, v21;
	v31 =	vld.idx.msk [tilespmem:v45+s22+$0x0], $0xffff;
	v40 =	vor.u32 v16, v46;
	[tilespmem:v47+s12+$0x0] =	vst.idx.msk $0xffff, v49  }
0x117: {  	v5 =	vmov v1;
	v27 =	vor.u32 v20, v46;
	[tilespmem:v39+s12+$0x0] =	vst.idx.msk $0xffff, v60;
	v42 =	vor.u32 s13, v9;
	v45 =	vld.idx.msk [tilespmem:v59+s22+$0x0], $0xffff  }
0x118: {  	s14 =	sshrl.u32 s18, $0x3;
	s31 =	simm.s32 $0xC0;
	s4 =	simm.s32 $0x8;
	v41 =	vor.u32 v18, v46;
	[tilespmem:v62+s12+$0x0] =	vst.idx.msk $0xffff, v61;
	v39 =	vld.idx.msk [tilespmem:v58+s22+$0x0], $0xffff;
	v47 =	vor.u32 v42, v23  }
.LBB2_3:
0x119: {  	_ = 	snop  }
0x11a: {  	s25 =	sand.u32 $0x40, s31;
	v43 =	vld.idx.msk [tilespmem:v43+s22+$0x0], $0xffff;
	v48 =	vor.u32 v42, v22;
	[tilespmem:v44+s12+$0x0] =	vst.idx.msk $0xffff, v28  }
0x11b: {  	v58 =	vor.u32 v19, v46;
	v49 =	vor.u32 v42, v21;
	s24 =	sadd.s32 $0x8, s24;
	v59 =	vshll.u32 v42, $0x7;
	s1 =	sor.u32 $0x30, s25;
	[tilespmem:v30+s12+$0x0] =	vst.idx.msk $0xffff, v31  }
0x11c: {  	s2 =	sand.u32 $0x70, s24;
	s3 =	sor.u32 $0x10, s25;
	v53 =	vor.u32 v20, v59;
	v28 =	vor.u32 s25, v15;
	s25 =	sor.u32 $0x20, s25;
	v56 =	vld.idx.msk [tilespmem:v38+s22+$0x0], $0xffff;
	v38 =	vor.u32 s1, v15;
	[tilespmem:v27+s12+$0x0] =	vst.idx.msk $0xffff, v45  }
0x11d: {  	v52 =	vor.u32 s2, v15;
	v30 =	vor.u32 s25, v15;
	v50 =	vld.idx.msk [tilespmem:v32+s22+$0x0], $0xffff;
	[tilespmem:v37+s12+$0x0] =	vst.idx.msk $0xffff, v29;
	v37 =	vshll.u32 v38, $0x7  }
0x11e: {  	v27 =	vld.idx.msk [tilespmem:v36+s22+$0x0], $0xffff;
	[tilespmem:v33+s12+$0x0] =	vst.idx.msk $0xffff, v39;
	v33 =	vshll.u32 v30, $0x7;
	v57 =	vor.u32 v52, v37  }
0x11f: {  	v31 =	vshll.u32 v28, $0x7;
	v45 =	vld.idx.msk [tilespmem:v47+s22+$0x0], $0xffff;
	[tilespmem:v41+s12+$0x0] =	vst.idx.msk $0xffff, v43;
	v62 =	vor.u32 v52, v33  }
0x120: {  	v29 =	vor.u32 s3, v15;
	v47 =	vor.u32 s13, v13;
	v41 =	vor.u32 v52, v31;
	[tilespmem:v26+s12+$0x0] =	vst.idx.msk $0xffff, v25;
	v48 =	vld.idx.msk [tilespmem:v48+s22+$0x0], $0xffff  }
0x121: {  	v32 =	vshll.u32 v29, $0x7;
	v61 =	vor.u32 v47, v23;
	v25 =	vld.idx.msk [tilespmem:v35+s22+$0x0], $0xffff;
	[tilespmem:v58+s12+$0x0] =	vst.idx.msk $0xffff, v56  }
0x122: {  	v51 =	vor.u32 v42, v17;
	v44 =	vor.u32 v18, v59;
	v60 =	vor.u32 v52, v32;
	v46 =	vld.idx.msk [tilespmem:v49+s22+$0x0], $0xffff  }
0x123: {  	v42 =	vor.u32 v19, v59;
	v54 =	vor.u32 s2, v63;
	v58 =	vshll.u32 v52, $0x7;
	v36 =	vld.idx.msk [tilespmem:v57+s22+$0x0], $0xffff  }
0x124: {  	v26 =	vmov v34;
	v55 =	vshll.u32 v47, $0x7;
	[tilespmem:v40+s12+$0x0] =	vst.idx.msk $0xffff, v50;
	v34 =	vor.u32 v38, v58;
	v43 =	vld.idx.msk [tilespmem:v62+s22+$0x0], $0xffff  }
0x125: {  	v49 =	vor.u32 v30, v58;
	[tilespmem:v53+s12+$0x0] =	vst.idx.msk $0xffff, v45;
	v53 =	vor.u32 v54, v37;
	v41 =	vld.idx.msk [tilespmem:v41+s22+$0x0], $0xffff  }
0x126: {  	v40 =	vor.u32 v16, v59;
	v52 =	vor.u32 v28, v58;
	v59 =	vor.u32 v54, v33;
	v39 =	vld.idx.msk [tilespmem:v61+s22+$0x0], $0xffff  }
0x127: {  	v45 =	vor.u32 v29, v58;
	v35 =	vld.idx.msk [tilespmem:v60+s22+$0x0], $0xffff;
	v61 =	vor.u32 v54, v31;
	[tilespmem:v44+s12+$0x0] =	vst.idx.msk $0xffff, v48  }
0x128: {  	v1 =	vld [tilespmem:$0x1FFE0];
	v56 =	vor.u32 s13, v14;
	v57 =	vor.u32 v20, v55;
	v58 =	vor.u32 v54, v32;
	[tilespmem:v42+s12+$0x0] =	vst.idx.msk $0xffff, v46  }
0x129: {  	v50 =	vor.u32 v47, v22;
	v60 =	vor.u32 v56, v23;
	[tilespmem:v34+s12+$0x0] =	vst.idx.msk $0xffff, v36;
	v36 =	vld.idx.msk [tilespmem:v51+s22+$0x0], $0xffff  }
0x12a: {  	v44 =	vor.u32 v47, v21;
	v48 =	vshll.u32 v54, $0x7;
	[tilespmem:v49+s12+$0x0] =	vst.idx.msk $0xffff, v43;
	v51 =	vld.idx.msk [tilespmem:v53+s22+$0x0], $0xffff  }
0x12b: {  	v54 =	vor.u32 v38, v48;
	v42 =	vor.u32 v28, v48;
	[tilespmem:v52+s12+$0x0] =	vst.idx.msk $0xffff, v41;
	v52 =	vld.idx.msk [tilespmem:v59+s22+$0x0], $0xffff  }
0x12c: {  	v46 =	vor.u32 s2, v3;
	v41 =	vor.u32 v29, v48;
	[tilespmem:v45+s12+$0x0] =	vst.idx.msk $0xffff, v35;
	v59 =	vld.idx.msk [tilespmem:v61+s22+$0x0], $0xffff  }
0x12d: {  	[tilespmem:v57+s12+$0x0] =	vst.idx.msk $0xffff, v39;
	v35 =	vor.u32 v46, v37;
	v45 =	vshll.u32 v56, $0x7;
	v57 =	vld.idx.msk [tilespmem:v58+s22+$0x0], $0xffff  }
0x12e: {  	v43 =	vor.u32 s13, v1;
	v39 =	vld.idx.msk [tilespmem:v60+s22+$0x0], $0xffff;
	v49 =	vor.u32 v20, v45;
	v60 =	vor.u32 v46, v32  }
0x12f: {  	v48 =	vor.u32 v30, v48;
	v58 =	vor.u32 v43, v23;
	[tilespmem:v40+s12+$0x0] =	vst.idx.msk $0xffff, v36  }
0x130: {  	v62 =	vor.u32 v46, v31;
	v61 =	vor.u32 v46, v33;
	v46 =	vshll.u32 v46, $0x7;
	[tilespmem:v54+s12+$0x0] =	vst.idx.msk $0xffff, v51  }
0x131: {  	v53 =	vor.u32 v18, v55;
	v50 =	vld.idx.msk [tilespmem:v50+s22+$0x0], $0xffff;
	v1 =	vor.u32 v38, v46;
	[tilespmem:v42+s12+$0x0] =	vst.idx.msk $0xffff, v59  }
0x132: {  	v40 =	vor.u32 s2, v5;
	v42 =	vor.u32 v29, v46;
	v54 =	vld.idx.msk [tilespmem:v35+s22+$0x0], $0xffff;
	[tilespmem:v41+s12+$0x0] =	vst.idx.msk $0xffff, v57  }
0x133: {  	[tilespmem:v49+s12+$0x0] =	vst.idx.msk $0xffff, v39;
	v39 =	vor.u32 v40, v37;
	v35 =	vshll.u32 v43, $0x7;
	v49 =	vld.idx.msk [tilespmem:v60+s22+$0x0], $0xffff  }
0x134: {  	[tilespmem:v48+s12+$0x0] =	vst.idx.msk $0xffff, v52;
	v59 =	vor.u32 v40, v32;
	v41 =	vld.idx.msk [tilespmem:v58+s22+$0x0], $0xffff;
	v48 =	vor.u32 v20, v35  }
0x135: {  	v4 =	vmovc v3;
	v3 =	vmov v63;
	v63 =	vor.u32 v28, v46;
	v46 =	vor.u32 v30, v46;
	v52 =	vld.idx.msk [tilespmem:v61+s22+$0x0], $0xffff  }
0x136: {  	v36 =	vor.u32 s13, v0;
	v58 =	vld.idx.msk [tilespmem:v62+s22+$0x0], $0xffff;
	v60 =	vor.u32 v40, v33;
	[tilespmem:v53+s12+$0x0] =	vst.idx.msk $0xffff, v50  }
0x137: {  	v57 =	vor.u32 v36, v23;
	[tilespmem:v1+s12+$0x0] =	vst.idx.msk $0xffff, v54;
	v1 =	vld.idx.msk [tilespmem:v44+s22+$0x0], $0xffff  }
0x138: {  	v47 =	vor.u32 v47, v17;
	v51 =	vor.u32 v19, v55;
	v62 =	vld.idx.msk [tilespmem:v39+s22+$0x0], $0xffff;
	[tilespmem:v42+s12+$0x0] =	vst.idx.msk $0xffff, v49  }
0x139: {  	v61 =	vor.u32 v40, v31;
	v54 =	vshll.u32 v40, $0x7;
	[tilespmem:v48+s12+$0x0] =	vst.idx.msk $0xffff, v41;
	v48 =	vld.idx.msk [tilespmem:v59+s22+$0x0], $0xffff  }
0x13a: {  	v53 =	vor.u32 s2, v6;
	[tilespmem:v46+s12+$0x0] =	vst.idx.msk $0xffff, v52;
	v50 =	vor.u32 v28, v54;
	v2 =	vor.u32 v38, v54;
	v59 =	vld [tilespmem:$0x1FFF0]  }
0x13b: {  	v39 =	vshll.u32 v36, $0x7;
	v49 =	vor.u32 v29, v54;
	v52 =	vld.idx.msk [tilespmem:v60+s22+$0x0], $0xffff;
	v54 =	vor.u32 v30, v54  }
0x13c: {  	v41 =	vor.u32 v53, v37;
	v42 =	vld.idx.msk [tilespmem:v57+s22+$0x0], $0xffff;
	v46 =	vor.u32 v20, v39  }
0x13d: {  	[tilespmem:v63+s12+$0x0] =	vst.idx.msk $0xffff, v58;
	v60 =	vor.u32 v53, v33  }
0x13e: {  	v34 =	vor.u32 v16, v55;
	v44 =	vor.u32 v56, v21;
	v58 =	vld.idx.msk [tilespmem:v61+s22+$0x0], $0xffff;
	[tilespmem:v51+s12+$0x0] =	vst.idx.msk $0xffff, v1  }
0x13f: {  	v55 =	vor.u32 v56, v22;
	v61 =	vor.u32 v53, v31;
	[tilespmem:v2+s12+$0x0] =	vst.idx.msk $0xffff, v62;
	v40 =	vor.u32 s13, v59  }
0x140: {  	v56 =	vor.u32 v56, v17;
	v2 =	vld.idx.msk [tilespmem:v47+s22+$0x0], $0xffff;
	[tilespmem:v54+s12+$0x0] =	vst.idx.msk $0xffff, v52;
	v57 =	vor.u32 v40, v23  }
0x141: {  	v47 =	vor.u32 v16, v45;
	v59 =	vor.u32 v53, v32;
	v41 =	vld.idx.msk [tilespmem:v41+s22+$0x0], $0xffff;
	[tilespmem:v46+s12+$0x0] =	vst.idx.msk $0xffff, v42  }
0x142: {  	v62 =	vor.u32 v18, v45;
	s13 =	smov.u32 s2;
	v53 =	vshll.u32 v53, $0x7;
	[tilespmem:v49+s12+$0x0] =	vst.idx.msk $0xffff, v48;
	v54 =	vld.idx.msk [tilespmem:v60+s22+$0x0], $0xffff  }
0x143: {  	[tilespmem:v50+s12+$0x0] =	vst.idx.msk $0xffff, v58;
	v44 =	vld.idx.msk [tilespmem:v44+s22+$0x0], $0xffff;
	v23 =	vmov v37;
	v37 =	vor.u32 s13, v10;
	v51 =	vor.u32 v38, v53  }
0x144: {  	v1 =	vor.u32 v28, v53;
	v46 =	vshll.u32 v40, $0x7;
	v58 =	vld.idx.msk [tilespmem:v61+s22+$0x0], $0xffff;
	v42 =	vor.u32 v37, v23  }
0x145: {  	v52 =	vor.u32 v20, v46;
	v50 =	vor.u32 v37, v32;
	v60 =	vor.u32 v37, v33;
	v48 =	vld.idx.msk [tilespmem:v57+s22+$0x0], $0xffff  }
0x146: {  	v20 =	vmov v38;
	v49 =	vld.idx.msk [tilespmem:v59+s22+$0x0], $0xffff;
	v59 =	vor.u32 v37, v31;
	v57 =	vor.u32 v29, v53  }
0x147: {  	[tilespmem:v34+s12+$0x0] =	vst.idx.msk $0xffff, v2;
	v2 =	vld.idx.msk [tilespmem:v55+s22+$0x0], $0xffff;
	v34 =	vor.u32 v43, v22;
	v53 =	vor.u32 v30, v53  }
0x148: {  	v37 =	vshll.u32 v37, $0x7;
	[tilespmem:v51+s12+$0x0] =	vst.idx.msk $0xffff, v41;
	v41 =	vor.u32 v19, v45;
	v45 =	vor.u32 v43, v17  }
0x149: {  	v43 =	vor.u32 v43, v21;
	v55 =	vor.u32 v20, v37;
	[tilespmem:v1+s12+$0x0] =	vst.idx.msk $0xffff, v58;
	v42 =	vld.idx.msk [tilespmem:v42+s22+$0x0], $0xffff  }
0x14a: {  	v38 =	vor.u32 v28, v37;
	v51 =	vor.u32 s13, v12;
	v58 =	vor.u32 v16, v35;
	[tilespmem:v52+s12+$0x0] =	vst.idx.msk $0xffff, v48  }
0x14b: {  	v61 =	vor.u32 v51, v23;
	v1 =	vor.u32 v51, v31;
	[tilespmem:v57+s12+$0x0] =	vst.idx.msk $0xffff, v49;
	v57 =	vld.idx.msk [tilespmem:v59+s22+$0x0], $0xffff  }
0x14c: {  	v48 =	vor.u32 v29, v37;
	v52 =	vor.u32 v51, v32;
	[tilespmem:v53+s12+$0x0] =	vst.idx.msk $0xffff, v54;
	v50 =	vld.idx.msk [tilespmem:v50+s22+$0x0], $0xffff  }
0x14d: {  	v37 =	vor.u32 v30, v37;
	v54 =	vor.u32 v51, v33;
	v53 =	vld.idx.msk [tilespmem:v60+s22+$0x0], $0xffff;
	[tilespmem:v62+s12+$0x0] =	vst.idx.msk $0xffff, v2  }
0x14e: {  	v59 =	vor.u32 v36, v21;
	v2 =	vor.u32 v18, v35;
	[tilespmem:v55+s12+$0x0] =	vst.idx.msk $0xffff, v42;
	v42 =	vld.idx.msk [tilespmem:v56+s22+$0x0], $0xffff  }
0x14f: {  	v55 =	vor.u32 v36, v22;
	v56 =	vor.u32 v19, v35;
	[tilespmem:v41+s12+$0x0] =	vst.idx.msk $0xffff, v44  }
0x150: {  	v35 =	vshll.u32 v51, $0x7;
	v51 =	vor.u32 v36, v17;
	v36 =	vor.u32 s13, v7;
	v49 =	vld.idx.msk [tilespmem:v61+s22+$0x0], $0xffff;
	[tilespmem:v38+s12+$0x0] =	vst.idx.msk $0xffff, v57  }
0x151: {  	v60 =	vor.u32 v28, v35;
	v61 =	vor.u32 v20, v35;
	[tilespmem:v48+s12+$0x0] =	vst.idx.msk $0xffff, v50;
	v1 =	vld.idx.msk [tilespmem:v1+s22+$0x0], $0xffff  }
0x152: {  	v41 =	vor.u32 v29, v35;
	v44 =	vor.u32 v36, v23;
	[tilespmem:v37+s12+$0x0] =	vst.idx.msk $0xffff, v53;
	v48 =	vld.idx.msk [tilespmem:v34+s22+$0x0], $0xffff  }
0x153: {  	v62 =	vor.u32 v36, v32;
	v38 =	vor.u32 v36, v31;
	[tilespmem:v47+s12+$0x0] =	vst.idx.msk $0xffff, v42;
	v34 =	vld.idx.msk [tilespmem:v52+s22+$0x0], $0xffff  }
0x154: {  	v37 =	vor.u32 v16, v39;
	v42 =	vor.u32 v18, v39;
	v52 =	vor.u32 v30, v35;
	v53 =	vld.idx.msk [tilespmem:v54+s22+$0x0], $0xffff  }
0x155: {  	v39 =	vor.u32 v19, v39;
	v47 =	vshll.u32 v36, $0x7;
	v54 =	vor.u32 v36, v33;
	v45 =	vld.idx.msk [tilespmem:v45+s22+$0x0], $0xffff  }
0x156: {  	[tilespmem:v61+s12+$0x0] =	vst.idx.msk $0xffff, v49;
	v49 =	vor.u32 v40, v22;
	v43 =	vld.idx.msk [tilespmem:v43+s22+$0x0], $0xffff;
	v35 =	vor.u32 v40, v17  }
0x157: {  	v36 =	vor.u32 v40, v21;
	v57 =	vor.u32 v20, v47;
	v44 =	vld.idx.msk [tilespmem:v44+s22+$0x0], $0xffff;
	[tilespmem:v60+s12+$0x0] =	vst.idx.msk $0xffff, v1  }
0x158: {  	v17 =	vmovc v31;
	v31 =	vor.u32 v28, v47;
	v40 =	vor.u32 s13, v8;
	v22 =	vmov v32;
	[tilespmem:v41+s12+$0x0] =	vst.idx.msk $0xffff, v34  }
0x159: {  	v32 =	vor.u32 v29, v47;
	v41 =	vor.u32 v40, v23;
	[tilespmem:v52+s12+$0x0] =	vst.idx.msk $0xffff, v53;
	v50 =	vld.idx.msk [tilespmem:v62+s22+$0x0], $0xffff  }
0x15a: {  	v47 =	vor.u32 v30, v47;
	v61 =	vor.u32 v40, v22;
	v38 =	vld.idx.msk [tilespmem:v38+s22+$0x0], $0xffff;
	[tilespmem:v58+s12+$0x0] =	vst.idx.msk $0xffff, v45  }
0x15b: {  	v21 =	vmov v33;
	v33 =	vor.u32 v18, v46;
	v18 =	vmov v29;
	v52 =	vld.idx.msk [tilespmem:v54+s22+$0x0], $0xffff;
	[tilespmem:v2+s12+$0x0] =	vst.idx.msk $0xffff, v48  }
0x15c: {  	v1 =	vor.u32 v40, v17;
	v53 =	vor.u32 v40, v21;
	[tilespmem:v57+s12+$0x0] =	vst.idx.msk $0xffff, v44;
	v2 =	vld.idx.msk [tilespmem:v55+s22+$0x0], $0xffff  }
0x15d: {  	v34 =	vor.u32 v16, v46;
	v16 =	vmovc v28;
	v28 =	vshll.u32 v40, $0x7;
	v40 =	vor.u32 s13, v11;
	[tilespmem:v56+s12+$0x0] =	vst.idx.msk $0xffff, v43  }
0x15e: {  	v48 =	vor.u32 v19, v46;
	v29 =	vld.idx.msk [tilespmem:v41+s22+$0x0], $0xffff;
	v41 =	vor.u32 v20, v28;
	[tilespmem:v32+s12+$0x0] =	vst.idx.msk $0xffff, v50  }
0x15f: {  	s4 =	sadd.s32 $0x4, s4;
	v57 =	vor.u32 v18, v28;
	v58 =	vor.u32 v40, v23;
	[tilespmem:v31+s12+$0x0] =	vst.idx.msk $0xffff, v38;
	v62 =	vld.idx.msk [tilespmem:v61+s22+$0x0], $0xffff  }
0x160: {  	p1 =	slt.u32 s4, $0x3C;
	v63 =	vmov v3;
	v19 =	vmov v30;
	v30 =	vor.u32 v16, v28;
	v60 =	vld.idx.msk [tilespmem:v59+s22+$0x0], $0xffff;
	[tilespmem:v47+s12+$0x0] =	vst.idx.msk $0xffff, v52  }
.Ltmp0:
0x161: {  	v3 =	vmov v4;
	v43 =	vor.u32 v40, v22;
	v46 =	vshll.u32 v40, $0x7;
	v31 =	vld.idx.msk [tilespmem:v1+s22+$0x0], $0xffff;
	[tilespmem:v42+s12+$0x0] =	vst.idx.msk $0xffff, v2;
	(pc) =	sbr.rel @p1 .LBB2_3-.Ltmp0, $4  }
0x162: {  	v44 =	vor.u32 v19, v28;
	v38 =	vor.u32 v40, v21;
	v28 =	vld.idx.msk [tilespmem:v53+s22+$0x0], $0xffff;
	[tilespmem:v24+s12+$0x0] =	vst.idx.msk $0xffff, v27  }
0x163: {  	v32 =	vor.u32 v40, v17;
	v40 =	vor.u32 v16, v46;
	[tilespmem:v41+s12+$0x0] =	vst.idx.msk $0xffff, v29;
	v29 =	vld.idx.msk [tilespmem:v51+s22+$0x0], $0xffff  }
0x164: {  	v24 =	vmov v48;
	v42 =	vor.u32 s13, v9;
	v27 =	vor.u32 v20, v46;
	v45 =	vld.idx.msk [tilespmem:v58+s22+$0x0], $0xffff;
	[tilespmem:v57+s12+$0x0] =	vst.idx.msk $0xffff, v62  }
0x165: {  	s31 =	sadd.s32 $0x40, s31;
	[tilespmem:v39+s12+$0x0] =	vst.idx.msk $0xffff, v60;
	v47 =	vor.u32 v42, v23;
	v41 =	vor.u32 v18, v46;
	v39 =	vld.idx.msk [tilespmem:v49+s22+$0x0], $0xffff  }
0x166: {  	_ =	sdelay $0x3  }
0x167: {  	[tilespmem:v30+s12+$0x0] =	vst.idx.msk $0xffff, v31  }
0x168: {  	v43 =	vld.idx.msk [tilespmem:v43+s22+$0x0], $0xffff;
	[tilespmem:v44+s12+$0x0] =	vst.idx.msk $0xffff, v28  }
0x169: {  	v1 =	vshll.u32 v42, $0x7;
	v46 =	vor.u32 v19, v46;
	v30 =	vld.idx.msk [tilespmem:v38+s22+$0x0], $0xffff;
	[tilespmem:v27+s12+$0x0] =	vst.idx.msk $0xffff, v45  }
0x16a: {  	v60 =	vor.u32 v42, v22;
	v59 =	vor.u32 v20, v1;
	v27 =	vor.u32 s13, v13;
	v2 =	vld.idx.msk [tilespmem:v47+s22+$0x0], $0xffff  }
0x16b: {  	v28 =	vor.u32 v27, v23;
	_ =	sdelay $0x1  }
0x16c: {  	[tilespmem:v41+s12+$0x0] =	vst.idx.msk $0xffff, v43  }
0x16d: {  	v31 =	vor.u32 v42, v21;
	v61 =	vor.u32 v42, v17;
	v32 =	vld.idx.msk [tilespmem:v32+s22+$0x0], $0xffff;
	[tilespmem:v46+s12+$0x0] =	vst.idx.msk $0xffff, v30  }
0x16e: {  	v43 =	vld.idx.msk [tilespmem:v60+s22+$0x0], $0xffff;
	v30 =	vor.u32 v18, v1;
	[tilespmem:v59+s12+$0x0] =	vst.idx.msk $0xffff, v2;
	v2 =	vshll.u32 v27, $0x7  }
0x16f: {  	v28 =	vld.idx.msk [tilespmem:v28+s22+$0x0], $0xffff;
	v48 =	vor.u32 v20, v2;
	_ =	sdelay $0x2  }
0x170: {  	v51 =	vor.u32 v19, v1;
	v50 =	vor.u32 v27, v22;
	[tilespmem:v40+s12+$0x0] =	vst.idx.msk $0xffff, v32;
	v31 =	vld.idx.msk [tilespmem:v31+s22+$0x0], $0xffff  }
0x171: {  	v52 =	vor.u32 v27, v21;
	v1 =	vor.u32 v16, v1;
	v38 =	vld.idx.msk [tilespmem:v61+s22+$0x0], $0xffff;
	[tilespmem:v30+s12+$0x0] =	vst.idx.msk $0xffff, v43  }
0x172: {  	v62 =	vor.u32 s13, v14;
	v27 =	vor.u32 v27, v17;
	[tilespmem:v48+s12+$0x0] =	vst.idx.msk $0xffff, v28  }
0x173: {  	v4 =	vmov v5;
	v49 =	vor.u32 v62, v23;
	v5 =	vld [tilespmem:$0x1FFE0];
	_ =	sdelay $0x1  }
0x174: {  	v55 =	vor.u32 v18, v2;
	v32 =	vld.idx.msk [tilespmem:v50+s22+$0x0], $0xffff;
	[tilespmem:v51+s12+$0x0] =	vst.idx.msk $0xffff, v31  }
0x175: {  	v56 =	vor.u32 v19, v2;
	[tilespmem:v1+s12+$0x0] =	vst.idx.msk $0xffff, v38;
	v1 =	vor.u32 v62, v22;
	v57 =	vld.idx.msk [tilespmem:v52+s22+$0x0], $0xffff  }
0x176: {  	v58 =	vor.u32 v62, v21;
	v2 =	vor.u32 v16, v2;
	v28 =	vshll.u32 v62, $0x7;
	v27 =	vld.idx.msk [tilespmem:v27+s22+$0x0], $0xffff  }
0x177: {  	v41 =	vor.u32 v62, v17;
	v30 =	vld.idx.msk [tilespmem:v49+s22+$0x0], $0xffff;
	v54 =	vor.u32 v20, v28;
	v53 =	vor.u32 s13, v5  }
0x178: {  	v31 =	vor.u32 v53, v23  }
0x179: {  	[tilespmem:v55+s12+$0x0] =	vst.idx.msk $0xffff, v32  }
0x17a: {  	v62 =	vor.u32 v18, v28;
	v1 =	vld.idx.msk [tilespmem:v1+s22+$0x0], $0xffff;
	[tilespmem:v56+s12+$0x0] =	vst.idx.msk $0xffff, v57  }
0x17b: {  	[tilespmem:v2+s12+$0x0] =	vst.idx.msk $0xffff, v27;
	v27 =	vor.u32 v19, v28;
	v38 =	vld.idx.msk [tilespmem:v58+s22+$0x0], $0xffff  }
0x17c: {  	[tilespmem:v54+s12+$0x0] =	vst.idx.msk $0xffff, v30;
	v30 =	vshll.u32 v53, $0x7;
	v28 =	vor.u32 v16, v28;
	v41 =	vld.idx.msk [tilespmem:v41+s22+$0x0], $0xffff  }
0x17d: {  	v2 =	vor.u32 v53, v22;
	v60 =	vor.u32 v20, v30;
	v31 =	vld.idx.msk [tilespmem:v31+s22+$0x0], $0xffff  }
0x17e: {  	[tilespmem:v37+s12+$0x0] =	vst.idx.msk $0xffff, v29  }
0x17f: {  	v48 =	vor.u32 v53, v21;
	[tilespmem:v62+s12+$0x0] =	vst.idx.msk $0xffff, v1  }
0x180: {  	v42 =	vor.u32 v53, v17;
	[tilespmem:v27+s12+$0x0] =	vst.idx.msk $0xffff, v38  }
0x181: {  	[tilespmem:v28+s12+$0x0] =	vst.idx.msk $0xffff, v41  }
0x182: {  	v59 =	vor.u32 s13, v0;
	v2 =	vld.idx.msk [tilespmem:v2+s22+$0x0], $0xffff;
	[tilespmem:v60+s12+$0x0] =	vst.idx.msk $0xffff, v31  }
0x183: {  	v61 =	vor.u32 v59, v23;
	v1 =	vor.u32 v18, v30;
	v62 =	vld [tilespmem:$0x1FFF0]  }
0x184: {  	v50 =	vor.u32 v19, v30;
	v27 =	vor.u32 v59, v22;
	v28 =	vld.idx.msk [tilespmem:v48+s22+$0x0], $0xffff  }
0x185: {  	v51 =	vor.u32 v59, v21;
	v30 =	vor.u32 v16, v30;
	v41 =	vld.idx.msk [tilespmem:v42+s22+$0x0], $0xffff  }
0x186: {  	v52 =	vor.u32 v59, v17  }
0x187: {  	v31 =	vshll.u32 v59, $0x7  }
0x188: {  	v32 =	vld.idx.msk [tilespmem:v61+s22+$0x0], $0xffff;
	v49 =	vor.u32 v20, v31;
	[tilespmem:v1+s12+$0x0] =	vst.idx.msk $0xffff, v2;
	v29 =	vor.u32 s13, v62  }
0x189: {  	v1 =	vor.u32 v18, v31;
	v2 =	vld.idx.msk [tilespmem:v27+s22+$0x0], $0xffff;
	[tilespmem:v50+s12+$0x0] =	vst.idx.msk $0xffff, v28;
	v23 =	vor.u32 v29, v23  }
0x18a: {  	v27 =	vor.u32 v19, v31;
	[tilespmem:v30+s12+$0x0] =	vst.idx.msk $0xffff, v41;
	v28 =	vld.idx.msk [tilespmem:v51+s22+$0x0], $0xffff;
	v22 =	vor.u32 v29, v22  }
0x18b: {  	v31 =	vor.u32 v16, v31;
	v53 =	vld.idx.msk [tilespmem:v52+s22+$0x0], $0xffff;
	v21 =	vor.u32 v29, v21  }
0x18c: {  	[tilespmem:v26+s12+$0x0] =	vst.idx.msk $0xffff, v25;
	v25 =	vld.idx.msk [tilespmem:v36+s22+$0x0], $0xffff;
	v17 =	vor.u32 v29, v17  }
0x18d: {  	v26 =	vld.idx.msk [tilespmem:v35+s22+$0x0], $0xffff;
	[tilespmem:v49+s12+$0x0] =	vst.idx.msk $0xffff, v32  }
0x18e: {  	[tilespmem:v1+s12+$0x0] =	vst.idx.msk $0xffff, v2;
	v23 =	vld.idx.msk [tilespmem:v23+s22+$0x0], $0xffff  }
0x18f: {  	s2 =	sadd.s32 s5, s29;
	v30 =	vshll.u32 v29, $0x7;
	[tilespmem:v27+s12+$0x0] =	vst.idx.msk $0xffff, v28;
	v2 =	vld.idx.msk [tilespmem:v22+s22+$0x0], $0xffff  }
0x190: {  	s13 =	sshrl.u32 s2, $0x3;
	v1 =	vor.u32 v18, v30;
	v18 =	vor.u32 v19, v30;
	[tilespmem:v31+s12+$0x0] =	vst.idx.msk $0xffff, v53;
	v19 =	vld.idx.msk [tilespmem:v21+s22+$0x0], $0xffff  }
0x191: {  	s4 =	ssub.s32 $0x0, s6;
	p1 =	slt.u32 s13, s8;
	v20 =	vor.u32 v20, v30;
	v17 =	vld.idx.msk [tilespmem:v17+s22+$0x0], $0xffff;
	s22 =	smov.u32 s17  }
0x192: {  	s22 =	smov.u32 @p1 s4  }
0x193: {  	[tilespmem:v33+s12+$0x0] =	vst.idx.msk $0xffff, v39;
	s4 =	sadd.s32 s14, s22  }
0x194: {  	[tilespmem:v24+s12+$0x0] =	vst.idx.msk $0xffff, v25;
	v16 =	vor.u32 v16, v30;
	s4 =	sshll.u32 s4, $0xC  }
0x195: {  	[tilespmem:v34+s12+$0x0] =	vst.idx.msk $0xffff, v26;
	s4 =	sand.u32 $0xFFFF8000, s4  }
0x196: {  	[tilespmem:v20+s12+$0x0] =	vst.idx.msk $0xffff, v23;
	s4 =	sor.u32 s16, s4  }
0x197: {  	[tilespmem:v1+s12+$0x0] =	vst.idx.msk $0xffff, v2;
	s4 =	sadd.s32 s28, s4  }
0x198: {  	[tilespmem:v18+s12+$0x0] =	vst.idx.msk $0xffff, v19;
	s4 =	sshra.s32 s4, $0x2  }
0x199: {  	[tilespmem:v16+s12+$0x0] =	vst.idx.msk $0xffff, v17;
	s31 =	sadd.s32 $0x4010, s4  }
0x19a: {  	v1 =	vld [tilespmem:s31+$0x0];
	_ =	sdelay $0x3  }
0x19b: {  	v2 =	vld [tilespmem:s31+$0xFFFFFFF0]  }
0x19c: {  	v16 =	vshll.u32 v1, $0x4;
	_ =	sdelay $0x3  }
0x19d: {  	v19 =	vshll.u32 v2, $0x4  }
0x19e: {  	v1 =	vld.idx.msk [tilespmem:v16+s23+$0x0], $0xffff  }
0x19f: {  	v2 =	vor.u32 $0x1, v16;
	_ =	sdelay $0x2  }
0x1a0: {  	v17 =	vld.idx.msk [tilespmem:v19+s23+$0x0], $0xffff  }
0x1a1: {  	v18 =	vor.u32 $0x1, v19;
	[tilespmem:s11+$0xFFFFFC10] =	vst v1  }
0x1a2: {  	v1 =	vld.idx.msk [tilespmem:v2+s23+$0x0], $0xffff  }
0x1a3: {  	v2 =	vor.u32 $0x2, v16;
	_ =	sdelay $0x1  }
0x1a4: {  	[tilespmem:s11+$0xFFFFFC00] =	vst v17  }
0x1a5: {  	v17 =	vld.idx.msk [tilespmem:v18+s23+$0x0], $0xffff  }
0x1a6: {  	v18 =	vor.u32 $0x2, v19;
	[tilespmem:s11+$0xFFFFFC90] =	vst v1  }
0x1a7: {  	v1 =	vld.idx.msk [tilespmem:v2+s23+$0x0], $0xffff  }
0x1a8: {  	v2 =	vor.u32 $0x3, v16;
	_ =	sdelay $0x1  }
0x1a9: {  	[tilespmem:s11+$0xFFFFFC80] =	vst v17  }
0x1aa: {  	v17 =	vld.idx.msk [tilespmem:v18+s23+$0x0], $0xffff  }
0x1ab: {  	v18 =	vor.u32 $0x3, v19;
	[tilespmem:s11+$0xFFFFFD10] =	vst v1  }
0x1ac: {  	v1 =	vld.idx.msk [tilespmem:v2+s23+$0x0], $0xffff  }
0x1ad: {  	v2 =	vor.u32 $0x4, v16;
	_ =	sdelay $0x1  }
0x1ae: {  	[tilespmem:s11+$0xFFFFFD00] =	vst v17  }
0x1af: {  	s1 =	sadd.s32 $0x20, s31;
	v17 =	vld.idx.msk [tilespmem:v18+s23+$0x0], $0xffff  }
0x1b0: {  	v20 =	vor.u32 $0x4, v19;
	v18 =	vld [tilespmem:s1+$0x0];
	[tilespmem:s11+$0xFFFFFD90] =	vst v1  }
0x1b1: {  	v1 =	vld.idx.msk [tilespmem:v2+s23+$0x0], $0xffff  }
0x1b2: {  	v2 =	vld [tilespmem:s1+$0xFFFFFFF0];
	_ =	sdelay $0x1  }
0x1b3: {  	v21 =	vor.u32 $0x5, v16;
	[tilespmem:s11+$0xFFFFFD80] =	vst v17  }
0x1b4: {  	v17 =	vshll.u32 v18, $0x4;
	v18 =	vld.idx.msk [tilespmem:v20+s23+$0x0], $0xffff  }
0x1b5: {  	v20 =	vor.u32 $0x5, v19  }
0x1b6: {  	v2 =	vshll.u32 v2, $0x4  }
0x1b7: {  	[tilespmem:s11+$0xFFFFFE10] =	vst v1  }
0x1b8: {  	v1 =	vld.idx.msk [tilespmem:v21+s23+$0x0], $0xffff  }
0x1b9: {  	v22 =	vor.u32 $0x6, v16;
	[tilespmem:s11+$0xFFFFFE00] =	vst v18;
	v21 =	vld.idx.msk [tilespmem:v17+s23+$0x0], $0xffff  }
0x1ba: {  	v18 =	vor.u32 $0x1, v17;
	v20 =	vld.idx.msk [tilespmem:v20+s23+$0x0], $0xffff  }
0x1bb: {  	v23 =	vor.u32 $0x6, v19;
	v24 =	vld.idx.msk [tilespmem:v2+s23+$0x0], $0xffff  }
0x1bc: {  	v25 =	vor.u32 $0x1, v2  }
0x1bd: {  	s4 =	sadd.s32 $0x20, s11;
	[tilespmem:s11+$0xFFFFFE90] =	vst v1  }
0x1be: {  	[tilespmem:s4+$0xFFFFFC10] =	vst v21;
	v1 =	vld.idx.msk [tilespmem:v22+s23+$0x0], $0xffff  }
0x1bf: {  	v21 =	vor.u32 $0x7, v16;
	[tilespmem:s11+$0xFFFFFE80] =	vst v20;
	v18 =	vld.idx.msk [tilespmem:v18+s23+$0x0], $0xffff  }
0x1c0: {  	v20 =	vor.u32 $0x2, v17;
	v22 =	vld.idx.msk [tilespmem:v23+s23+$0x0], $0xffff;
	[tilespmem:s4+$0xFFFFFC00] =	vst v24  }
0x1c1: {  	v23 =	vor.u32 $0x7, v19;
	v24 =	vld.idx.msk [tilespmem:v25+s23+$0x0], $0xffff  }
0x1c2: {  	v25 =	vor.u32 $0x2, v2  }
0x1c3: {  	[tilespmem:s11+$0xFFFFFF10] =	vst v1  }
0x1c4: {  	[tilespmem:s4+$0xFFFFFC90] =	vst v18;
	v1 =	vld.idx.msk [tilespmem:v21+s23+$0x0], $0xffff  }
0x1c5: {  	[tilespmem:s11+$0xFFFFFF00] =	vst v22;
	v18 =	vld.idx.msk [tilespmem:v20+s23+$0x0], $0xffff;
	v20 =	vor.u32 $0x8, v16  }
0x1c6: {  	v21 =	vor.u32 $0x3, v17;
	v22 =	vld.idx.msk [tilespmem:v23+s23+$0x0], $0xffff;
	[tilespmem:s4+$0xFFFFFC80] =	vst v24  }
0x1c7: {  	v23 =	vor.u32 $0x8, v19;
	v24 =	vld.idx.msk [tilespmem:v25+s23+$0x0], $0xffff  }
0x1c8: {  	v25 =	vor.u32 $0x3, v2  }
0x1c9: {  	[tilespmem:s11+$0xFFFFFF90] =	vst v1  }
0x1ca: {  	[tilespmem:s4+$0xFFFFFD10] =	vst v18;
	v1 =	vld.idx.msk [tilespmem:v20+s23+$0x0], $0xffff  }
0x1cb: {  	[tilespmem:s11+$0xFFFFFF80] =	vst v22;
	v18 =	vld.idx.msk [tilespmem:v21+s23+$0x0], $0xffff;
	v20 =	vor.u32 $0x9, v16  }
0x1cc: {  	s2 =	sshll.u32 s2, $0x7;
	v21 =	vor.u32 $0x4, v17;
	v22 =	vld.idx.msk [tilespmem:v23+s23+$0x0], $0xffff;
	[tilespmem:s4+$0xFFFFFD00] =	vst v24  }
0x1cd: {  	s16 =	sand.u32 $0x380, s2;
	s2 =	sadd.s32 $0x20, s1;
	v23 =	vld.idx.msk [tilespmem:v25+s23+$0x0], $0xffff  }
0x1ce: {  	v24 =	vor.u32 $0x9, v19;
	v25 =	vld [tilespmem:s2+$0x0]  }
0x1cf: {  	v26 =	vld [tilespmem:s2+$0xFFFFFFF0];
	[tilespmem:s11+$0x10] =	vst v1;
	v1 =	vor.u32 $0x4, v2  }
0x1d0: {  	[tilespmem:s4+$0xFFFFFD90] =	vst v18;
	v20 =	vld.idx.msk [tilespmem:v20+s23+$0x0], $0xffff  }
0x1d1: {  	v27 =	vor.u32 $0xA, v16;
	v21 =	vld.idx.msk [tilespmem:v21+s23+$0x0], $0xffff  }
0x1d2: {  	[tilespmem:s11+$0x0] =	vst v22;
	v22 =	vor.u32 $0x5, v17  }
0x1d3: {  	[tilespmem:s4+$0xFFFFFD80] =	vst v23;
	v23 =	vld.idx.msk [tilespmem:v24+s23+$0x0], $0xffff;
	v18 =	vshll.u32 v25, $0x4  }
0x1d4: {  	v24 =	vor.u32 $0xA, v19;
	v1 =	vld.idx.msk [tilespmem:v1+s23+$0x0], $0xffff  }
0x1d5: {  	v25 =	vor.u32 $0x5, v2;
	[tilespmem:s11+$0x90] =	vst v20  }
0x1d6: {  	v54 =	vshll.u32 v26, $0x4;
	[tilespmem:s4+$0xFFFFFE10] =	vst v21;
	v20 =	vld.idx.msk [tilespmem:v27+s23+$0x0], $0xffff  }
0x1d7: {  	v21 =	vld.idx.msk [tilespmem:v22+s23+$0x0], $0xffff;
	v22 =	vor.u32 $0xB, v16  }
0x1d8: {  	v26 =	vld.idx.msk [tilespmem:v18+s23+$0x0], $0xffff;
	[tilespmem:s11+$0x80] =	vst v23;
	v23 =	vor.u32 $0x6, v17  }
0x1d9: {  	[tilespmem:s4+$0xFFFFFE00] =	vst v1;
	v1 =	vld.idx.msk [tilespmem:v24+s23+$0x0], $0xffff;
	v24 =	vor.u32 $0x1, v18  }
0x1da: {  	v27 =	vor.u32 $0xB, v19;
	v25 =	vld.idx.msk [tilespmem:v25+s23+$0x0], $0xffff  }
0x1db: {  	v29 =	vld.idx.msk [tilespmem:v54+s23+$0x0], $0xffff;
	v28 =	vor.u32 $0x6, v2;
	[tilespmem:s11+$0x110] =	vst v20  }
0x1dc: {  	s24 =	sadd.s32 $0x20, s4;
	v20 =	vor.u32 $0x1, v54;
	[tilespmem:s4+$0xFFFFFE90] =	vst v21;
	v21 =	vld.idx.msk [tilespmem:v22+s23+$0x0], $0xffff  }
0x1dd: {  	[tilespmem:s24+$0xFFFFFC10] =	vst v26;
	v22 =	vld.idx.msk [tilespmem:v23+s23+$0x0], $0xffff;
	v23 =	vor.u32 $0xC, v16  }
0x1de: {  	v24 =	vld.idx.msk [tilespmem:v24+s23+$0x0], $0xffff;
	[tilespmem:s11+$0x100] =	vst v1;
	v1 =	vor.u32 $0x7, v17  }
0x1df: {  	v26 =	vor.u32 $0x2, v18;
	[tilespmem:s4+$0xFFFFFE80] =	vst v25;
	v25 =	vld.idx.msk [tilespmem:v27+s23+$0x0], $0xffff  }
0x1e0: {  	[tilespmem:s24+$0xFFFFFC00] =	vst v29;
	v27 =	vor.u32 $0xC, v19;
	v28 =	vld.idx.msk [tilespmem:v28+s23+$0x0], $0xffff  }
0x1e1: {  	v29 =	vor.u32 $0x7, v2;
	v20 =	vld.idx.msk [tilespmem:v20+s23+$0x0], $0xffff;
	[tilespmem:s11+$0x190] =	vst v21  }
0x1e2: {  	v31 =	vor.u32 $0x2, v54;
	[tilespmem:s4+$0xFFFFFF10] =	vst v22;
	v22 =	vld.idx.msk [tilespmem:v23+s23+$0x0], $0xffff  }
0x1e3: {  	v49 =	vmov v9;
	v9 =	vmov v12;
	v23 =	vor.u32 $0xD, v16;
	[tilespmem:s24+$0xFFFFFC90] =	vst v24;
	v1 =	vld.idx.msk [tilespmem:v1+s23+$0x0], $0xffff  }
0x1e4: {  	v12 =	vmovc v14;
	v14 =	vmovc v0;
	v0 =	vlaneseq.u32;
	v55 =	vor.u32 $0xD, v19;
	v56 =	vor.u32 $0x8, v17;
	v26 =	vld.idx.msk [tilespmem:v26+s23+$0x0], $0xffff;
	[tilespmem:s11+$0x180] =	vst v25  }
0x1e5: {  	v42 =	vor.u32 $0xE, v16;
	v39 =	vor.u32 $0x4, v54;
	v59 =	vor.u32 $0x3, v18;
	[tilespmem:s4+$0xFFFFFF00] =	vst v28;
	v41 =	vld.idx.msk [tilespmem:v27+s23+$0x0], $0xffff  }
0x1e6: {  	v60 =	vor.u32 $0x8, v2;
	v30 =	vor.u32 $0x9, v2;
	v24 =	vor.u32 $0xD, v2;
	[tilespmem:s24+$0xFFFFFC80] =	vst v20;
	v61 =	vld.idx.msk [tilespmem:v29+s23+$0x0], $0xffff  }
0x1e7: {  	v25 =	vor.u32 $0xC, v2;
	v28 =	vor.u32 $0xA, v2;
	v27 =	vor.u32 $0xB, v2;
	v48 =	vld.idx.msk [tilespmem:v31+s23+$0x0], $0xffff;
	[tilespmem:s11+$0x210] =	vst v22  }
0x1e8: {  	v20 =	vor.u32 $0xF, v2;
	v22 =	vor.u32 $0xE, v2;
	v2 =	vor.u32 $0x3, v54;
	[tilespmem:s4+$0xFFFFFF90] =	vst v1;
	v40 =	vld.idx.msk [tilespmem:v23+s23+$0x0], $0xffff  }
0x1e9: {  	v37 =	vor.u32 $0x5, v54;
	v36 =	vor.u32 $0x6, v54;
	v35 =	vor.u32 $0x7, v54;
	[tilespmem:s24+$0xFFFFFD10] =	vst v26;
	v43 =	vld.idx.msk [tilespmem:v56+s23+$0x0], $0xffff  }
0x1ea: {  	v57 =	vmovc v6;
	v58 =	vmovc v10;
	v34 =	vor.u32 $0x8, v54;
	v38 =	vor.u32 $0x9, v54;
	v33 =	vor.u32 $0xA, v54;
	v46 =	vld.idx.msk [tilespmem:v59+s23+$0x0], $0xffff;
	[tilespmem:s11+$0x200] =	vst v41  }
0x1eb: {  	v10 =	vmovc v13;
	v13 =	vmovc v5;
	v32 =	vor.u32 $0xE, v54;
	v45 =	vor.u32 $0x9, v17;
	v21 =	vor.u32 $0xE, v19;
	[tilespmem:s4+$0xFFFFFF80] =	vst v61;
	v41 =	vld.idx.msk [tilespmem:v55+s23+$0x0], $0xffff  }
0x1ec: {  	v5 =	vmovc v8;
	v8 =	vmovc v11;
	s28 =	sshll.u32 s26, $0xB;
	s26 =	simm.s32 $0x4;
	v19 =	vor.u32 $0xF, v19;
	v31 =	vor.u32 $0xB, v54;
	[tilespmem:s24+$0xFFFFFD00] =	vst v48;
	v48 =	vor.u32 $0x4, v18;
	v44 =	vld.idx.msk [tilespmem:v60+s23+$0x0], $0xffff  }
0x1ed: {  	v6 =	vmovc v9;
	v9 =	vmovc v49;
	s14 =	sor.u32 $0x1C000, s28;
	s22 =	smov.u32 s24;
	s2 =	sadd.s32 $0x20, s2;
	v29 =	vor.u32 $0xC, v54;
	v23 =	vor.u32 $0xF, v54;
	v26 =	vor.u32 $0xD, v54;
	v47 =	vld.idx.msk [tilespmem:v2+s23+$0x0], $0xffff  }
.LBB2_5:
0x1ee: {  	v1 =	vld [tilespmem:s2+$0x0];
	[tilespmem:s11+$0x290] =	vst v40  }
0x1ef: {  	s26 =	sadd.s32 $0x2, s26;
	[tilespmem:s4+$0x10] =	vst v43;
	v2 =	vld.idx.msk [tilespmem:v42+s23+$0x0], $0xffff  }
0x1f0: {  	p1 =	slt.u32 s26, $0x6;
	[tilespmem:s24+$0xFFFFFD90] =	vst v46;
	v40 =	vld.idx.msk [tilespmem:v45+s23+$0x0], $0xffff  }
0x1f1: {  	v42 =	vld.idx.msk [tilespmem:v48+s23+$0x0], $0xffff;
	[tilespmem:s11+$0x280] =	vst v41;
	v41 =	vor.u32 $0xF, v16;
	v16 =	vmov v17;
	v17 =	vmov v18  }
0x1f2: {  	v43 =	vld [tilespmem:s2+$0xFFFFFFF0];
	[tilespmem:s4+$0x0] =	vst v44;
	v44 =	vor.u32 $0xA, v16  }
0x1f3: {  	v45 =	vor.u32 $0x5, v17;
	[tilespmem:s24+$0xFFFFFD80] =	vst v47;
	v46 =	vld.idx.msk [tilespmem:v30+s23+$0x0], $0xffff;
	v30 =	vmov v38  }
0x1f4: {  	v18 =	vshll.u32 v1, $0x4;
	v1 =	vld.idx.msk [tilespmem:v39+s23+$0x0], $0xffff  }
0x1f5: {  	v47 =	vld.idx.msk [tilespmem:v21+s23+$0x0], $0xffff;
	[tilespmem:s11+$0x310] =	vst v2;
	v21 =	vmov v22;
	v22 =	vmov v32  }
0x1f6: {  	[tilespmem:s4+$0x90] =	vst v40;
	v2 =	vld.idx.msk [tilespmem:v41+s23+$0x0], $0xffff  }
0x1f7: {  	v40 =	vshll.u32 v43, $0x4;
	[tilespmem:s24+$0xFFFFFE10] =	vst v42;
	v41 =	vld.idx.msk [tilespmem:v44+s23+$0x0], $0xffff  }
0x1f8: {  	v42 =	vor.u32 $0x1, v40;
	v43 =	vor.u32 $0x2, v40;
	v49 =	vor.u32 $0x3, v40;
	v44 =	vld.idx.msk [tilespmem:v45+s23+$0x0], $0xffff  }
0x1f9: {  	v39 =	vor.u32 $0x4, v40;
	v32 =	vor.u32 $0x5, v40;
	v45 =	vld.idx.msk [tilespmem:v18+s23+$0x0], $0xffff;
	[tilespmem:s4+$0x80] =	vst v46;
	v46 =	vor.u32 $0xB, v16  }
0x1fa: {  	v48 =	vor.u32 $0x6, v40;
	v50 =	vor.u32 $0x7, v40;
	[tilespmem:s24+$0xFFFFFE00] =	vst v1;
	v1 =	vor.u32 $0x6, v17;
	v51 =	vld.idx.msk [tilespmem:v28+s23+$0x0], $0xffff;
	v28 =	vmovc v33  }
0x1fb: {  	v53 =	vor.u32 $0x1, v18;
	v52 =	vor.u32 $0x8, v40;
	v38 =	vor.u32 $0x9, v40;
	v54 =	vld.idx.msk [tilespmem:v37+s23+$0x0], $0xffff;
	[tilespmem:s11+$0x300] =	vst v47;
	v37 =	vmovc v32  }
0x1fc: {  	v55 =	vor.u32 $0xB, v40;
	v56 =	vor.u32 $0xC, v40;
	v33 =	vor.u32 $0xA, v40;
	v47 =	vld.idx.msk [tilespmem:v40+s23+$0x0], $0xffff;
	[tilespmem:s11+$0x390] =	vst v2  }
0x1fd: {  	v32 =	vor.u32 $0xE, v40;
	v2 =	vor.u32 $0xD, v40;
	[tilespmem:s4+$0x110] =	vst v41;
	v41 =	vld.idx.msk [tilespmem:v19+s23+$0x0], $0xffff;
	v19 =	vmovc v20;
	v20 =	vmovc v23;
	v23 =	vor.u32 $0xF, v40  }
0x1fe: {  	s24 =	sadd.s32 $0x20, s24;
	[tilespmem:s22+$0xFFFFFE90] =	vst v44;
	v40 =	vld.idx.msk [tilespmem:v46+s23+$0x0], $0xffff  }
0x1ff: {  	[tilespmem:s24+$0xFFFFFC10] =	vst v45;
	v1 =	vld.idx.msk [tilespmem:v1+s23+$0x0], $0xffff  }
0x200: {  	v45 =	vor.u32 $0xC, v16;
	v44 =	vld.idx.msk [tilespmem:v53+s23+$0x0], $0xffff;
	[tilespmem:s4+$0x100] =	vst v51  }
0x201: {  	v46 =	vor.u32 $0x7, v17;
	[tilespmem:s22+$0xFFFFFE80] =	vst v54;
	v51 =	vld.idx.msk [tilespmem:v27+s23+$0x0], $0xffff;
	v27 =	vmov v31;
	v31 =	vmov v55  }
0x202: {  	[tilespmem:s24+$0xFFFFFC00] =	vst v47;
	v47 =	vor.u32 $0x2, v18;
	v53 =	vld.idx.msk [tilespmem:v36+s23+$0x0], $0xffff;
	v36 =	vmov v48  }
0x203: {  	v42 =	vld.idx.msk [tilespmem:v42+s23+$0x0], $0xffff;
	[tilespmem:s11+$0x380] =	vst v41;
	s11 =	smov.u32 s4;
	s4 =	smov.u32 s22;
	s22 =	smov.u32 s24  }
0x204: {  	[tilespmem:s11+$0x190] =	vst v40  }
0x205: {  	[tilespmem:s4+$0xFFFFFF10] =	vst v1;
	v1 =	vld.idx.msk [tilespmem:v45+s23+$0x0], $0xffff  }
0x206: {  	[tilespmem:s24+$0xFFFFFC90] =	vst v44;
	v40 =	vld.idx.msk [tilespmem:v46+s23+$0x0], $0xffff  }
0x207: {  	v44 =	vor.u32 $0xD, v16;
	v41 =	vld.idx.msk [tilespmem:v47+s23+$0x0], $0xffff;
	[tilespmem:s11+$0x180] =	vst v51  }
0x208: {  	v45 =	vor.u32 $0x8, v17;
	[tilespmem:s4+$0xFFFFFF00] =	vst v53;
	v47 =	vld.idx.msk [tilespmem:v25+s23+$0x0], $0xffff;
	v25 =	vmov v29;
	v29 =	vmov v56  }
0x209: {  	[tilespmem:s24+$0xFFFFFC80] =	vst v42;
	v42 =	vor.u32 $0x3, v18;
	v48 =	vld.idx.msk [tilespmem:v35+s23+$0x0], $0xffff;
	v35 =	vmov v50  }
0x20a: {  	v50 =	vld.idx.msk [tilespmem:v43+s23+$0x0], $0xffff  }
0x20b: {  	[tilespmem:s11+$0x210] =	vst v1  }
0x20c: {  	[tilespmem:s4+$0xFFFFFF90] =	vst v40;
	v40 =	vld.idx.msk [tilespmem:v44+s23+$0x0], $0xffff  }
.Ltmp1:
0x20d: {  	[tilespmem:s24+$0xFFFFFD10] =	vst v41;
	v43 =	vld.idx.msk [tilespmem:v45+s23+$0x0], $0xffff;
	(pc) =	sbr.rel @p1 .LBB2_5-.Ltmp1, $4  }
0x20e: {  	v46 =	vld.idx.msk [tilespmem:v42+s23+$0x0], $0xffff;
	[tilespmem:s11+$0x200] =	vst v47;
	v42 =	vor.u32 $0xE, v16  }
0x20f: {  	v45 =	vor.u32 $0x9, v17;
	[tilespmem:s4+$0xFFFFFF80] =	vst v48;
	v41 =	vld.idx.msk [tilespmem:v24+s23+$0x0], $0xffff;
	v24 =	vmov v26;
	v26 =	vmov v2  }
0x210: {  	v48 =	vor.u32 $0x4, v18;
	[tilespmem:s24+$0xFFFFFD00] =	vst v50;
	v44 =	vld.idx.msk [tilespmem:v34+s23+$0x0], $0xffff;
	v34 =	vmov v52  }
0x211: {  	s2 =	sadd.s32 $0x20, s2;
	v47 =	vld.idx.msk [tilespmem:v49+s23+$0x0], $0xffff  }
0x212: {  	_ =	sdelay $0x2  }
0x213: {  	[tilespmem:s24+$0xFFFFFD90] =	vst v46  }
0x214: {  	v1 =	vld.idx.msk [tilespmem:v48+s23+$0x0], $0xffff;
	[tilespmem:s24+$0xFFFFFD80] =	vst v47  }
0x215: {  	v2 =	vor.u32 $0x5, v18;
	v39 =	vld.idx.msk [tilespmem:v39+s23+$0x0], $0xffff;
	_ =	sdelay $0x3  }
0x216: {  	[tilespmem:s24+$0xFFFFFE10] =	vst v1  }
0x217: {  	v1 =	vld.idx.msk [tilespmem:v2+s23+$0x0], $0xffff;
	[tilespmem:s24+$0xFFFFFE00] =	vst v39  }
0x218: {  	v2 =	vor.u32 $0x6, v18;
	v37 =	vld.idx.msk [tilespmem:v37+s23+$0x0], $0xffff;
	_ =	sdelay $0x3  }
0x219: {  	[tilespmem:s22+$0xFFFFFE90] =	vst v1  }
0x21a: {  	v1 =	vld.idx.msk [tilespmem:v2+s23+$0x0], $0xffff;
	[tilespmem:s22+$0xFFFFFE80] =	vst v37  }
0x21b: {  	v2 =	vor.u32 $0x7, v18;
	v36 =	vld.idx.msk [tilespmem:v36+s23+$0x0], $0xffff;
	_ =	sdelay $0x3  }
0x21c: {  	[tilespmem:s22+$0xFFFFFF10] =	vst v1  }
0x21d: {  	v1 =	vld.idx.msk [tilespmem:v2+s23+$0x0], $0xffff;
	[tilespmem:s22+$0xFFFFFF00] =	vst v36  }
0x21e: {  	v2 =	vor.u32 $0x8, v18;
	v35 =	vld.idx.msk [tilespmem:v35+s23+$0x0], $0xffff;
	_ =	sdelay $0x3  }
0x21f: {  	[tilespmem:s22+$0xFFFFFF90] =	vst v1  }
0x220: {  	v1 =	vld.idx.msk [tilespmem:v2+s23+$0x0], $0xffff;
	[tilespmem:s22+$0xFFFFFF80] =	vst v35  }
0x221: {  	v2 =	vor.u32 $0x9, v18;
	v34 =	vld.idx.msk [tilespmem:v34+s23+$0x0], $0xffff;
	_ =	sdelay $0x1  }
0x222: {  	[tilespmem:s4+$0x0] =	vst v44  }
0x223: {  	[tilespmem:s4+$0x10] =	vst v43;
	v30 =	vld.idx.msk [tilespmem:v30+s23+$0x0], $0xffff  }
0x224: {  	v52 =	vld.idx.msk [tilespmem:v45+s23+$0x0], $0xffff;
	[tilespmem:s22+$0x10] =	vst v1  }
0x225: {  	v53 =	vor.u32 $0xA, v17;
	v1 =	vld.idx.msk [tilespmem:v2+s23+$0x0], $0xffff;
	[tilespmem:s22+$0x0] =	vst v34  }
0x226: {  	v2 =	vor.u32 $0xA, v18;
	v34 =	vld.idx.msk [tilespmem:v38+s23+$0x0], $0xffff;
	_ =	sdelay $0x1  }
0x227: {  	[tilespmem:s4+$0x80] =	vst v30  }
0x228: {  	[tilespmem:s4+$0x90] =	vst v52;
	v28 =	vld.idx.msk [tilespmem:v28+s23+$0x0], $0xffff  }
0x229: {  	v35 =	vld.idx.msk [tilespmem:v53+s23+$0x0], $0xffff;
	[tilespmem:s22+$0x90] =	vst v1  }
0x22a: {  	v54 =	vor.u32 $0xB, v17;
	v1 =	vld.idx.msk [tilespmem:v2+s23+$0x0], $0xffff;
	[tilespmem:s22+$0x80] =	vst v34  }
0x22b: {  	v2 =	vor.u32 $0xB, v18;
	v33 =	vld.idx.msk [tilespmem:v33+s23+$0x0], $0xffff;
	_ =	sdelay $0x1  }
0x22c: {  	[tilespmem:s4+$0x100] =	vst v28  }
0x22d: {  	v27 =	vld.idx.msk [tilespmem:v27+s23+$0x0], $0xffff;
	[tilespmem:s4+$0x110] =	vst v35  }
0x22e: {  	v30 =	vld.idx.msk [tilespmem:v54+s23+$0x0], $0xffff;
	[tilespmem:s22+$0x110] =	vst v1  }
0x22f: {  	v55 =	vor.u32 $0xC, v17;
	v1 =	vld.idx.msk [tilespmem:v2+s23+$0x0], $0xffff;
	[tilespmem:s22+$0x100] =	vst v33  }
0x230: {  	v2 =	vor.u32 $0xC, v18;
	v31 =	vld.idx.msk [tilespmem:v31+s23+$0x0], $0xffff;
	_ =	sdelay $0x1  }
0x231: {  	[tilespmem:s4+$0x180] =	vst v27  }
0x232: {  	v25 =	vld.idx.msk [tilespmem:v25+s23+$0x0], $0xffff;
	[tilespmem:s4+$0x190] =	vst v30  }
0x233: {  	v28 =	vld.idx.msk [tilespmem:v55+s23+$0x0], $0xffff;
	[tilespmem:s22+$0x190] =	vst v1  }
0x234: {  	v56 =	vor.u32 $0xD, v17;
	v1 =	vld.idx.msk [tilespmem:v2+s23+$0x0], $0xffff;
	[tilespmem:s22+$0x180] =	vst v31  }
0x235: {  	v2 =	vor.u32 $0xD, v18;
	v29 =	vld.idx.msk [tilespmem:v29+s23+$0x0], $0xffff;
	_ =	sdelay $0x1  }
0x236: {  	[tilespmem:s4+$0x200] =	vst v25  }
0x237: {  	v24 =	vld.idx.msk [tilespmem:v24+s23+$0x0], $0xffff;
	[tilespmem:s4+$0x210] =	vst v28  }
0x238: {  	v27 =	vld.idx.msk [tilespmem:v56+s23+$0x0], $0xffff;
	[tilespmem:s22+$0x210] =	vst v1  }
0x239: {  	v59 =	vor.u32 $0xE, v17;
	v1 =	vld.idx.msk [tilespmem:v2+s23+$0x0], $0xffff;
	[tilespmem:s22+$0x200] =	vst v29  }
0x23a: {  	[tilespmem:s11+$0x290] =	vst v40;
	v2 =	vor.u32 $0xE, v18;
	v26 =	vld.idx.msk [tilespmem:v26+s23+$0x0], $0xffff  }
0x23b: {  	v60 =	vld.idx.msk [tilespmem:v42+s23+$0x0], $0xffff;
	[tilespmem:s11+$0x280] =	vst v41  }
0x23c: {  	v16 =	vor.u32 $0xF, v16;
	v21 =	vld.idx.msk [tilespmem:v21+s23+$0x0], $0xffff;
	[tilespmem:s4+$0x280] =	vst v24  }
0x23d: {  	v22 =	vld.idx.msk [tilespmem:v22+s23+$0x0], $0xffff;
	[tilespmem:s4+$0x290] =	vst v27  }
0x23e: {  	v25 =	vld.idx.msk [tilespmem:v59+s23+$0x0], $0xffff;
	[tilespmem:s22+$0x290] =	vst v1  }
0x23f: {  	v17 =	vor.u32 $0xF, v17;
	v1 =	vld.idx.msk [tilespmem:v2+s23+$0x0], $0xffff;
	[tilespmem:s22+$0x280] =	vst v26  }
0x240: {  	[tilespmem:s11+$0x310] =	vst v60;
	v2 =	vor.u32 $0xF, v18;
	v61 =	vld.idx.msk [tilespmem:v32+s23+$0x0], $0xffff  }
0x241: {  	v16 =	vld.idx.msk [tilespmem:v16+s23+$0x0], $0xffff;
	[tilespmem:s11+$0x300] =	vst v21  }
0x242: {  	v19 =	vld.idx.msk [tilespmem:v19+s23+$0x0], $0xffff;
	[tilespmem:s4+$0x300] =	vst v22  }
0x243: {  	v20 =	vld.idx.msk [tilespmem:v20+s23+$0x0], $0xffff;
	[tilespmem:s4+$0x310] =	vst v25  }
0x244: {  	v17 =	vld.idx.msk [tilespmem:v17+s23+$0x0], $0xffff;
	[tilespmem:s22+$0x310] =	vst v1  }
0x245: {  	v1 =	vld.idx.msk [tilespmem:v2+s23+$0x0], $0xffff;
	[tilespmem:s22+$0x300] =	vst v61  }
0x246: {  	s1 =	smul.u32 $0x24000, s13;
	[tilespmem:s11+$0x390] =	vst v16;
	v2 =	vld.idx.msk [tilespmem:v23+s23+$0x0], $0xffff  }
0x247: {  	s2 =	sshll.u32 s16, $0x3;
	s31 =	rddreg [dreg:$0x4];
	p1 =	seq.s32 s21, $0x2;
	[tilespmem:s11+$0x380] =	vst v19  }
0x248: {  	p2 =	seq.s32 s10, $0x2;
	s21 =	sadd.s32 $0x1, s21;
	s29 =	sadd.s32 $0x1, s29;
	[tilespmem:s4+$0x380] =	vst v20  }
0x249: {  	s21 =	simm.s32 @p1 $0x0;
	p1 =	sne.s32 s29, $0x32;
	s1 =	sor.u32 s1, s2;
	[tilespmem:s4+$0x390] =	vst v17  }
.Ltmp2:
0x24a: {  	p0 =	por !p0, !p0;
	s1 =	sshrl.u32 s1, $0x3;
	[tilespmem:s22+$0x390] =	vst v1;
	(pc) =	sbr.rel @p1 .LBB2_2-.Ltmp2, $4  }
0x24b: {  	s18 =	sadd.s32 $0x1, s18;
	s7 =	simm.s32 @p2 $0x0;
	s1 =	sadd.s32 s31, s1;
	[tilespmem:s22+$0x380] =	vst v2  }
0x24c: {  	[hbm4b:s1+s30] =	stream.strided.scatter [tilespmem:s12], [sflag:s9], $0x4000, s20, s30, $0x38;
	[tilespmem:$0x1D080] =	vst v63  }
0x24d: {  	s19 =	sadd.s32 $0x1, s19;
	s10 =	smov.u32 s7;
	s1 =	sadd.s32 $0x4000, s1  }
0x24e: {  	v1 =	vmov v4;
	v4 =	vmov v58;
	v2 =	vmov v57;
	[hbm4b:s1+s30] =	stream.strided.scatter [tilespmem:s14], [sflag:s9], $0x800, s20, s30, $0x38;
	[tilespmem:$0x1D080] =	vst v63  }
0x24f: {  	s1 =	simm.s32 $0x5  }
0x250: {  	_ =	swait.ge [sflag:s1], $0x4000  }
0x251: {  	[sflag:s1] =	ssyncset.done $0x0  }
0x252: {  	[sflag:s1] =	ssyncadd.s32 $0xFFFFC000  }
0x253: {  	_ =	swait.ge [sflag:s1], $0x800  }
0x254: {  	[sflag:s1] =	ssyncset.done $0x0  }
0x255: {  	s2 =	simm.s32 $0x6;
	[sflag:s1] =	ssyncadd.s32 $0xFFFFF800  }
0x256: {  	_ =	swait.ge [sflag:s2], $0x4000  }
0x257: {  	[sflag:s2] =	ssyncset.done $0x0  }
0x258: {  	[sflag:s2] =	ssyncadd.s32 $0xFFFFC000  }
0x259: {  	_ =	swait.ge [sflag:s2], $0x800  }
0x25a: {  	s3 =	rddreg [dreg:$0x10]  }
0x25b: {  	s31 =	rddreg [dreg:$0xd];
	s3 =	sadd.s32 $0x1, s3  }
0x25c: {  	p0 =	sne.s32 s3, s31  }
.Ltmp3:
0x25d: {  	_ = 	snop;
	(pc) =	sbr.rel @p0 .LBB2_1-.Ltmp3, $3  }
0x25e: {  	_ =	sdelay $0x1  }
0x25f: {  	[sflag:s2] =	ssyncset.done $0x0  }
0x260: {  	[sflag:s2] =	ssyncadd.s32 $0xFFFFF800  }
0x261: {  	_ =	sfence.sel $0x180000  }
0x262: {  	[bflag:$0x0] =	sbarrier.arrive $0xFFFF  }
0x263: {  	_ =	strace $0x90000047  }
0x264: {  	s0 =	stileid.u32;
	[bflag:$0x2] =	sbarrier.arrive $0xFFFF  }
0x265: {  	p0 =	sne.s32 s0, $0x0;
	s0 =	rddreg [dreg:$0x5]  }
0x266: {  	s0 =	sadd.s32 @!p0 $0x100000, s0  }
0x267: {  	[sflag:s0] =	ssyncadd.tile.s32 @!p0 $0x1;
	_ =	shalt  }
.Lfunc_end2:
_tile_overlayer_lowered:
.L_overlay_start_2:
0x268: {  	(tag) =	ssettag $0x2  }
0x269: {  	s0 =	rddreg [dreg:$0x0];
	s2 =	stileid.u32  }
0x26a: {  	s1 =	rddreg [dreg:$0x1];
	p0 =	sne.s32 s2, $0x0  }
0x26b: {  	s3 =	rddreg [dreg:$0x2];
	[bflag:$0x3] =	sbarrier.arrive $0xFFFF;
	s2 =	simm.s32 @!p0 $0x1C07  }
0x26c: {  	[timem:s3], [sflag:s2] =	dma.local @!p0 [hbm:s0], s1  }
0x26d: {  	s0 =	simm.s32 @!p0 $0x7  }
0x26e: {  	_ =	swait.ge @!p0 [sflag:s0], s1  }
0x26f: {  	s1 =	ssub.s32 @!p0 $0x0, s1;
	[sflag:s0] =	ssyncset.done @!p0 $0x0  }
0x270: {  	[sflag:s0] =	ssyncadd.s32 @!p0 s1  }
0x271: {  	[bflag:$0x3] =	sbarrier.arrive $0xFFFF  }
0x272: {  	_ =	shalt  }

</sc_bundles>
